<compile_context>
chip_gen: v7x
topology: tpu7x:2x2x1
jax: 0.10.2.dev20260603
libtpu: 0.0.44.dev20260713+nightly
codegen_flags: <defaults>
</compile_context>

<pallas_src>
import functools

import jax
import jax.numpy as jnp
from jax import lax
from jax.experimental import pallas as pl
from jax.experimental.pallas import tpu as pltpu
from jax.experimental.pallas import tpu_sc as plsc

N = 10000
E = 160000
F = 256
HF = 128
C = 10
G = 64
NC = 2
NS = 16
CHUNK = 128
EPT = E // NS
NCHK = -(-EPT // CHUNK)
EPT_PAD = NCHK * CHUNK
ZROWS = EPT_PAD // NS
NACC = NS * ZROWS


def _make_seg_sum():
    mesh = plsc.VectorSubcoreMesh(core_axis_name="c", subcore_axis_name="s",
                                  num_cores=NC, num_subcores=NS)

    @functools.partial(
        pl.kernel,
        out_type=jax.ShapeDtypeStruct((NC, N, HF), jnp.float32),
        mesh=mesh,
        scratch_types=[
            pltpu.VMEM((NCHK, CHUNK), jnp.int32),
            pltpu.VMEM((NCHK, CHUNK), jnp.int32),
            pltpu.VMEM((CHUNK, HF), jnp.float32),
            pltpu.VMEM_SHARED((NACC, HF), jnp.float32),
        ],
    )
    def seg_sum(x2, srcb, dstb, zeros, out, src_v, dst_v, buf, acc):
        c = lax.axis_index("c")
        s = lax.axis_index("s")
        pltpu.sync_copy(srcb.at[c, s], src_v)
        pltpu.sync_copy(dstb.at[s], dst_v)
        pltpu.sync_copy(zeros, acc.at[pl.ds(s * ZROWS, ZROWS)])
        plsc.subcore_barrier()

        @pl.loop(0, NCHK)
        def _(j):
            pltpu.sync_copy(x2.at[src_v.at[j]], buf)
            pltpu.sync_copy(buf, acc.at[dst_v.at[j]], add=True)

        plsc.subcore_barrier()
        @pl.when(s < NS - 1)
        def _():
            off = pl.multiple_of(s * ZROWS, 8)
            pltpu.sync_copy(acc.at[pl.ds(off, ZROWS)],
                            out.at[c, pl.ds(off, ZROWS)])

        @pl.when(s == NS - 1)
        def _():
            off = (NS - 1) * ZROWS
            pltpu.sync_copy(acc.at[pl.ds(off, N - off)],
                            out.at[c, pl.ds(off, N - off)])

    return seg_sum


_seg_sum_cache = []


def _seg_sum(*args):
    if not _seg_sum_cache:
        _seg_sum_cache.append(_make_seg_sum())
    return _seg_sum_cache[0](*args)


def _layer_body(res, x_ref, a_ref, wr_ref, ws_ref, br_ref, g_ref, be_ref, o_ref):
    y = (jnp.dot(a_ref[0], wr_ref[0], preferred_element_type=jnp.float32)
         + jnp.dot(a_ref[1], wr_ref[1], preferred_element_type=jnp.float32)
         + jnp.dot(x_ref[0], ws_ref[0], preferred_element_type=jnp.float32)
         + jnp.dot(x_ref[1], ws_ref[1], preferred_element_type=jnp.float32)
         + br_ref[...])
    m = jnp.mean(y, axis=0, keepdims=True)
    v = jnp.mean((y - m) ** 2, axis=0, keepdims=True)
    z = (y - m) / jnp.sqrt(v + 1e-5) * g_ref[...] + be_ref[...]
    z = jnp.maximum(z, 0.0)
    if res:
        o_ref[0] = z[:, :HF] + x_ref[0]
        o_ref[1] = z[:, HF:] + x_ref[1]
    else:
        o_ref[0] = z[:, :HF]
        o_ref[1] = z[:, HF:]


def _make_layer(res, interpret=False):
    return pl.pallas_call(
        functools.partial(_layer_body, res),
        out_shape=jax.ShapeDtypeStruct((NC, N, HF), jnp.float32),
        interpret=interpret,
    )


BSEG = 2000
NBSEG = N // BSEG


def _segmax_body(b_ref, x_ref, o_ref):
    i = pl.program_id(0)

    @pl.when(i == 0)
    def _():
        o_ref[...] = jnp.full((NC, G, HF), -jnp.inf, jnp.float32)

    b = b_ref[0]
    glo = b[0, 0]
    ghi = b[BSEG - 1, 0]

    def gbody(gg, carry):
        msk = b == gg
        for h in range(NC):
            val = jnp.where(msk, x_ref[h], -jnp.inf)
            red = jnp.max(val, axis=0, keepdims=True)
            cur = o_ref[h, pl.ds(gg, 1), :]
            o_ref[h, pl.ds(gg, 1), :] = jnp.maximum(cur, red)
        return carry

    lax.fori_loop(glo, ghi + 1, gbody, 0)


def _make_segmax(interpret=False):
    return pl.pallas_call(
        _segmax_body,
        grid=(NBSEG,),
        in_specs=[
            pl.BlockSpec((1, BSEG, 1), lambda i: (i, 0, 0)),
            pl.BlockSpec((NC, BSEG, HF), lambda i: (0, i, 0)),
        ],
        out_specs=pl.BlockSpec((NC, G, HF), lambda i: (0, 0, 0)),
        out_shape=jax.ShapeDtypeStruct((NC, G, HF), jnp.float32),
        interpret=interpret,
    )


def _mlp_body(h_ref, w1_ref, b1_ref, w2_ref, b2_ref, w3_ref, b3_ref, o_ref):
    t = (jnp.dot(h_ref[0], w1_ref[0], preferred_element_type=jnp.float32)
         + jnp.dot(h_ref[1], w1_ref[1], preferred_element_type=jnp.float32)
         + b1_ref[...])
    t = jnp.maximum(t, 0.0)
    t = jnp.dot(t, w2_ref[...], preferred_element_type=jnp.float32) + b2_ref[...]
    t = jnp.maximum(t, 0.0)
    u = jnp.dot(t, w3_ref[...], preferred_element_type=jnp.float32) + b3_ref[...]
    o_ref[...] = 1.0 / (1.0 + jnp.exp(-u))


def _make_mlp(interpret=False):
    return pl.pallas_call(
        _mlp_body,
        out_shape=jax.ShapeDtypeStruct((G, HF), jnp.float32),
        interpret=interpret,
    )


def kernel(x, edge_index, batch, Wr1, br1, Ws1, g1, be1, Wr2, br2, Ws2, g2, be2,
           Wr3, br3, Ws3, g3, be3, Wr4, br4, Ws4, g4, be4, Wr5, br5, Ws5, g5,
           be5, Wl1, bl1, Wl2, bl2, Wl3, bl3):
    f32 = jnp.float32
    src = edge_index[0]
    dst = edge_index[1]
    pad = EPT_PAD * NS - E
    src_p = jnp.concatenate([src, jnp.zeros((pad,), jnp.int32)])
    dst_p = jnp.concatenate([dst, jnp.full((pad,), N, jnp.int32)])
    dstb = dst_p.reshape(NS, NCHK, CHUNK)
    srcb = (src_p.reshape(1, NS, NCHK, CHUNK)
            + (jnp.arange(NC, dtype=jnp.int32) * N).reshape(NC, 1, 1, 1))
    zeros = jnp.zeros((ZROWS, HF), f32)

    def wsplit(W):
        return W.T.reshape(NC, HF, F)

    layers = [
        (wsplit(Wr1), wsplit(Ws1), br1.reshape(1, F), g1.reshape(1, F), be1.reshape(1, F)),
        (wsplit(Wr2), wsplit(Ws2), br2.reshape(1, F), g2.reshape(1, F), be2.reshape(1, F)),
        (wsplit(Wr3), wsplit(Ws3), br3.reshape(1, F), g3.reshape(1, F), be3.reshape(1, F)),
        (wsplit(Wr4), wsplit(Ws4), br4.reshape(1, F), g4.reshape(1, F), be4.reshape(1, F)),
        (wsplit(Wr5), wsplit(Ws5), br5.reshape(1, F), g5.reshape(1, F), be5.reshape(1, F)),
    ]

    X = x.reshape(N, NC, HF).transpose(1, 0, 2)
    for i, (wr, ws, br, g, be) in enumerate(layers):
        agg = _seg_sum(X.reshape(NC * N, HF), srcb, dstb, zeros)
        X = _make_layer(res=(i > 0))(X, agg, wr, ws, br, g, be)

    batch3 = batch.reshape(NBSEG, BSEG, 1)
    h2 = _make_segmax()(batch3, X)

    w1 = Wl1.T.reshape(NC, HF, F)
    w2 = Wl2.T
    w3 = jnp.zeros((F, HF), f32).at[:, :C].set(Wl3.T)
    b3 = jnp.zeros((1, HF), f32).at[0, :C].set(bl3)
    out = _make_mlp()(h2, w1, bl1.reshape(1, F), w2, bl2.reshape(1, F), w3, b3)
    return out[:, :C]

# --- scband reference (transcript-rebuilt; emitter-appended) ---
"""Pipeline reference for scband-gnn2-49933289783571 (READ-ONLY COPY).

The authoritative reference and input builder live on the scoring server;
editing this copy changes nothing except your own understanding.
"""

import jax, jax.numpy as jnp
import numpy as np

N = 10000
E = 160000
F = 256
D = 256
C = 10
G = 64

def _conv(x, src, dst, Wr, br, Ws):
    # PyG GraphConv: out = lin_rel(sum_{j->i} x_j) + lin_root(x), lin_root has no bias
    agg = jax.ops.segment_sum(x[src], dst, num_segments=N)
    return agg @ Wr.T + br + x @ Ws.T

def _bn(x, g, b):
    m = jnp.mean(x, axis=0)
    v = jnp.var(x, axis=0)
    return (x - m) / jnp.sqrt(v + 1e-5) * g + b

def setup_inputs(seed: int = 0):
    key = jax.random.key(seed)
    ks = jax.random.split(key, 40)
    inp = {}
    inp["x"] = jax.random.normal(ks[0], (N, F), dtype=jnp.float32)
    inp["edge_index"] = jax.random.randint(ks[1], (2, E), 0, N, dtype=jnp.int32)
    inp["batch"] = jnp.sort(jax.random.randint(ks[2], (N,), 0, G, dtype=jnp.int32))
    dims_in = [F, D, D, D, D]
    for i in range(5):
        di = dims_in[i]
        s = 1.0 / np.sqrt(di)
        inp[f"Wr{i+1}"] = jax.random.uniform(ks[3 + 3 * i], (D, di), jnp.float32, -s, s)
        inp[f"br{i+1}"] = jax.random.uniform(ks[4 + 3 * i], (D,), jnp.float32, -s, s)
        inp[f"Ws{i+1}"] = jax.random.uniform(ks[5 + 3 * i], (D, di), jnp.float32, -s, s)
        inp[f"g{i+1}"] = jnp.ones((D,), jnp.float32)
        inp[f"be{i+1}"] = jnp.zeros((D,), jnp.float32)
    s = 1.0 / np.sqrt(D)
    inp["Wl1"] = jax.random.uniform(ks[20], (D, D), jnp.float32, -s, s)
    inp["bl1"] = jax.random.uniform(ks[21], (D,), jnp.float32, -s, s)
    inp["Wl2"] = jax.random.uniform(ks[22], (D, D), jnp.float32, -s, s)
    inp["bl2"] = jax.random.uniform(ks[23], (D,), jnp.float32, -s, s)
    inp["Wl3"] = jax.random.uniform(ks[24], (C, D), jnp.float32, -s, s)
    inp["bl3"] = jax.random.uniform(ks[25], (C,), jnp.float32, -s, s)
    return inp

def reference(x, edge_index, batch, Wr1, br1, Ws1, g1, be1, Wr2, br2, Ws2, g2, be2, Wr3, br3, Ws3, g3, be3, Wr4, br4, Ws4, g4, be4, Wr5, br5, Ws5, g5, be5, Wl1, bl1, Wl2, bl2, Wl3, bl3):
    src = edge_index[0]
    dst = edge_index[1]
    relu = jax.nn.relu
    x1 = relu(_bn(_conv(x, src, dst, Wr1, br1, Ws1), g1, be1))
    x2 = relu(_bn(_conv(x1, src, dst, Wr2, br2, Ws2), g2, be2)) + x1
    x3 = relu(_bn(_conv(x2, src, dst, Wr3, br3, Ws3), g3, be3)) + x2
    x4 = relu(_bn(_conv(x3, src, dst, Wr4, br4, Ws4), g4, be4)) + x3
    x5 = relu(_bn(_conv(x4, src, dst, Wr5, br5, Ws5), g5, be5)) + x4
    h = jax.ops.segment_max(x5, batch, num_segments=G)
    h = relu(h @ Wl1.T + bl1)
    h = relu(h @ Wl2.T + bl2)
    h = h @ Wl3.T + bl3
    return jax.nn.sigmoid(h)

if __name__ == "__main__":
    import jax
    _d = setup_inputs()
    print(jax.jit(kernel)(*tuple(_d.values())))

</pallas_src>

<mosaic_0001>
#map = affine_map<(d0, d1) -> (0, 0)>
#map1 = affine_map<(d0, d1) -> (0, 0, 0, 0)>
#map2 = affine_map<(d0, d1) -> (0, 0, 0)>
module attributes {stable_mosaic.version = 14 : i64} {
  func.func @seg_sum(%arg0: i32, %arg1: i32, %arg2: memref<20000x128xf32, #tpu.memory_space<hbm>>, %arg3: memref<2x16x79x128xi32, #tpu.memory_space<hbm>>, %arg4: memref<16x79x128xi32, #tpu.memory_space<hbm>>, %arg5: memref<632x128xf32, #tpu.memory_space<hbm>>, %arg6: memref<2x10000x128xf32, #tpu.memory_space<hbm>>, %arg7: memref<79x128xi32, #tpu.memory_space<vmem>>, %arg8: memref<79x128xi32, #tpu.memory_space<vmem>>, %arg9: memref<128x128xf32, #tpu.memory_space<vmem>>, %arg10: memref<10112x128xf32, #tpu.memory_space<vmem_shared>>) attributes {dimension_semantics = [#tpu.dimension_semantics<core_parallel>, #tpu.dimension_semantics<subcore_parallel>], iteration_bounds = array<i64: 2, 16>, scalar_prefetch = 0 : i64, scratch_operands = 4 : i64, tpu.core_type = #tpu.core_type<sc_vector_subcore>, window_params = [{transform_indices = #map}, {transform_indices = #map1}, {transform_indices = #map2}, {transform_indices = #map}, {transform_indices = #map2}]} {
    "tpu.region"() ({
      %run_scoped3A = tpu.sem_alloc : memref<!tpu.dma_semaphore, #tpu.memory_space<semaphore_mem>>
      %dma_start3A = arith.constant 0 : i32
      %dma_start3A_12 = arith.constant 0 : i32
      %dma_start3A_13 = tpu.memref_slice %arg3[%arg0, %arg1, %dma_start3A, %dma_start3A_12] : memref<2x16x79x128xi32, #tpu.memory_space<hbm>> -> memref<1x1x79x128xi32, #tpu.memory_space<hbm>>
      %dma_start3A_14 = tpu.memref_squeeze %dma_start3A_13 : memref<1x1x79x128xi32, #tpu.memory_space<hbm>> -> memref<79x128xi32, #tpu.memory_space<hbm>>
      %dma_start3A_15 = arith.constant 0 : i32
      %dma_start3A_16 = arith.constant 0 : i32
      %dma_start3A_17 = tpu.memref_slice %arg3[%arg0, %arg1, %dma_start3A_15, %dma_start3A_16] : memref<2x16x79x128xi32, #tpu.memory_space<hbm>> -> memref<1x1x79x128xi32, #tpu.memory_space<hbm>>
      %dma_start3A_18 = tpu.memref_squeeze %dma_start3A_17 : memref<1x1x79x128xi32, #tpu.memory_space<hbm>> -> memref<79x128xi32, #tpu.memory_space<hbm>>
      tpu.enqueue_dma source(%dma_start3A_18 : memref<79x128xi32, #tpu.memory_space<hbm>>) target(%arg7 : memref<79x128xi32, #tpu.memory_space<vmem>>) target_semaphore(%run_scoped3A : memref<!tpu.dma_semaphore, #tpu.memory_space<semaphore_mem>>)
      %dma_wait3A = arith.constant 0 : i32
      %dma_wait3A_19 = arith.constant 0 : i32
      %dma_wait3A_20 = tpu.memref_slice %arg3[%arg0, %arg1, %dma_wait3A, %dma_wait3A_19] : memref<2x16x79x128xi32, #tpu.memory_space<hbm>> -> memref<1x1x79x128xi32, #tpu.memory_space<hbm>>
      %dma_wait3A_21 = tpu.memref_squeeze %dma_wait3A_20 : memref<1x1x79x128xi32, #tpu.memory_space<hbm>> -> memref<79x128xi32, #tpu.memory_space<hbm>>
      %dma_wait3A_22 = arith.constant 0 : i32
      %dma_wait3A_23 = arith.constant 0 : i32
      %dma_wait3A_24 = tpu.memref_slice %arg3[%arg0, %arg1, %dma_wait3A_22, %dma_wait3A_23] : memref<2x16x79x128xi32, #tpu.memory_space<hbm>> -> memref<1x1x79x128xi32, #tpu.memory_space<hbm>>
      %dma_wait3A_25 = tpu.memref_squeeze %dma_wait3A_24 : memref<1x1x79x128xi32, #tpu.memory_space<hbm>> -> memref<79x128xi32, #tpu.memory_space<hbm>>
      tpu.wait_dma2 semaphore(%run_scoped3A : memref<!tpu.dma_semaphore, #tpu.memory_space<semaphore_mem>>) src(%dma_wait3A_25 : memref<79x128xi32, #tpu.memory_space<hbm>>) dst(%arg7 : memref<79x128xi32, #tpu.memory_space<vmem>>)
      tpu.yield
    }) : () -> ()
    "tpu.region"() ({
      %run_scoped3A = tpu.sem_alloc : memref<!tpu.dma_semaphore, #tpu.memory_space<semaphore_mem>>
      %dma_start3A = arith.constant 0 : i32
      %dma_start3A_12 = arith.constant 0 : i32
      %dma_start3A_13 = tpu.memref_slice %arg4[%arg1, %dma_start3A, %dma_start3A_12] : memref<16x79x128xi32, #tpu.memory_space<hbm>> -> memref<1x79x128xi32, #tpu.memory_space<hbm>>
      %dma_start3A_14 = tpu.memref_squeeze %dma_start3A_13 : memref<1x79x128xi32, #tpu.memory_space<hbm>> -> memref<79x128xi32, #tpu.memory_space<hbm>>
      %dma_start3A_15 = arith.constant 0 : i32
      %dma_start3A_16 = arith.constant 0 : i32
      %dma_start3A_17 = tpu.memref_slice %arg4[%arg1, %dma_start3A_15, %dma_start3A_16] : memref<16x79x128xi32, #tpu.memory_space<hbm>> -> memref<1x79x128xi32, #tpu.memory_space<hbm>>
      %dma_start3A_18 = tpu.memref_squeeze %dma_start3A_17 : memref<1x79x128xi32, #tpu.memory_space<hbm>> -> memref<79x128xi32, #tpu.memory_space<hbm>>
      tpu.enqueue_dma source(%dma_start3A_18 : memref<79x128xi32, #tpu.memory_space<hbm>>) target(%arg8 : memref<79x128xi32, #tpu.memory_space<vmem>>) target_semaphore(%run_scoped3A : memref<!tpu.dma_semaphore, #tpu.memory_space<semaphore_mem>>)
      %dma_wait3A = arith.constant 0 : i32
      %dma_wait3A_19 = arith.constant 0 : i32
      %dma_wait3A_20 = tpu.memref_slice %arg4[%arg1, %dma_wait3A, %dma_wait3A_19] : memref<16x79x128xi32, #tpu.memory_space<hbm>> -> memref<1x79x128xi32, #tpu.memory_space<hbm>>
      %dma_wait3A_21 = tpu.memref_squeeze %dma_wait3A_20 : memref<1x79x128xi32, #tpu.memory_space<hbm>> -> memref<79x128xi32, #tpu.memory_space<hbm>>
      %dma_wait3A_22 = arith.constant 0 : i32
      %dma_wait3A_23 = arith.constant 0 : i32
      %dma_wait3A_24 = tpu.memref_slice %arg4[%arg1, %dma_wait3A_22, %dma_wait3A_23] : memref<16x79x128xi32, #tpu.memory_space<hbm>> -> memref<1x79x128xi32, #tpu.memory_space<hbm>>
      %dma_wait3A_25 = tpu.memref_squeeze %dma_wait3A_24 : memref<1x79x128xi32, #tpu.memory_space<hbm>> -> memref<79x128xi32, #tpu.memory_space<hbm>>
      tpu.wait_dma2 semaphore(%run_scoped3A : memref<!tpu.dma_semaphore, #tpu.memory_space<semaphore_mem>>) src(%dma_wait3A_25 : memref<79x128xi32, #tpu.memory_space<hbm>>) dst(%arg8 : memref<79x128xi32, #tpu.memory_space<vmem>>)
      tpu.yield
    }) : () -> ()
    %mul3A = arith.constant 632 : i32
    %mul3A_0 = arith.muli %arg1, %mul3A : i32
    "tpu.region"() ({
      %run_scoped3A = tpu.sem_alloc : memref<!tpu.dma_semaphore, #tpu.memory_space<semaphore_mem>>
      %dma_start3A = arith.constant 0 : i32
      %dma_start3A_12 = tpu.memref_slice %arg10[%mul3A_0, %dma_start3A] : memref<10112x128xf32, #tpu.memory_space<vmem_shared>> -> memref<632x128xf32, #tpu.memory_space<vmem_shared>>
      tpu.enqueue_dma source(%arg5 : memref<632x128xf32, #tpu.memory_space<hbm>>) target(%dma_start3A_12 : memref<632x128xf32, #tpu.memory_space<vmem_shared>>) target_semaphore(%run_scoped3A : memref<!tpu.dma_semaphore, #tpu.memory_space<semaphore_mem>>)
      %dma_wait3A = arith.constant 0 : i32
      %dma_wait3A_13 = tpu.memref_slice %arg10[%mul3A_0, %dma_wait3A] : memref<10112x128xf32, #tpu.memory_space<vmem_shared>> -> memref<632x128xf32, #tpu.memory_space<vmem_shared>>
      tpu.wait_dma2 semaphore(%run_scoped3A : memref<!tpu.dma_semaphore, #tpu.memory_space<semaphore_mem>>) src(%arg5 : memref<632x128xf32, #tpu.memory_space<hbm>>) dst(%dma_wait3A_13 : memref<632x128xf32, #tpu.memory_space<vmem_shared>>)
      tpu.yield
    }) : () -> ()
    %barrier3A = arith.constant 0 : index
    tpu.barrier barrier_id(%barrier3A)
    %scan3A = arith.constant 0 : i32
    %scan3A_1 = arith.constant 79 : i32
    %scan3A_2 = arith.addi %scan3A, %scan3A_1 : i32
    %scan3A_3 = arith.constant 1 : i32
    scf.for %scan3A_12 = %scan3A to %scan3A_2 step %scan3A_3  : i32 {
      %mul3A_13 = arith.constant 1 : i32
      %mul3A_14 = arith.muli %scan3A_12, %mul3A_13 : i32
      %add3A = arith.constant 0 : i32
      %add3A_15 = arith.addi %add3A, %mul3A_14 : i32
      "tpu.region"() ({
        %run_scoped3A = tpu.sem_alloc : memref<!tpu.dma_semaphore, #tpu.memory_space<semaphore_mem>>
        %dma_start3A = arith.constant 0 : i32
        %dma_start3A_16 = tpu.memref_slice %arg7[%add3A_15, %dma_start3A] : memref<79x128xi32, #tpu.memory_space<vmem>> -> memref<1x128xi32, #tpu.memory_space<vmem>>
        %dma_start3A_17 = tpu.memref_squeeze %dma_start3A_16 : memref<1x128xi32, #tpu.memory_space<vmem>> -> memref<128xi32, #tpu.memory_space<vmem>>
        %dma_start3A_18 = arith.constant 0 : i32
        %dma_start3A_19 = arith.constant 0 : i32
        %dma_start3A_20 = tpu.memref_slice %arg2[%dma_start3A_18, %dma_start3A_19] : memref<20000x128xf32, #tpu.memory_space<hbm>> -> memref<20000x128xf32, #tpu.memory_space<hbm>>
        tpu.enqueue_indirect_dma source(%dma_start3A_20 : memref<20000x128xf32, #tpu.memory_space<hbm>>) target(%arg9 : memref<128x128xf32, #tpu.memory_space<vmem>>) offsets(%dma_start3A_17 : memref<128xi32, #tpu.memory_space<vmem>>) semaphore(%run_scoped3A : memref<!tpu.dma_semaphore, #tpu.memory_space<semaphore_mem>>)
        %dma_wait3A = arith.constant 0 : i32
        %dma_wait3A_21 = tpu.memref_slice %arg7[%add3A_15, %dma_wait3A] : memref<79x128xi32, #tpu.memory_space<vmem>> -> memref<1x128xi32, #tpu.memory_space<vmem>>
        %dma_wait3A_22 = tpu.memref_squeeze %dma_wait3A_21 : memref<1x128xi32, #tpu.memory_space<vmem>> -> memref<128xi32, #tpu.memory_space<vmem>>
        %dma_wait3A_23 = arith.constant 0 : i32
        %dma_wait3A_24 = arith.constant 0 : i32
        %dma_wait3A_25 = tpu.memref_slice %arg2[%dma_wait3A_23, %dma_wait3A_24] : memref<20000x128xf32, #tpu.memory_space<hbm>> -> memref<20000x128xf32, #tpu.memory_space<hbm>>
        tpu.wait_indirect_dma semaphore(%run_scoped3A : memref<!tpu.dma_semaphore, #tpu.memory_space<semaphore_mem>>) src(%dma_wait3A_25 : memref<20000x128xf32, #tpu.memory_space<hbm>>) dst(%arg9 : memref<128x128xf32, #tpu.memory_space<vmem>>)
        tpu.yield
      }) : () -> ()
      "tpu.region"() ({
        %run_scoped3A = tpu.sem_alloc : memref<!tpu.dma_semaphore, #tpu.memory_space<semaphore_mem>>
        %dma_start3A = arith.constant 0 : i32
        %dma_start3A_16 = tpu.memref_slice %arg8[%add3A_15, %dma_start3A] : memref<79x128xi32, #tpu.memory_space<vmem>> -> memref<1x128xi32, #tpu.memory_space<vmem>>
        %dma_start3A_17 = tpu.memref_squeeze %dma_start3A_16 : memref<1x128xi32, #tpu.memory_space<vmem>> -> memref<128xi32, #tpu.memory_space<vmem>>
        %dma_start3A_18 = arith.constant 0 : i32
        %dma_start3A_19 = arith.constant 0 : i32
        %dma_start3A_20 = tpu.memref_slice %arg10[%dma_start3A_18, %dma_start3A_19] : memref<10112x128xf32, #tpu.memory_space<vmem_shared>> -> memref<10112x128xf32, #tpu.memory_space<vmem_shared>>
        tpu.enqueue_indirect_dma source(%arg9 : memref<128x128xf32, #tpu.memory_space<vmem>>) target(%dma_start3A_20 : memref<10112x128xf32, #tpu.memory_space<vmem_shared>>) offsets(%dma_start3A_17 : memref<128xi32, #tpu.memory_space<vmem>>) semaphore(%run_scoped3A : memref<!tpu.dma_semaphore, #tpu.memory_space<semaphore_mem>>) {add = true}
        %dma_wait3A = arith.constant 0 : i32
        %dma_wait3A_21 = tpu.memref_slice %arg8[%add3A_15, %dma_wait3A] : memref<79x128xi32, #tpu.memory_space<vmem>> -> memref<1x128xi32, #tpu.memory_space<vmem>>
        %dma_wait3A_22 = tpu.memref_squeeze %dma_wait3A_21 : memref<1x128xi32, #tpu.memory_space<vmem>> -> memref<128xi32, #tpu.memory_space<vmem>>
        %dma_wait3A_23 = arith.constant 0 : i32
        %dma_wait3A_24 = arith.constant 0 : i32
        %dma_wait3A_25 = tpu.memref_slice %arg10[%dma_wait3A_23, %dma_wait3A_24] : memref<10112x128xf32, #tpu.memory_space<vmem_shared>> -> memref<10112x128xf32, #tpu.memory_space<vmem_shared>>
        tpu.wait_indirect_dma semaphore(%run_scoped3A : memref<!tpu.dma_semaphore, #tpu.memory_space<semaphore_mem>>) src(%arg9 : memref<128x128xf32, #tpu.memory_space<vmem>>) dst(%dma_wait3A_25 : memref<10112x128xf32, #tpu.memory_space<vmem_shared>>)
        tpu.yield
      }) : () -> ()
    }
    %scan3A_4 = arith.constant 79 : i32
    %barrier3A_5 = arith.constant 0 : index
    tpu.barrier barrier_id(%barrier3A_5)
    %lt3A = arith.constant 15 : i32
    %lt3A_6 = arith.cmpi slt, %arg1, %lt3A : i32
    %convert_element_type3A = arith.extui %lt3A_6 : i1 to i32
    %cond3A = arith.constant 0 : i32
    %cond3A_7 = arith.cmpi ne, %convert_element_type3A, %cond3A : i32
    scf.if %cond3A_7 {
      %mul3A_12 = arith.constant 632 : i32
      %mul3A_13 = arith.muli %arg1, %mul3A_12 : i32
      %multiple_of3A = tpu.assume_multiple %mul3A_13, 8 : i32
      "tpu.region"() ({
        %run_scoped3A = tpu.sem_alloc : memref<!tpu.dma_semaphore, #tpu.memory_space<semaphore_mem>>
        %dma_start3A = arith.constant 0 : i32
        %dma_start3A_14 = tpu.memref_slice %arg6[%arg0, %multiple_of3A, %dma_start3A] : memref<2x10000x128xf32, #tpu.memory_space<hbm>> -> memref<1x632x128xf32, #tpu.memory_space<hbm>>
        %dma_start3A_15 = tpu.memref_squeeze %dma_start3A_14 : memref<1x632x128xf32, #tpu.memory_space<hbm>> -> memref<632x128xf32, #tpu.memory_space<hbm>>
        %dma_start3A_16 = arith.constant 0 : i32
        %dma_start3A_17 = tpu.memref_slice %arg10[%multiple_of3A, %dma_start3A_16] : memref<10112x128xf32, #tpu.memory_space<vmem_shared>> -> memref<632x128xf32, #tpu.memory_space<vmem_shared>>
        tpu.enqueue_dma source(%dma_start3A_17 : memref<632x128xf32, #tpu.memory_space<vmem_shared>>) target(%dma_start3A_15 : memref<632x128xf32, #tpu.memory_space<hbm>>) target_semaphore(%run_scoped3A : memref<!tpu.dma_semaphore, #tpu.memory_space<semaphore_mem>>)
        %dma_wait3A = arith.constant 0 : i32
        %dma_wait3A_18 = tpu.memref_slice %arg6[%arg0, %multiple_of3A, %dma_wait3A] : memref<2x10000x128xf32, #tpu.memory_space<hbm>> -> memref<1x632x128xf32, #tpu.memory_space<hbm>>
        %dma_wait3A_19 = tpu.memref_squeeze %dma_wait3A_18 : memref<1x632x128xf32, #tpu.memory_space<hbm>> -> memref<632x128xf32, #tpu.memory_space<hbm>>
        %dma_wait3A_20 = arith.constant 0 : i32
        %dma_wait3A_21 = tpu.memref_slice %arg10[%multiple_of3A, %dma_wait3A_20] : memref<10112x128xf32, #tpu.memory_space<vmem_shared>> -> memref<632x128xf32, #tpu.memory_space<vmem_shared>>
        tpu.wait_dma2 semaphore(%run_scoped3A : memref<!tpu.dma_semaphore, #tpu.memory_space<semaphore_mem>>) src(%dma_wait3A_21 : memref<632x128xf32, #tpu.memory_space<vmem_shared>>) dst(%dma_wait3A_19 : memref<632x128xf32, #tpu.memory_space<hbm>>)
        tpu.yield
      }) : () -> ()
    } else {
    }
    %eq3A = arith.constant 15 : i32
    %eq3A_8 = arith.cmpi eq, %arg1, %eq3A : i32
    %convert_element_type3A_9 = arith.extui %eq3A_8 : i1 to i32
    %cond3A_10 = arith.constant 0 : i32
    %cond3A_11 = arith.cmpi ne, %convert_element_type3A_9, %cond3A_10 : i32
    scf.if %cond3A_11 {
      "tpu.region"() ({
        %run_scoped3A = tpu.sem_alloc : memref<!tpu.dma_semaphore, #tpu.memory_space<semaphore_mem>>
        %dma_start3A = arith.constant 9480 : i32
        %dma_start3A_12 = arith.constant 0 : i32
        %dma_start3A_13 = tpu.memref_slice %arg6[%arg0, %dma_start3A, %dma_start3A_12] : memref<2x10000x128xf32, #tpu.memory_space<hbm>> -> memref<1x520x128xf32, #tpu.memory_space<hbm>>
        %dma_start3A_14 = tpu.memref_squeeze %dma_start3A_13 : memref<1x520x128xf32, #tpu.memory_space<hbm>> -> memref<520x128xf32, #tpu.memory_space<hbm>>
        %dma_start3A_15 = arith.constant 9480 : i32
        %dma_start3A_16 = arith.constant 0 : i32
        %dma_start3A_17 = tpu.memref_slice %arg10[%dma_start3A_15, %dma_start3A_16] : memref<10112x128xf32, #tpu.memory_space<vmem_shared>> -> memref<520x128xf32, #tpu.memory_space<vmem_shared>>
        tpu.enqueue_dma source(%dma_start3A_17 : memref<520x128xf32, #tpu.memory_space<vmem_shared>>) target(%dma_start3A_14 : memref<520x128xf32, #tpu.memory_space<hbm>>) target_semaphore(%run_scoped3A : memref<!tpu.dma_semaphore, #tpu.memory_space<semaphore_mem>>)
        %dma_wait3A = arith.constant 9480 : i32
        %dma_wait3A_18 = arith.constant 0 : i32
        %dma_wait3A_19 = tpu.memref_slice %arg6[%arg0, %dma_wait3A, %dma_wait3A_18] : memref<2x10000x128xf32, #tpu.memory_space<hbm>> -> memref<1x520x128xf32, #tpu.memory_space<hbm>>
        %dma_wait3A_20 = tpu.memref_squeeze %dma_wait3A_19 : memref<1x520x128xf32, #tpu.memory_space<hbm>> -> memref<520x128xf32, #tpu.memory_space<hbm>>
        %dma_wait3A_21 = arith.constant 9480 : i32
        %dma_wait3A_22 = arith.constant 0 : i32
        %dma_wait3A_23 = tpu.memref_slice %arg10[%dma_wait3A_21, %dma_wait3A_22] : memref<10112x128xf32, #tpu.memory_space<vmem_shared>> -> memref<520x128xf32, #tpu.memory_space<vmem_shared>>
        tpu.wait_dma2 semaphore(%run_scoped3A : memref<!tpu.dma_semaphore, #tpu.memory_space<semaphore_mem>>) src(%dma_wait3A_23 : memref<520x128xf32, #tpu.memory_space<vmem_shared>>) dst(%dma_wait3A_20 : memref<520x128xf32, #tpu.memory_space<hbm>>)
        tpu.yield
      }) : () -> ()
    } else {
    }
    return
  }
}

#map = affine_map<(d0, d1) -> (0, 0)>
#map1 = affine_map<(d0, d1) -> (0, 0, 0, 0)>
#map2 = affine_map<(d0, d1) -> (0, 0, 0)>
module attributes {stable_mosaic.version = 14 : i64} {
  func.func @seg_sum(%arg0: i32, %arg1: i32, %arg2: memref<20000x128xf32, #tpu.memory_space<hbm>>, %arg3: memref<2x16x79x128xi32, #tpu.memory_space<hbm>>, %arg4: memref<16x79x128xi32, #tpu.memory_space<hbm>>, %arg5: memref<632x128xf32, #tpu.memory_space<hbm>>, %arg6: memref<2x10000x128xf32, #tpu.memory_space<hbm>>, %arg7: memref<79x128xi32, #tpu.memory_space<vmem>>, %arg8: memref<79x128xi32, #tpu.memory_space<vmem>>, %arg9: memref<128x128xf32, #tpu.memory_space<vmem>>, %arg10: memref<10112x128xf32, #tpu.memory_space<vmem_shared>>) attributes {dimension_semantics = [#tpu.dimension_semantics<core_parallel>, #tpu.dimension_semantics<subcore_parallel>], iteration_bounds = array<i64: 2, 16>, scalar_prefetch = 0 : i64, scratch_operands = 4 : i64, tpu.core_type = #tpu.core_type<sc_vector_subcore>, window_params = [{transform_indices = #map}, {transform_indices = #map1}, {transform_indices = #map2}, {transform_indices = #map}, {transform_indices = #map2}]} {
    "tpu.region"() ({
      %run_scoped3A = tpu.sem_alloc : memref<!tpu.dma_semaphore, #tpu.memory_space<semaphore_mem>>
      %dma_start3A = arith.constant 0 : i32
      %dma_start3A_12 = arith.constant 0 : i32
      %dma_start3A_13 = tpu.memref_slice %arg3[%arg0, %arg1, %dma_start3A, %dma_start3A_12] : memref<2x16x79x128xi32, #tpu.memory_space<hbm>> -> memref<1x1x79x128xi32, #tpu.memory_space<hbm>>
      %dma_start3A_14 = tpu.memref_squeeze %dma_start3A_13 : memref<1x1x79x128xi32, #tpu.memory_space<hbm>> -> memref<79x128xi32, #tpu.memory_space<hbm>>
      %dma_start3A_15 = arith.constant 0 : i32
      %dma_start3A_16 = arith.constant 0 : i32
      %dma_start3A_17 = tpu.memref_slice %arg3[%arg0, %arg1, %dma_start3A_15, %dma_start3A_16] : memref<2x16x79x128xi32, #tpu.memory_space<hbm>> -> memref<1x1x79x128xi32, #tpu.memory_space<hbm>>
      %dma_start3A_18 = tpu.memref_squeeze %dma_start3A_17 : memref<1x1x79x128xi32, #tpu.memory_space<hbm>> -> memref<79x128xi32, #tpu.memory_space<hbm>>
      tpu.enqueue_dma source(%dma_start3A_18 : memref<79x128xi32, #tpu.memory_space<hbm>>) target(%arg7 : memref<79x128xi32, #tpu.memory_space<vmem>>) target_semaphore(%run_scoped3A : memref<!tpu.dma_semaphore, #tpu.memory_space<semaphore_mem>>)
      %dma_wait3A = arith.constant 0 : i32
      %dma_wait3A_19 = arith.constant 0 : i32
      %dma_wait3A_20 = tpu.memref_slice %arg3[%arg0, %arg1, %dma_wait3A, %dma_wait3A_19] : memref<2x16x79x128xi32, #tpu.memory_space<hbm>> -> memref<1x1x79x128xi32, #tpu.memory_space<hbm>>
      %dma_wait3A_21 = tpu.memref_squeeze %dma_wait3A_20 : memref<1x1x79x128xi32, #tpu.memory_space<hbm>> -> memref<79x128xi32, #tpu.memory_space<hbm>>
      %dma_wait3A_22 = arith.constant 0 : i32
      %dma_wait3A_23 = arith.constant 0 : i32
      %dma_wait3A_24 = tpu.memref_slice %arg3[%arg0, %arg1, %dma_wait3A_22, %dma_wait3A_23] : memref<2x16x79x128xi32, #tpu.memory_space<hbm>> -> memref<1x1x79x128xi32, #tpu.memory_space<hbm>>
      %dma_wait3A_25 = tpu.memref_squeeze %dma_wait3A_24 : memref<1x1x79x128xi32, #tpu.memory_space<hbm>> -> memref<79x128xi32, #tpu.memory_space<hbm>>
      tpu.wait_dma2 semaphore(%run_scoped3A : memref<!tpu.dma_semaphore, #tpu.memory_space<semaphore_mem>>) src(%dma_wait3A_25 : memref<79x128xi32, #tpu.memory_space<hbm>>) dst(%arg7 : memref<79x128xi32, #tpu.memory_space<vmem>>)
      tpu.yield
    }) : () -> ()
    "tpu.region"() ({
      %run_scoped3A = tpu.sem_alloc : memref<!tpu.dma_semaphore, #tpu.memory_space<semaphore_mem>>
      %dma_start3A = arith.constant 0 : i32
      %dma_start3A_12 = arith.constant 0 : i32
      %dma_start3A_13 = tpu.memref_slice %arg4[%arg1, %dma_start3A, %dma_start3A_12] : memref<16x79x128xi32, #tpu.memory_space<hbm>> -> memref<1x79x128xi32, #tpu.memory_space<hbm>>
      %dma_start3A_14 = tpu.memref_squeeze %dma_start3A_13 : memref<1x79x128xi32, #tpu.memory_space<hbm>> -> memref<79x128xi32, #tpu.memory_space<hbm>>
      %dma_start3A_15 = arith.constant 0 : i32
      %dma_start3A_16 = arith.constant 0 : i32
      %dma_start3A_17 = tpu.memref_slice %arg4[%arg1, %dma_start3A_15, %dma_start3A_16] : memref<16x79x128xi32, #tpu.memory_space<hbm>> -> memref<1x79x128xi32, #tpu.memory_space<hbm>>
      %dma_start3A_18 = tpu.memref_squeeze %dma_start3A_17 : memref<1x79x128xi32, #tpu.memory_space<hbm>> -> memref<79x128xi32, #tpu.memory_space<hbm>>
      tpu.enqueue_dma source(%dma_start3A_18 : memref<79x128xi32, #tpu.memory_space<hbm>>) target(%arg8 : memref<79x128xi32, #tpu.memory_space<vmem>>) target_semaphore(%run_scoped3A : memref<!tpu.dma_semaphore, #tpu.memory_space<semaphore_mem>>)
      %dma_wait3A = arith.constant 0 : i32
      %dma_wait3A_19 = arith.constant 0 : i32
      %dma_wait3A_20 = tpu.memref_slice %arg4[%arg1, %dma_wait3A, %dma_wait3A_19] : memref<16x79x128xi32, #tpu.memory_space<hbm>> -> memref<1x79x128xi32, #tpu.memory_space<hbm>>
      %dma_wait3A_21 = tpu.memref_squeeze %dma_wait3A_20 : memref<1x79x128xi32, #tpu.memory_space<hbm>> -> memref<79x128xi32, #tpu.memory_space<hbm>>
      %dma_wait3A_22 = arith.constant 0 : i32
      %dma_wait3A_23 = arith.constant 0 : i32
      %dma_wait3A_24 = tpu.memref_slice %arg4[%arg1, %dma_wait3A_22, %dma_wait3A_23] : memref<16x79x128xi32, #tpu.memory_space<hbm>> -> memref<1x79x128xi32, #tpu.memory_space<hbm>>
      %dma_wait3A_25 = tpu.memref_squeeze %dma_wait3A_24 : memref<1x79x128xi32, #tpu.memory_space<hbm>> -> memref<79x128xi32, #tpu.memory_space<hbm>>
      tpu.wait_dma2 semaphore(%run_scoped3A : memref<!tpu.dma_semaphore, #tpu.memory_space<semaphore_mem>>) src(%dma_wait3A_25 : memref<79x128xi32, #tpu.memory_space<hbm>>) dst(%arg8 : memref<79x128xi32, #tpu.memory_space<vmem>>)
      tpu.yield
    }) : () -> ()
    %mul3A = arith.constant 632 : i32
    %mul3A_0 = arith.muli %arg1, %mul3A : i32
    "tpu.region"() ({
      %run_scoped3A = tpu.sem_alloc : memref<!tpu.dma_semaphore, #tpu.memory_space<semaphore_mem>>
      %dma_start3A = arith.constant 0 : i32
      %dma_start3A_12 = tpu.memref_slice %arg10[%mul3A_0, %dma_start3A] : memref<10112x128xf32, #tpu.memory_space<vmem_shared>> -> memref<632x128xf32, #tpu.memory_space<vmem_shared>>
      tpu.enqueue_dma source(%arg5 : memref<632x128xf32, #tpu.memory_space<hbm>>) target(%dma_start3A_12 : memref<632x128xf32, #tpu.memory_space<vmem_shared>>) target_semaphore(%run_scoped3A : memref<!tpu.dma_semaphore, #tpu.memory_space<semaphore_mem>>)
      %dma_wait3A = arith.constant 0 : i32
      %dma_wait3A_13 = tpu.memref_slice %arg10[%mul3A_0, %dma_wait3A] : memref<10112x128xf32, #tpu.memory_space<vmem_shared>> -> memref<632x128xf32, #tpu.memory_space<vmem_shared>>
      tpu.wait_dma2 semaphore(%run_scoped3A : memref<!tpu.dma_semaphore, #tpu.memory_space<semaphore_mem>>) src(%arg5 : memref<632x128xf32, #tpu.memory_space<hbm>>) dst(%dma_wait3A_13 : memref<632x128xf32, #tpu.memory_space<vmem_shared>>)
      tpu.yield
    }) : () -> ()
    %barrier3A = arith.constant 0 : index
    tpu.barrier barrier_id(%barrier3A)
    %scan3A = arith.constant 0 : i32
    %scan3A_1 = arith.constant 79 : i32
    %scan3A_2 = arith.addi %scan3A, %scan3A_1 : i32
    %scan3A_3 = arith.constant 1 : i32
    scf.for %scan3A_12 = %scan3A to %scan3A_2 step %scan3A_3  : i32 {
      %mul3A_13 = arith.constant 1 : i32
      %mul3A_14 = arith.muli %scan3A_12, %mul3A_13 : i32
      %add3A = arith.constant 0 : i32
      %add3A_15 = arith.addi %add3A, %mul3A_14 : i32
      "tpu.region"() ({
        %run_scoped3A = tpu.sem_alloc : memref<!tpu.dma_semaphore, #tpu.memory_space<semaphore_mem>>
        %dma_start3A = arith.constant 0 : i32
        %dma_start3A_16 = tpu.memref_slice %arg7[%add3A_15, %dma_start3A] : memref<79x128xi32, #tpu.memory_space<vmem>> -> memref<1x128xi32, #tpu.memory_space<vmem>>
        %dma_start3A_17 = tpu.memref_squeeze %dma_start3A_16 : memref<1x128xi32, #tpu.memory_space<vmem>> -> memref<128xi32, #tpu.memory_space<vmem>>
        %dma_start3A_18 = arith.constant 0 : i32
        %dma_start3A_19 = arith.constant 0 : i32
        %dma_start3A_20 = tpu.memref_slice %arg2[%dma_start3A_18, %dma_start3A_19] : memref<20000x128xf32, #tpu.memory_space<hbm>> -> memref<20000x128xf32, #tpu.memory_space<hbm>>
        tpu.enqueue_indirect_dma source(%dma_start3A_20 : memref<20000x128xf32, #tpu.memory_space<hbm>>) target(%arg9 : memref<128x128xf32, #tpu.memory_space<vmem>>) offsets(%dma_start3A_17 : memref<128xi32, #tpu.memory_space<vmem>>) semaphore(%run_scoped3A : memref<!tpu.dma_semaphore, #tpu.memory_space<semaphore_mem>>)
        %dma_wait3A = arith.constant 0 : i32
        %dma_wait3A_21 = tpu.memref_slice %arg7[%add3A_15, %dma_wait3A] : memref<79x128xi32, #tpu.memory_space<vmem>> -> memref<1x128xi32, #tpu.memory_space<vmem>>
        %dma_wait3A_22 = tpu.memref_squeeze %dma_wait3A_21 : memref<1x128xi32, #tpu.memory_space<vmem>> -> memref<128xi32, #tpu.memory_space<vmem>>
        %dma_wait3A_23 = arith.constant 0 : i32
        %dma_wait3A_24 = arith.constant 0 : i32
        %dma_wait3A_25 = tpu.memref_slice %arg2[%dma_wait3A_23, %dma_wait3A_24] : memref<20000x128xf32, #tpu.memory_space<hbm>> -> memref<20000x128xf32, #tpu.memory_space<hbm>>
        tpu.wait_indirect_dma semaphore(%run_scoped3A : memref<!tpu.dma_semaphore, #tpu.memory_space<semaphore_mem>>) src(%dma_wait3A_25 : memref<20000x128xf32, #tpu.memory_space<hbm>>) dst(%arg9 : memref<128x128xf32, #tpu.memory_space<vmem>>)
        tpu.yield
      }) : () -> ()
      "tpu.region"() ({
        %run_scoped3A = tpu.sem_alloc : memref<!tpu.dma_semaphore, #tpu.memory_space<semaphore_mem>>
        %dma_start3A = arith.constant 0 : i32
        %dma_start3A_16 = tpu.memref_slice %arg8[%add3A_15, %dma_start3A] : memref<79x128xi32, #tpu.memory_space<vmem>> -> memref<1x128xi32, #tpu.memory_space<vmem>>
        %dma_start3A_17 = tpu.memref_squeeze %dma_start3A_16 : memref<1x128xi32, #tpu.memory_space<vmem>> -> memref<128xi32, #tpu.memory_space<vmem>>
        %dma_start3A_18 = arith.constant 0 : i32
        %dma_start3A_19 = arith.constant 0 : i32
        %dma_start3A_20 = tpu.memref_slice %arg10[%dma_start3A_18, %dma_start3A_19] : memref<10112x128xf32, #tpu.memory_space<vmem_shared>> -> memref<10112x128xf32, #tpu.memory_space<vmem_shared>>
        tpu.enqueue_indirect_dma source(%arg9 : memref<128x128xf32, #tpu.memory_space<vmem>>) target(%dma_start3A_20 : memref<10112x128xf32, #tpu.memory_space<vmem_shared>>) offsets(%dma_start3A_17 : memref<128xi32, #tpu.memory_space<vmem>>) semaphore(%run_scoped3A : memref<!tpu.dma_semaphore, #tpu.memory_space<semaphore_mem>>) {add = true}
        %dma_wait3A = arith.constant 0 : i32
        %dma_wait3A_21 = tpu.memref_slice %arg8[%add3A_15, %dma_wait3A] : memref<79x128xi32, #tpu.memory_space<vmem>> -> memref<1x128xi32, #tpu.memory_space<vmem>>
        %dma_wait3A_22 = tpu.memref_squeeze %dma_wait3A_21 : memref<1x128xi32, #tpu.memory_space<vmem>> -> memref<128xi32, #tpu.memory_space<vmem>>
        %dma_wait3A_23 = arith.constant 0 : i32
        %dma_wait3A_24 = arith.constant 0 : i32
        %dma_wait3A_25 = tpu.memref_slice %arg10[%dma_wait3A_23, %dma_wait3A_24] : memref<10112x128xf32, #tpu.memory_space<vmem_shared>> -> memref<10112x128xf32, #tpu.memory_space<vmem_shared>>
        tpu.wait_indirect_dma semaphore(%run_scoped3A : memref<!tpu.dma_semaphore, #tpu.memory_space<semaphore_mem>>) src(%arg9 : memref<128x128xf32, #tpu.memory_space<vmem>>) dst(%dma_wait3A_25 : memref<10112x128xf32, #tpu.memory_space<vmem_shared>>)
        tpu.yield
      }) : () -> ()
    }
    %scan3A_4 = arith.constant 79 : i32
    %barrier3A_5 = arith.constant 0 : index
    tpu.barrier barrier_id(%barrier3A_5)
    %lt3A = arith.constant 15 : i32
    %lt3A_6 = arith.cmpi slt, %arg1, %lt3A : i32
    %convert_element_type3A = arith.extui %lt3A_6 : i1 to i32
    %cond3A = arith.constant 0 : i32
    %cond3A_7 = arith.cmpi ne, %convert_element_type3A, %cond3A : i32
    scf.if %cond3A_7 {
      %mul3A_12 = arith.constant 632 : i32
      %mul3A_13 = arith.muli %arg1, %mul3A_12 : i32
      %multiple_of3A = tpu.assume_multiple %mul3A_13, 8 : i32
      "tpu.region"() ({
        %run_scoped3A = tpu.sem_alloc : memref<!tpu.dma_semaphore, #tpu.memory_space<semaphore_mem>>
        %dma_start3A = arith.constant 0 : i32
        %dma_start3A_14 = tpu.memref_slice %arg6[%arg0, %multiple_of3A, %dma_start3A] : memref<2x10000x128xf32, #tpu.memory_space<hbm>> -> memref<1x632x128xf32, #tpu.memory_space<hbm>>
        %dma_start3A_15 = tpu.memref_squeeze %dma_start3A_14 : memref<1x632x128xf32, #tpu.memory_space<hbm>> -> memref<632x128xf32, #tpu.memory_space<hbm>>
        %dma_start3A_16 = arith.constant 0 : i32
        %dma_start3A_17 = tpu.memref_slice %arg10[%multiple_of3A, %dma_start3A_16] : memref<10112x128xf32, #tpu.memory_space<vmem_shared>> -> memref<632x128xf32, #tpu.memory_space<vmem_shared>>
        tpu.enqueue_dma source(%dma_start3A_17 : memref<632x128xf32, #tpu.memory_space<vmem_shared>>) target(%dma_start3A_15 : memref<632x128xf32, #tpu.memory_space<hbm>>) target_semaphore(%run_scoped3A : memref<!tpu.dma_semaphore, #tpu.memory_space<semaphore_mem>>)
        %dma_wait3A = arith.constant 0 : i32
        %dma_wait3A_18 = tpu.memref_slice %arg6[%arg0, %multiple_of3A, %dma_wait3A] : memref<2x10000x128xf32, #tpu.memory_space<hbm>> -> memref<1x632x128xf32, #tpu.memory_space<hbm>>
        %dma_wait3A_19 = tpu.memref_squeeze %dma_wait3A_18 : memref<1x632x128xf32, #tpu.memory_space<hbm>> -> memref<632x128xf32, #tpu.memory_space<hbm>>
        %dma_wait3A_20 = arith.constant 0 : i32
        %dma_wait3A_21 = tpu.memref_slice %arg10[%multiple_of3A, %dma_wait3A_20] : memref<10112x128xf32, #tpu.memory_space<vmem_shared>> -> memref<632x128xf32, #tpu.memory_space<vmem_shared>>
        tpu.wait_dma2 semaphore(%run_scoped3A : memref<!tpu.dma_semaphore, #tpu.memory_space<semaphore_mem>>) src(%dma_wait3A_21 : memref<632x128xf32, #tpu.memory_space<vmem_shared>>) dst(%dma_wait3A_19 : memref<632x128xf32, #tpu.memory_space<hbm>>)
        tpu.yield
      }) : () -> ()
    } else {
    }
    %eq3A = arith.constant 15 : i32
    %eq3A_8 = arith.cmpi eq, %arg1, %eq3A : i32
    %convert_element_type3A_9 = arith.extui %eq3A_8 : i1 to i32
    %cond3A_10 = arith.constant 0 : i32
    %cond3A_11 = arith.cmpi ne, %convert_element_type3A_9, %cond3A_10 : i32
    scf.if %cond3A_11 {
      "tpu.region"() ({
        %run_scoped3A = tpu.sem_alloc : memref<!tpu.dma_semaphore, #tpu.memory_space<semaphore_mem>>
        %dma_start3A = arith.constant 9480 : i32
        %dma_start3A_12 = arith.constant 0 : i32
        %dma_start3A_13 = tpu.memref_slice %arg6[%arg0, %dma_start3A, %dma_start3A_12] : memref<2x10000x128xf32, #tpu.memory_space<hbm>> -> memref<1x520x128xf32, #tpu.memory_space<hbm>>
        %dma_start3A_14 = tpu.memref_squeeze %dma_start3A_13 : memref<1x520x128xf32, #tpu.memory_space<hbm>> -> memref<520x128xf32, #tpu.memory_space<hbm>>
        %dma_start3A_15 = arith.constant 9480 : i32
        %dma_start3A_16 = arith.constant 0 : i32
        %dma_start3A_17 = tpu.memref_slice %arg10[%dma_start3A_15, %dma_start3A_16] : memref<10112x128xf32, #tpu.memory_space<vmem_shared>> -> memref<520x128xf32, #tpu.memory_space<vmem_shared>>
        tpu.enqueue_dma source(%dma_start3A_17 : memref<520x128xf32, #tpu.memory_space<vmem_shared>>) target(%dma_start3A_14 : memref<520x128xf32, #tpu.memory_space<hbm>>) target_semaphore(%run_scoped3A : memref<!tpu.dma_semaphore, #tpu.memory_space<semaphore_mem>>)
        %dma_wait3A = arith.constant 9480 : i32
        %dma_wait3A_18 = arith.constant 0 : i32
        %dma_wait3A_19 = tpu.memref_slice %arg6[%arg0, %dma_wait3A, %dma_wait3A_18] : memref<2x10000x128xf32, #tpu.memory_space<hbm>> -> memref<1x520x128xf32, #tpu.memory_space<hbm>>
        %dma_wait3A_20 = tpu.memref_squeeze %dma_wait3A_19 : memref<1x520x128xf32, #tpu.memory_space<hbm>> -> memref<520x128xf32, #tpu.memory_space<hbm>>
        %dma_wait3A_21 = arith.constant 9480 : i32
        %dma_wait3A_22 = arith.constant 0 : i32
        %dma_wait3A_23 = tpu.memref_slice %arg10[%dma_wait3A_21, %dma_wait3A_22] : memref<10112x128xf32, #tpu.memory_space<vmem_shared>> -> memref<520x128xf32, #tpu.memory_space<vmem_shared>>
        tpu.wait_dma2 semaphore(%run_scoped3A : memref<!tpu.dma_semaphore, #tpu.memory_space<semaphore_mem>>) src(%dma_wait3A_23 : memref<520x128xf32, #tpu.memory_space<vmem_shared>>) dst(%dma_wait3A_20 : memref<520x128xf32, #tpu.memory_space<hbm>>)
        tpu.yield
      }) : () -> ()
    } else {
    }
    return
  }
}

#map = affine_map<(d0, d1) -> (0, 0)>
#map1 = affine_map<(d0, d1) -> (0, 0, 0, 0)>
#map2 = affine_map<(d0, d1) -> (0, 0, 0)>
module attributes {stable_mosaic.version = 14 : i64} {
  func.func @seg_sum(%arg0: i32, %arg1: i32, %arg2: memref<20000x128xf32, #tpu.memory_space<hbm>>, %arg3: memref<2x16x79x128xi32, #tpu.memory_space<hbm>>, %arg4: memref<16x79x128xi32, #tpu.memory_space<hbm>>, %arg5: memref<632x128xf32, #tpu.memory_space<hbm>>, %arg6: memref<2x10000x128xf32, #tpu.memory_space<hbm>>, %arg7: memref<79x128xi32, #tpu.memory_space<vmem>>, %arg8: memref<79x128xi32, #tpu.memory_space<vmem>>, %arg9: memref<128x128xf32, #tpu.memory_space<vmem>>, %arg10: memref<10112x128xf32, #tpu.memory_space<vmem_shared>>) attributes {dimension_semantics = [#tpu.dimension_semantics<core_parallel>, #tpu.dimension_semantics<subcore_parallel>], iteration_bounds = array<i64: 2, 16>, scalar_prefetch = 0 : i64, scratch_operands = 4 : i64, tpu.core_type = #tpu.core_type<sc_vector_subcore>, window_params = [{transform_indices = #map}, {transform_indices = #map1}, {transform_indices = #map2}, {transform_indices = #map}, {transform_indices = #map2}]} {
    "tpu.region"() ({
      %run_scoped3A = tpu.sem_alloc : memref<!tpu.dma_semaphore, #tpu.memory_space<semaphore_mem>>
      %dma_start3A = arith.constant 0 : i32
      %dma_start3A_12 = arith.constant 0 : i32
      %dma_start3A_13 = tpu.memref_slice %arg3[%arg0, %arg1, %dma_start3A, %dma_start3A_12] : memref<2x16x79x128xi32, #tpu.memory_space<hbm>> -> memref<1x1x79x128xi32, #tpu.memory_space<hbm>>
      %dma_start3A_14 = tpu.memref_squeeze %dma_start3A_13 : memref<1x1x79x128xi32, #tpu.memory_space<hbm>> -> memref<79x128xi32, #tpu.memory_space<hbm>>
      %dma_start3A_15 = arith.constant 0 : i32
      %dma_start3A_16 = arith.constant 0 : i32
      %dma_start3A_17 = tpu.memref_slice %arg3[%arg0, %arg1, %dma_start3A_15, %dma_start3A_16] : memref<2x16x79x128xi32, #tpu.memory_space<hbm>> -> memref<1x1x79x128xi32, #tpu.memory_space<hbm>>
      %dma_start3A_18 = tpu.memref_squeeze %dma_start3A_17 : memref<1x1x79x128xi32, #tpu.memory_space<hbm>> -> memref<79x128xi32, #tpu.memory_space<hbm>>
      tpu.enqueue_dma source(%dma_start3A_18 : memref<79x128xi32, #tpu.memory_space<hbm>>) target(%arg7 : memref<79x128xi32, #tpu.memory_space<vmem>>) target_semaphore(%run_scoped3A : memref<!tpu.dma_semaphore, #tpu.memory_space<semaphore_mem>>)
      %dma_wait3A = arith.constant 0 : i32
      %dma_wait3A_19 = arith.constant 0 : i32
      %dma_wait3A_20 = tpu.memref_slice %arg3[%arg0, %arg1, %dma_wait3A, %dma_wait3A_19] : memref<2x16x79x128xi32, #tpu.memory_space<hbm>> -> memref<1x1x79x128xi32, #tpu.memory_space<hbm>>
      %dma_wait3A_21 = tpu.memref_squeeze %dma_wait3A_20 : memref<1x1x79x128xi32, #tpu.memory_space<hbm>> -> memref<79x128xi32, #tpu.memory_space<hbm>>
      %dma_wait3A_22 = arith.constant 0 : i32
      %dma_wait3A_23 = arith.constant 0 : i32
      %dma_wait3A_24 = tpu.memref_slice %arg3[%arg0, %arg1, %dma_wait3A_22, %dma_wait3A_23] : memref<2x16x79x128xi32, #tpu.memory_space<hbm>> -> memref<1x1x79x128xi32, #tpu.memory_space<hbm>>
      %dma_wait3A_25 = tpu.memref_squeeze %dma_wait3A_24 : memref<1x1x79x128xi32, #tpu.memory_space<hbm>> -> memref<79x128xi32, #tpu.memory_space<hbm>>
      tpu.wait_dma2 semaphore(%run_scoped3A : memref<!tpu.dma_semaphore, #tpu.memory_space<semaphore_mem>>) src(%dma_wait3A_25 : memref<79x128xi32, #tpu.memory_space<hbm>>) dst(%arg7 : memref<79x128xi32, #tpu.memory_space<vmem>>)
      tpu.yield
    }) : () -> ()
    "tpu.region"() ({
      %run_scoped3A = tpu.sem_alloc : memref<!tpu.dma_semaphore, #tpu.memory_space<semaphore_mem>>
      %dma_start3A = arith.constant 0 : i32
      %dma_start3A_12 = arith.constant 0 : i32
      %dma_start3A_13 = tpu.memref_slice %arg4[%arg1, %dma_start3A, %dma_start3A_12] : memref<16x79x128xi32, #tpu.memory_space<hbm>> -> memref<1x79x128xi32, #tpu.memory_space<hbm>>
      %dma_start3A_14 = tpu.memref_squeeze %dma_start3A_13 : memref<1x79x128xi32, #tpu.memory_space<hbm>> -> memref<79x128xi32, #tpu.memory_space<hbm>>
      %dma_start3A_15 = arith.constant 0 : i32
      %dma_start3A_16 = arith.constant 0 : i32
      %dma_start3A_17 = tpu.memref_slice %arg4[%arg1, %dma_start3A_15, %dma_start3A_16] : memref<16x79x128xi32, #tpu.memory_space<hbm>> -> memref<1x79x128xi32, #tpu.memory_space<hbm>>
      %dma_start3A_18 = tpu.memref_squeeze %dma_start3A_17 : memref<1x79x128xi32, #tpu.memory_space<hbm>> -> memref<79x128xi32, #tpu.memory_space<hbm>>
      tpu.enqueue_dma source(%dma_start3A_18 : memref<79x128xi32, #tpu.memory_space<hbm>>) target(%arg8 : memref<79x128xi32, #tpu.memory_space<vmem>>) target_semaphore(%run_scoped3A : memref<!tpu.dma_semaphore, #tpu.memory_space<semaphore_mem>>)
      %dma_wait3A = arith.constant 0 : i32
      %dma_wait3A_19 = arith.constant 0 : i32
      %dma_wait3A_20 = tpu.memref_slice %arg4[%arg1, %dma_wait3A, %dma_wait3A_19] : memref<16x79x128xi32, #tpu.memory_space<hbm>> -> memref<1x79x128xi32, #tpu.memory_space<hbm>>
      %dma_wait3A_21 = tpu.memref_squeeze %dma_wait3A_20 : memref<1x79x128xi32, #tpu.memory_space<hbm>> -> memref<79x128xi32, #tpu.memory_space<hbm>>
      %dma_wait3A_22 = arith.constant 0 : i32
      %dma_wait3A_23 = arith.constant 0 : i32
      %dma_wait3A_24 = tpu.memref_slice %arg4[%arg1, %dma_wait3A_22, %dma_wait3A_23] : memref<16x79x128xi32, #tpu.memory_space<hbm>> -> memref<1x79x128xi32, #tpu.memory_space<hbm>>
      %dma_wait3A_25 = tpu.memref_squeeze %dma_wait3A_24 : memref<1x79x128xi32, #tpu.memory_space<hbm>> -> memref<79x128xi32, #tpu.memory_space<hbm>>
      tpu.wait_dma2 semaphore(%run_scoped3A : memref<!tpu.dma_semaphore, #tpu.memory_space<semaphore_mem>>) src(%dma_wait3A_25 : memref<79x128xi32, #tpu.memory_space<hbm>>) dst(%arg8 : memref<79x128xi32, #tpu.memory_space<vmem>>)
      tpu.yield
    }) : () -> ()
    %mul3A = arith.constant 632 : i32
    %mul3A_0 = arith.muli %arg1, %mul3A : i32
    "tpu.region"() ({
      %run_scoped3A = tpu.sem_alloc : memref<!tpu.dma_semaphore, #tpu.memory_space<semaphore_mem>>
      %dma_start3A = arith.constant 0 : i32
      %dma_start3A_12 = tpu.memref_slice %arg10[%mul3A_0, %dma_start3A] : memref<10112x128xf32, #tpu.memory_space<vmem_shared>> -> memref<632x128xf32, #tpu.memory_space<vmem_shared>>
      tpu.enqueue_dma source(%arg5 : memref<632x128xf32, #tpu.memory_space<hbm>>) target(%dma_start3A_12 : memref<632x128xf32, #tpu.memory_space<vmem_shared>>) target_semaphore(%run_scoped3A : memref<!tpu.dma_semaphore, #tpu.memory_space<semaphore_mem>>)
      %dma_wait3A = arith.constant 0 : i32
      %dma_wait3A_13 = tpu.memref_slice %arg10[%mul3A_0, %dma_wait3A] : memref<10112x128xf32, #tpu.memory_space<vmem_shared>> -> memref<632x128xf32, #tpu.memory_space<vmem_shared>>
      tpu.wait_dma2 semaphore(%run_scoped3A : memref<!tpu.dma_semaphore, #tpu.memory_space<semaphore_mem>>) src(%arg5 : memref<632x128xf32, #tpu.memory_space<hbm>>) dst(%dma_wait3A_13 : memref<632x128xf32, #tpu.memory_space<vmem_shared>>)
      tpu.yield
    }) : () -> ()
    %barrier3A = arith.constant 0 : index
    tpu.barrier barrier_id(%barrier3A)
    %scan3A = arith.constant 0 : i32
    %scan3A_1 = arith.constant 79 : i32
    %scan3A_2 = arith.addi %scan3A, %scan3A_1 : i32
    %scan3A_3 = arith.constant 1 : i32
    scf.for %scan3A_12 = %scan3A to %scan3A_2 step %scan3A_3  : i32 {
      %mul3A_13 = arith.constant 1 : i32
      %mul3A_14 = arith.muli %scan3A_12, %mul3A_13 : i32
      %add3A = arith.constant 0 : i32
      %add3A_15 = arith.addi %add3A, %mul3A_14 : i32
      "tpu.region"() ({
        %run_scoped3A = tpu.sem_alloc : memref<!tpu.dma_semaphore, #tpu.memory_space<semaphore_mem>>
        %dma_start3A = arith.constant 0 : i32
        %dma_start3A_16 = tpu.memref_slice %arg7[%add3A_15, %dma_start3A] : memref<79x128xi32, #tpu.memory_space<vmem>> -> memref<1x128xi32, #tpu.memory_space<vmem>>
        %dma_start3A_17 = tpu.memref_squeeze %dma_start3A_16 : memref<1x128xi32, #tpu.memory_space<vmem>> -> memref<128xi32, #tpu.memory_space<vmem>>
        %dma_start3A_18 = arith.constant 0 : i32
        %dma_start3A_19 = arith.constant 0 : i32
        %dma_start3A_20 = tpu.memref_slice %arg2[%dma_start3A_18, %dma_start3A_19] : memref<20000x128xf32, #tpu.memory_space<hbm>> -> memref<20000x128xf32, #tpu.memory_space<hbm>>
        tpu.enqueue_indirect_dma source(%dma_start3A_20 : memref<20000x128xf32, #tpu.memory_space<hbm>>) target(%arg9 : memref<128x128xf32, #tpu.memory_space<vmem>>) offsets(%dma_start3A_17 : memref<128xi32, #tpu.memory_space<vmem>>) semaphore(%run_scoped3A : memref<!tpu.dma_semaphore, #tpu.memory_space<semaphore_mem>>)
        %dma_wait3A = arith.constant 0 : i32
        %dma_wait3A_21 = tpu.memref_slice %arg7[%add3A_15, %dma_wait3A] : memref<79x128xi32, #tpu.memory_space<vmem>> -> memref<1x128xi32, #tpu.memory_space<vmem>>
        %dma_wait3A_22 = tpu.memref_squeeze %dma_wait3A_21 : memref<1x128xi32, #tpu.memory_space<vmem>> -> memref<128xi32, #tpu.memory_space<vmem>>
        %dma_wait3A_23 = arith.constant 0 : i32
        %dma_wait3A_24 = arith.constant 0 : i32
        %dma_wait3A_25 = tpu.memref_slice %arg2[%dma_wait3A_23, %dma_wait3A_24] : memref<20000x128xf32, #tpu.memory_space<hbm>> -> memref<20000x128xf32, #tpu.memory_space<hbm>>
        tpu.wait_indirect_dma semaphore(%run_scoped3A : memref<!tpu.dma_semaphore, #tpu.memory_space<semaphore_mem>>) src(%dma_wait3A_25 : memref<20000x128xf32, #tpu.memory_space<hbm>>) dst(%arg9 : memref<128x128xf32, #tpu.memory_space<vmem>>)
        tpu.yield
      }) : () -> ()
      "tpu.region"() ({
        %run_scoped3A = tpu.sem_alloc : memref<!tpu.dma_semaphore, #tpu.memory_space<semaphore_mem>>
        %dma_start3A = arith.constant 0 : i32
        %dma_start3A_16 = tpu.memref_slice %arg8[%add3A_15, %dma_start3A] : memref<79x128xi32, #tpu.memory_space<vmem>> -> memref<1x128xi32, #tpu.memory_space<vmem>>
        %dma_start3A_17 = tpu.memref_squeeze %dma_start3A_16 : memref<1x128xi32, #tpu.memory_space<vmem>> -> memref<128xi32, #tpu.memory_space<vmem>>
        %dma_start3A_18 = arith.constant 0 : i32
        %dma_start3A_19 = arith.constant 0 : i32
        %dma_start3A_20 = tpu.memref_slice %arg10[%dma_start3A_18, %dma_start3A_19] : memref<10112x128xf32, #tpu.memory_space<vmem_shared>> -> memref<10112x128xf32, #tpu.memory_space<vmem_shared>>
        tpu.enqueue_indirect_dma source(%arg9 : memref<128x128xf32, #tpu.memory_space<vmem>>) target(%dma_start3A_20 : memref<10112x128xf32, #tpu.memory_space<vmem_shared>>) offsets(%dma_start3A_17 : memref<128xi32, #tpu.memory_space<vmem>>) semaphore(%run_scoped3A : memref<!tpu.dma_semaphore, #tpu.memory_space<semaphore_mem>>) {add = true}
        %dma_wait3A = arith.constant 0 : i32
        %dma_wait3A_21 = tpu.memref_slice %arg8[%add3A_15, %dma_wait3A] : memref<79x128xi32, #tpu.memory_space<vmem>> -> memref<1x128xi32, #tpu.memory_space<vmem>>
        %dma_wait3A_22 = tpu.memref_squeeze %dma_wait3A_21 : memref<1x128xi32, #tpu.memory_space<vmem>> -> memref<128xi32, #tpu.memory_space<vmem>>
        %dma_wait3A_23 = arith.constant 0 : i32
        %dma_wait3A_24 = arith.constant 0 : i32
        %dma_wait3A_25 = tpu.memref_slice %arg10[%dma_wait3A_23, %dma_wait3A_24] : memref<10112x128xf32, #tpu.memory_space<vmem_shared>> -> memref<10112x128xf32, #tpu.memory_space<vmem_shared>>
        tpu.wait_indirect_dma semaphore(%run_scoped3A : memref<!tpu.dma_semaphore, #tpu.memory_space<semaphore_mem>>) src(%arg9 : memref<128x128xf32, #tpu.memory_space<vmem>>) dst(%dma_wait3A_25 : memref<10112x128xf32, #tpu.memory_space<vmem_shared>>)
        tpu.yield
      }) : () -> ()
    }
    %scan3A_4 = arith.constant 79 : i32
    %barrier3A_5 = arith.constant 0 : index
    tpu.barrier barrier_id(%barrier3A_5)
    %lt3A = arith.constant 15 : i32
    %lt3A_6 = arith.cmpi slt, %arg1, %lt3A : i32
    %convert_element_type3A = arith.extui %lt3A_6 : i1 to i32
    %cond3A = arith.constant 0 : i32
    %cond3A_7 = arith.cmpi ne, %convert_element_type3A, %cond3A : i32
    scf.if %cond3A_7 {
      %mul3A_12 = arith.constant 632 : i32
      %mul3A_13 = arith.muli %arg1, %mul3A_12 : i32
      %multiple_of3A = tpu.assume_multiple %mul3A_13, 8 : i32
      "tpu.region"() ({
        %run_scoped3A = tpu.sem_alloc : memref<!tpu.dma_semaphore, #tpu.memory_space<semaphore_mem>>
        %dma_start3A = arith.constant 0 : i32
        %dma_start3A_14 = tpu.memref_slice %arg6[%arg0, %multiple_of3A, %dma_start3A] : memref<2x10000x128xf32, #tpu.memory_space<hbm>> -> memref<1x632x128xf32, #tpu.memory_space<hbm>>
        %dma_start3A_15 = tpu.memref_squeeze %dma_start3A_14 : memref<1x632x128xf32, #tpu.memory_space<hbm>> -> memref<632x128xf32, #tpu.memory_space<hbm>>
        %dma_start3A_16 = arith.constant 0 : i32
        %dma_start3A_17 = tpu.memref_slice %arg10[%multiple_of3A, %dma_start3A_16] : memref<10112x128xf32, #tpu.memory_space<vmem_shared>> -> memref<632x128xf32, #tpu.memory_space<vmem_shared>>
        tpu.enqueue_dma source(%dma_start3A_17 : memref<632x128xf32, #tpu.memory_space<vmem_shared>>) target(%dma_start3A_15 : memref<632x128xf32, #tpu.memory_space<hbm>>) target_semaphore(%run_scoped3A : memref<!tpu.dma_semaphore, #tpu.memory_space<semaphore_mem>>)
        %dma_wait3A = arith.constant 0 : i32
        %dma_wait3A_18 = tpu.memref_slice %arg6[%arg0, %multiple_of3A, %dma_wait3A] : memref<2x10000x128xf32, #tpu.memory_space<hbm>> -> memref<1x632x128xf32, #tpu.memory_space<hbm>>
        %dma_wait3A_19 = tpu.memref_squeeze %dma_wait3A_18 : memref<1x632x128xf32, #tpu.memory_space<hbm>> -> memref<632x128xf32, #tpu.memory_space<hbm>>
        %dma_wait3A_20 = arith.constant 0 : i32
        %dma_wait3A_21 = tpu.memref_slice %arg10[%multiple_of3A, %dma_wait3A_20] : memref<10112x128xf32, #tpu.memory_space<vmem_shared>> -> memref<632x128xf32, #tpu.memory_space<vmem_shared>>
        tpu.wait_dma2 semaphore(%run_scoped3A : memref<!tpu.dma_semaphore, #tpu.memory_space<semaphore_mem>>) src(%dma_wait3A_21 : memref<632x128xf32, #tpu.memory_space<vmem_shared>>) dst(%dma_wait3A_19 : memref<632x128xf32, #tpu.memory_space<hbm>>)
        tpu.yield
      }) : () -> ()
    } else {
    }
    %eq3A = arith.constant 15 : i32
    %eq3A_8 = arith.cmpi eq, %arg1, %eq3A : i32
    %convert_element_type3A_9 = arith.extui %eq3A_8 : i1 to i32
    %cond3A_10 = arith.constant 0 : i32
    %cond3A_11 = arith.cmpi ne, %convert_element_type3A_9, %cond3A_10 : i32
    scf.if %cond3A_11 {
      "tpu.region"() ({
        %run_scoped3A = tpu.sem_alloc : memref<!tpu.dma_semaphore, #tpu.memory_space<semaphore_mem>>
        %dma_start3A = arith.constant 9480 : i32
        %dma_start3A_12 = arith.constant 0 : i32
        %dma_start3A_13 = tpu.memref_slice %arg6[%arg0, %dma_start3A, %dma_start3A_12] : memref<2x10000x128xf32, #tpu.memory_space<hbm>> -> memref<1x520x128xf32, #tpu.memory_space<hbm>>
        %dma_start3A_14 = tpu.memref_squeeze %dma_start3A_13 : memref<1x520x128xf32, #tpu.memory_space<hbm>> -> memref<520x128xf32, #tpu.memory_space<hbm>>
        %dma_start3A_15 = arith.constant 9480 : i32
        %dma_start3A_16 = arith.constant 0 : i32
        %dma_start3A_17 = tpu.memref_slice %arg10[%dma_start3A_15, %dma_start3A_16] : memref<10112x128xf32, #tpu.memory_space<vmem_shared>> -> memref<520x128xf32, #tpu.memory_space<vmem_shared>>
        tpu.enqueue_dma source(%dma_start3A_17 : memref<520x128xf32, #tpu.memory_space<vmem_shared>>) target(%dma_start3A_14 : memref<520x128xf32, #tpu.memory_space<hbm>>) target_semaphore(%run_scoped3A : memref<!tpu.dma_semaphore, #tpu.memory_space<semaphore_mem>>)
        %dma_wait3A = arith.constant 9480 : i32
        %dma_wait3A_18 = arith.constant 0 : i32
        %dma_wait3A_19 = tpu.memref_slice %arg6[%arg0, %dma_wait3A, %dma_wait3A_18] : memref<2x10000x128xf32, #tpu.memory_space<hbm>> -> memref<1x520x128xf32, #tpu.memory_space<hbm>>
        %dma_wait3A_20 = tpu.memref_squeeze %dma_wait3A_19 : memref<1x520x128xf32, #tpu.memory_space<hbm>> -> memref<520x128xf32, #tpu.memory_space<hbm>>
        %dma_wait3A_21 = arith.constant 9480 : i32
        %dma_wait3A_22 = arith.constant 0 : i32
        %dma_wait3A_23 = tpu.memref_slice %arg10[%dma_wait3A_21, %dma_wait3A_22] : memref<10112x128xf32, #tpu.memory_space<vmem_shared>> -> memref<520x128xf32, #tpu.memory_space<vmem_shared>>
        tpu.wait_dma2 semaphore(%run_scoped3A : memref<!tpu.dma_semaphore, #tpu.memory_space<semaphore_mem>>) src(%dma_wait3A_23 : memref<520x128xf32, #tpu.memory_space<vmem_shared>>) dst(%dma_wait3A_20 : memref<520x128xf32, #tpu.memory_space<hbm>>)
        tpu.yield
      }) : () -> ()
    } else {
    }
    return
  }
}

#map = affine_map<(d0, d1) -> (0, 0)>
#map1 = affine_map<(d0, d1) -> (0, 0, 0, 0)>
#map2 = affine_map<(d0, d1) -> (0, 0, 0)>
module attributes {stable_mosaic.version = 14 : i64} {
  func.func @seg_sum(%arg0: i32, %arg1: i32, %arg2: memref<20000x128xf32, #tpu.memory_space<hbm>>, %arg3: memref<2x16x79x128xi32, #tpu.memory_space<hbm>>, %arg4: memref<16x79x128xi32, #tpu.memory_space<hbm>>, %arg5: memref<632x128xf32, #tpu.memory_space<hbm>>, %arg6: memref<2x10000x128xf32, #tpu.memory_space<hbm>>, %arg7: memref<79x128xi32, #tpu.memory_space<vmem>>, %arg8: memref<79x128xi32, #tpu.memory_space<vmem>>, %arg9: memref<128x128xf32, #tpu.memory_space<vmem>>, %arg10: memref<10112x128xf32, #tpu.memory_space<vmem_shared>>) attributes {dimension_semantics = [#tpu.dimension_semantics<core_parallel>, #tpu.dimension_semantics<subcore_parallel>], iteration_bounds = array<i64: 2, 16>, scalar_prefetch = 0 : i64, scratch_operands = 4 : i64, tpu.core_type = #tpu.core_type<sc_vector_subcore>, window_params = [{transform_indices = #map}, {transform_indices = #map1}, {transform_indices = #map2}, {transform_indices = #map}, {transform_indices = #map2}]} {
    "tpu.region"() ({
      %run_scoped3A = tpu.sem_alloc : memref<!tpu.dma_semaphore, #tpu.memory_space<semaphore_mem>>
      %dma_start3A = arith.constant 0 : i32
      %dma_start3A_12 = arith.constant 0 : i32
      %dma_start3A_13 = tpu.memref_slice %arg3[%arg0, %arg1, %dma_start3A, %dma_start3A_12] : memref<2x16x79x128xi32, #tpu.memory_space<hbm>> -> memref<1x1x79x128xi32, #tpu.memory_space<hbm>>
      %dma_start3A_14 = tpu.memref_squeeze %dma_start3A_13 : memref<1x1x79x128xi32, #tpu.memory_space<hbm>> -> memref<79x128xi32, #tpu.memory_space<hbm>>
      %dma_start3A_15 = arith.constant 0 : i32
      %dma_start3A_16 = arith.constant 0 : i32
      %dma_start3A_17 = tpu.memref_slice %arg3[%arg0, %arg1, %dma_start3A_15, %dma_start3A_16] : memref<2x16x79x128xi32, #tpu.memory_space<hbm>> -> memref<1x1x79x128xi32, #tpu.memory_space<hbm>>
      %dma_start3A_18 = tpu.memref_squeeze %dma_start3A_17 : memref<1x1x79x128xi32, #tpu.memory_space<hbm>> -> memref<79x128xi32, #tpu.memory_space<hbm>>
      tpu.enqueue_dma source(%dma_start3A_18 : memref<79x128xi32, #tpu.memory_space<hbm>>) target(%arg7 : memref<79x128xi32, #tpu.memory_space<vmem>>) target_semaphore(%run_scoped3A : memref<!tpu.dma_semaphore, #tpu.memory_space<semaphore_mem>>)
      %dma_wait3A = arith.constant 0 : i32
      %dma_wait3A_19 = arith.constant 0 : i32
      %dma_wait3A_20 = tpu.memref_slice %arg3[%arg0, %arg1, %dma_wait3A, %dma_wait3A_19] : memref<2x16x79x128xi32, #tpu.memory_space<hbm>> -> memref<1x1x79x128xi32, #tpu.memory_space<hbm>>
      %dma_wait3A_21 = tpu.memref_squeeze %dma_wait3A_20 : memref<1x1x79x128xi32, #tpu.memory_space<hbm>> -> memref<79x128xi32, #tpu.memory_space<hbm>>
      %dma_wait3A_22 = arith.constant 0 : i32
      %dma_wait3A_23 = arith.constant 0 : i32
      %dma_wait3A_24 = tpu.memref_slice %arg3[%arg0, %arg1, %dma_wait3A_22, %dma_wait3A_23] : memref<2x16x79x128xi32, #tpu.memory_space<hbm>> -> memref<1x1x79x128xi32, #tpu.memory_space<hbm>>
      %dma_wait3A_25 = tpu.memref_squeeze %dma_wait3A_24 : memref<1x1x79x128xi32, #tpu.memory_space<hbm>> -> memref<79x128xi32, #tpu.memory_space<hbm>>
      tpu.wait_dma2 semaphore(%run_scoped3A : memref<!tpu.dma_semaphore, #tpu.memory_space<semaphore_mem>>) src(%dma_wait3A_25 : memref<79x128xi32, #tpu.memory_space<hbm>>) dst(%arg7 : memref<79x128xi32, #tpu.memory_space<vmem>>)
      tpu.yield
    }) : () -> ()
    "tpu.region"() ({
      %run_scoped3A = tpu.sem_alloc : memref<!tpu.dma_semaphore, #tpu.memory_space<semaphore_mem>>
      %dma_start3A = arith.constant 0 : i32
      %dma_start3A_12 = arith.constant 0 : i32
      %dma_start3A_13 = tpu.memref_slice %arg4[%arg1, %dma_start3A, %dma_start3A_12] : memref<16x79x128xi32, #tpu.memory_space<hbm>> -> memref<1x79x128xi32, #tpu.memory_space<hbm>>
      %dma_start3A_14 = tpu.memref_squeeze %dma_start3A_13 : memref<1x79x128xi32, #tpu.memory_space<hbm>> -> memref<79x128xi32, #tpu.memory_space<hbm>>
      %dma_start3A_15 = arith.constant 0 : i32
      %dma_start3A_16 = arith.constant 0 : i32
      %dma_start3A_17 = tpu.memref_slice %arg4[%arg1, %dma_start3A_15, %dma_start3A_16] : memref<16x79x128xi32, #tpu.memory_space<hbm>> -> memref<1x79x128xi32, #tpu.memory_space<hbm>>
      %dma_start3A_18 = tpu.memref_squeeze %dma_start3A_17 : memref<1x79x128xi32, #tpu.memory_space<hbm>> -> memref<79x128xi32, #tpu.memory_space<hbm>>
      tpu.enqueue_dma source(%dma_start3A_18 : memref<79x128xi32, #tpu.memory_space<hbm>>) target(%arg8 : memref<79x128xi32, #tpu.memory_space<vmem>>) target_semaphore(%run_scoped3A : memref<!tpu.dma_semaphore, #tpu.memory_space<semaphore_mem>>)
      %dma_wait3A = arith.constant 0 : i32
      %dma_wait3A_19 = arith.constant 0 : i32
      %dma_wait3A_20 = tpu.memref_slice %arg4[%arg1, %dma_wait3A, %dma_wait3A_19] : memref<16x79x128xi32, #tpu.memory_space<hbm>> -> memref<1x79x128xi32, #tpu.memory_space<hbm>>
      %dma_wait3A_21 = tpu.memref_squeeze %dma_wait3A_20 : memref<1x79x128xi32, #tpu.memory_space<hbm>> -> memref<79x128xi32, #tpu.memory_space<hbm>>
      %dma_wait3A_22 = arith.constant 0 : i32
      %dma_wait3A_23 = arith.constant 0 : i32
      %dma_wait3A_24 = tpu.memref_slice %arg4[%arg1, %dma_wait3A_22, %dma_wait3A_23] : memref<16x79x128xi32, #tpu.memory_space<hbm>> -> memref<1x79x128xi32, #tpu.memory_space<hbm>>
      %dma_wait3A_25 = tpu.memref_squeeze %dma_wait3A_24 : memref<1x79x128xi32, #tpu.memory_space<hbm>> -> memref<79x128xi32, #tpu.memory_space<hbm>>
      tpu.wait_dma2 semaphore(%run_scoped3A : memref<!tpu.dma_semaphore, #tpu.memory_space<semaphore_mem>>) src(%dma_wait3A_25 : memref<79x128xi32, #tpu.memory_space<hbm>>) dst(%arg8 : memref<79x128xi32, #tpu.memory_space<vmem>>)
      tpu.yield
    }) : () -> ()
    %mul3A = arith.constant 632 : i32
    %mul3A_0 = arith.muli %arg1, %mul3A : i32
    "tpu.region"() ({
      %run_scoped3A = tpu.sem_alloc : memref<!tpu.dma_semaphore, #tpu.memory_space<semaphore_mem>>
      %dma_start3A = arith.constant 0 : i32
      %dma_start3A_12 = tpu.memref_slice %arg10[%mul3A_0, %dma_start3A] : memref<10112x128xf32, #tpu.memory_space<vmem_shared>> -> memref<632x128xf32, #tpu.memory_space<vmem_shared>>
      tpu.enqueue_dma source(%arg5 : memref<632x128xf32, #tpu.memory_space<hbm>>) target(%dma_start3A_12 : memref<632x128xf32, #tpu.memory_space<vmem_shared>>) target_semaphore(%run_scoped3A : memref<!tpu.dma_semaphore, #tpu.memory_space<semaphore_mem>>)
      %dma_wait3A = arith.constant 0 : i32
      %dma_wait3A_13 = tpu.memref_slice %arg10[%mul3A_0, %dma_wait3A] : memref<10112x128xf32, #tpu.memory_space<vmem_shared>> -> memref<632x128xf32, #tpu.memory_space<vmem_shared>>
      tpu.wait_dma2 semaphore(%run_scoped3A : memref<!tpu.dma_semaphore, #tpu.memory_space<semaphore_mem>>) src(%arg5 : memref<632x128xf32, #tpu.memory_space<hbm>>) dst(%dma_wait3A_13 : memref<632x128xf32, #tpu.memory_space<vmem_shared>>)
      tpu.yield
    }) : () -> ()
    %barrier3A = arith.constant 0 : index
    tpu.barrier barrier_id(%barrier3A)
    %scan3A = arith.constant 0 : i32
    %scan3A_1 = arith.constant 79 : i32
    %scan3A_2 = arith.addi %scan3A, %scan3A_1 : i32
    %scan3A_3 = arith.constant 1 : i32
    scf.for %scan3A_12 = %scan3A to %scan3A_2 step %scan3A_3  : i32 {
      %mul3A_13 = arith.constant 1 : i32
      %mul3A_14 = arith.muli %scan3A_12, %mul3A_13 : i32
      %add3A = arith.constant 0 : i32
      %add3A_15 = arith.addi %add3A, %mul3A_14 : i32
      "tpu.region"() ({
        %run_scoped3A = tpu.sem_alloc : memref<!tpu.dma_semaphore, #tpu.memory_space<semaphore_mem>>
        %dma_start3A = arith.constant 0 : i32
        %dma_start3A_16 = tpu.memref_slice %arg7[%add3A_15, %dma_start3A] : memref<79x128xi32, #tpu.memory_space<vmem>> -> memref<1x128xi32, #tpu.memory_space<vmem>>
        %dma_start3A_17 = tpu.memref_squeeze %dma_start3A_16 : memref<1x128xi32, #tpu.memory_space<vmem>> -> memref<128xi32, #tpu.memory_space<vmem>>
        %dma_start3A_18 = arith.constant 0 : i32
        %dma_start3A_19 = arith.constant 0 : i32
        %dma_start3A_20 = tpu.memref_slice %arg2[%dma_start3A_18, %dma_start3A_19] : memref<20000x128xf32, #tpu.memory_space<hbm>> -> memref<20000x128xf32, #tpu.memory_space<hbm>>
        tpu.enqueue_indirect_dma source(%dma_start3A_20 : memref<20000x128xf32, #tpu.memory_space<hbm>>) target(%arg9 : memref<128x128xf32, #tpu.memory_space<vmem>>) offsets(%dma_start3A_17 : memref<128xi32, #tpu.memory_space<vmem>>) semaphore(%run_scoped3A : memref<!tpu.dma_semaphore, #tpu.memory_space<semaphore_mem>>)
        %dma_wait3A = arith.constant 0 : i32
        %dma_wait3A_21 = tpu.memref_slice %arg7[%add3A_15, %dma_wait3A] : memref<79x128xi32, #tpu.memory_space<vmem>> -> memref<1x128xi32, #tpu.memory_space<vmem>>
        %dma_wait3A_22 = tpu.memref_squeeze %dma_wait3A_21 : memref<1x128xi32, #tpu.memory_space<vmem>> -> memref<128xi32, #tpu.memory_space<vmem>>
        %dma_wait3A_23 = arith.constant 0 : i32
        %dma_wait3A_24 = arith.constant 0 : i32
        %dma_wait3A_25 = tpu.memref_slice %arg2[%dma_wait3A_23, %dma_wait3A_24] : memref<20000x128xf32, #tpu.memory_space<hbm>> -> memref<20000x128xf32, #tpu.memory_space<hbm>>
        tpu.wait_indirect_dma semaphore(%run_scoped3A : memref<!tpu.dma_semaphore, #tpu.memory_space<semaphore_mem>>) src(%dma_wait3A_25 : memref<20000x128xf32, #tpu.memory_space<hbm>>) dst(%arg9 : memref<128x128xf32, #tpu.memory_space<vmem>>)
        tpu.yield
      }) : () -> ()
      "tpu.region"() ({
        %run_scoped3A = tpu.sem_alloc : memref<!tpu.dma_semaphore, #tpu.memory_space<semaphore_mem>>
        %dma_start3A = arith.constant 0 : i32
        %dma_start3A_16 = tpu.memref_slice %arg8[%add3A_15, %dma_start3A] : memref<79x128xi32, #tpu.memory_space<vmem>> -> memref<1x128xi32, #tpu.memory_space<vmem>>
        %dma_start3A_17 = tpu.memref_squeeze %dma_start3A_16 : memref<1x128xi32, #tpu.memory_space<vmem>> -> memref<128xi32, #tpu.memory_space<vmem>>
        %dma_start3A_18 = arith.constant 0 : i32
        %dma_start3A_19 = arith.constant 0 : i32
        %dma_start3A_20 = tpu.memref_slice %arg10[%dma_start3A_18, %dma_start3A_19] : memref<10112x128xf32, #tpu.memory_space<vmem_shared>> -> memref<10112x128xf32, #tpu.memory_space<vmem_shared>>
        tpu.enqueue_indirect_dma source(%arg9 : memref<128x128xf32, #tpu.memory_space<vmem>>) target(%dma_start3A_20 : memref<10112x128xf32, #tpu.memory_space<vmem_shared>>) offsets(%dma_start3A_17 : memref<128xi32, #tpu.memory_space<vmem>>) semaphore(%run_scoped3A : memref<!tpu.dma_semaphore, #tpu.memory_space<semaphore_mem>>) {add = true}
        %dma_wait3A = arith.constant 0 : i32
        %dma_wait3A_21 = tpu.memref_slice %arg8[%add3A_15, %dma_wait3A] : memref<79x128xi32, #tpu.memory_space<vmem>> -> memref<1x128xi32, #tpu.memory_space<vmem>>
        %dma_wait3A_22 = tpu.memref_squeeze %dma_wait3A_21 : memref<1x128xi32, #tpu.memory_space<vmem>> -> memref<128xi32, #tpu.memory_space<vmem>>
        %dma_wait3A_23 = arith.constant 0 : i32
        %dma_wait3A_24 = arith.constant 0 : i32
        %dma_wait3A_25 = tpu.memref_slice %arg10[%dma_wait3A_23, %dma_wait3A_24] : memref<10112x128xf32, #tpu.memory_space<vmem_shared>> -> memref<10112x128xf32, #tpu.memory_space<vmem_shared>>
        tpu.wait_indirect_dma semaphore(%run_scoped3A : memref<!tpu.dma_semaphore, #tpu.memory_space<semaphore_mem>>) src(%arg9 : memref<128x128xf32, #tpu.memory_space<vmem>>) dst(%dma_wait3A_25 : memref<10112x128xf32, #tpu.memory_space<vmem_shared>>)
        tpu.yield
      }) : () -> ()
    }
    %scan3A_4 = arith.constant 79 : i32
    %barrier3A_5 = arith.constant 0 : index
    tpu.barrier barrier_id(%barrier3A_5)
    %lt3A = arith.constant 15 : i32
    %lt3A_6 = arith.cmpi slt, %arg1, %lt3A : i32
    %convert_element_type3A = arith.extui %lt3A_6 : i1 to i32
    %cond3A = arith.constant 0 : i32
    %cond3A_7 = arith.cmpi ne, %convert_element_type3A, %cond3A : i32
    scf.if %cond3A_7 {
      %mul3A_12 = arith.constant 632 : i32
      %mul3A_13 = arith.muli %arg1, %mul3A_12 : i32
      %multiple_of3A = tpu.assume_multiple %mul3A_13, 8 : i32
      "tpu.region"() ({
        %run_scoped3A = tpu.sem_alloc : memref<!tpu.dma_semaphore, #tpu.memory_space<semaphore_mem>>
        %dma_start3A = arith.constant 0 : i32
        %dma_start3A_14 = tpu.memref_slice %arg6[%arg0, %multiple_of3A, %dma_start3A] : memref<2x10000x128xf32, #tpu.memory_space<hbm>> -> memref<1x632x128xf32, #tpu.memory_space<hbm>>
        %dma_start3A_15 = tpu.memref_squeeze %dma_start3A_14 : memref<1x632x128xf32, #tpu.memory_space<hbm>> -> memref<632x128xf32, #tpu.memory_space<hbm>>
        %dma_start3A_16 = arith.constant 0 : i32
        %dma_start3A_17 = tpu.memref_slice %arg10[%multiple_of3A, %dma_start3A_16] : memref<10112x128xf32, #tpu.memory_space<vmem_shared>> -> memref<632x128xf32, #tpu.memory_space<vmem_shared>>
        tpu.enqueue_dma source(%dma_start3A_17 : memref<632x128xf32, #tpu.memory_space<vmem_shared>>) target(%dma_start3A_15 : memref<632x128xf32, #tpu.memory_space<hbm>>) target_semaphore(%run_scoped3A : memref<!tpu.dma_semaphore, #tpu.memory_space<semaphore_mem>>)
        %dma_wait3A = arith.constant 0 : i32
        %dma_wait3A_18 = tpu.memref_slice %arg6[%arg0, %multiple_of3A, %dma_wait3A] : memref<2x10000x128xf32, #tpu.memory_space<hbm>> -> memref<1x632x128xf32, #tpu.memory_space<hbm>>
        %dma_wait3A_19 = tpu.memref_squeeze %dma_wait3A_18 : memref<1x632x128xf32, #tpu.memory_space<hbm>> -> memref<632x128xf32, #tpu.memory_space<hbm>>
        %dma_wait3A_20 = arith.constant 0 : i32
        %dma_wait3A_21 = tpu.memref_slice %arg10[%multiple_of3A, %dma_wait3A_20] : memref<10112x128xf32, #tpu.memory_space<vmem_shared>> -> memref<632x128xf32, #tpu.memory_space<vmem_shared>>
        tpu.wait_dma2 semaphore(%run_scoped3A : memref<!tpu.dma_semaphore, #tpu.memory_space<semaphore_mem>>) src(%dma_wait3A_21 : memref<632x128xf32, #tpu.memory_space<vmem_shared>>) dst(%dma_wait3A_19 : memref<632x128xf32, #tpu.memory_space<hbm>>)
        tpu.yield
      }) : () -> ()
    } else {
    }
    %eq3A = arith.constant 15 : i32
    %eq3A_8 = arith.cmpi eq, %arg1, %eq3A : i32
    %convert_element_type3A_9 = arith.extui %eq3A_8 : i1 to i32
    %cond3A_10 = arith.constant 0 : i32
    %cond3A_11 = arith.cmpi ne, %convert_element_type3A_9, %cond3A_10 : i32
    scf.if %cond3A_11 {
      "tpu.region"() ({
        %run_scoped3A = tpu.sem_alloc : memref<!tpu.dma_semaphore, #tpu.memory_space<semaphore_mem>>
        %dma_start3A = arith.constant 9480 : i32
        %dma_start3A_12 = arith.constant 0 : i32
        %dma_start3A_13 = tpu.memref_slice %arg6[%arg0, %dma_start3A, %dma_start3A_12] : memref<2x10000x128xf32, #tpu.memory_space<hbm>> -> memref<1x520x128xf32, #tpu.memory_space<hbm>>
        %dma_start3A_14 = tpu.memref_squeeze %dma_start3A_13 : memref<1x520x128xf32, #tpu.memory_space<hbm>> -> memref<520x128xf32, #tpu.memory_space<hbm>>
        %dma_start3A_15 = arith.constant 9480 : i32
        %dma_start3A_16 = arith.constant 0 : i32
        %dma_start3A_17 = tpu.memref_slice %arg10[%dma_start3A_15, %dma_start3A_16] : memref<10112x128xf32, #tpu.memory_space<vmem_shared>> -> memref<520x128xf32, #tpu.memory_space<vmem_shared>>
        tpu.enqueue_dma source(%dma_start3A_17 : memref<520x128xf32, #tpu.memory_space<vmem_shared>>) target(%dma_start3A_14 : memref<520x128xf32, #tpu.memory_space<hbm>>) target_semaphore(%run_scoped3A : memref<!tpu.dma_semaphore, #tpu.memory_space<semaphore_mem>>)
        %dma_wait3A = arith.constant 9480 : i32
        %dma_wait3A_18 = arith.constant 0 : i32
        %dma_wait3A_19 = tpu.memref_slice %arg6[%arg0, %dma_wait3A, %dma_wait3A_18] : memref<2x10000x128xf32, #tpu.memory_space<hbm>> -> memref<1x520x128xf32, #tpu.memory_space<hbm>>
        %dma_wait3A_20 = tpu.memref_squeeze %dma_wait3A_19 : memref<1x520x128xf32, #tpu.memory_space<hbm>> -> memref<520x128xf32, #tpu.memory_space<hbm>>
        %dma_wait3A_21 = arith.constant 9480 : i32
        %dma_wait3A_22 = arith.constant 0 : i32
        %dma_wait3A_23 = tpu.memref_slice %arg10[%dma_wait3A_21, %dma_wait3A_22] : memref<10112x128xf32, #tpu.memory_space<vmem_shared>> -> memref<520x128xf32, #tpu.memory_space<vmem_shared>>
        tpu.wait_dma2 semaphore(%run_scoped3A : memref<!tpu.dma_semaphore, #tpu.memory_space<semaphore_mem>>) src(%dma_wait3A_23 : memref<520x128xf32, #tpu.memory_space<vmem_shared>>) dst(%dma_wait3A_20 : memref<520x128xf32, #tpu.memory_space<hbm>>)
        tpu.yield
      }) : () -> ()
    } else {
    }
    return
  }
}

#map = affine_map<(d0, d1) -> (0, 0)>
#map1 = affine_map<(d0, d1) -> (0, 0, 0, 0)>
#map2 = affine_map<(d0, d1) -> (0, 0, 0)>
module attributes {stable_mosaic.version = 14 : i64} {
  func.func @seg_sum(%arg0: i32, %arg1: i32, %arg2: memref<20000x128xf32, #tpu.memory_space<hbm>>, %arg3: memref<2x16x79x128xi32, #tpu.memory_space<hbm>>, %arg4: memref<16x79x128xi32, #tpu.memory_space<hbm>>, %arg5: memref<632x128xf32, #tpu.memory_space<hbm>>, %arg6: memref<2x10000x128xf32, #tpu.memory_space<hbm>>, %arg7: memref<79x128xi32, #tpu.memory_space<vmem>>, %arg8: memref<79x128xi32, #tpu.memory_space<vmem>>, %arg9: memref<128x128xf32, #tpu.memory_space<vmem>>, %arg10: memref<10112x128xf32, #tpu.memory_space<vmem_shared>>) attributes {dimension_semantics = [#tpu.dimension_semantics<core_parallel>, #tpu.dimension_semantics<subcore_parallel>], iteration_bounds = array<i64: 2, 16>, scalar_prefetch = 0 : i64, scratch_operands = 4 : i64, tpu.core_type = #tpu.core_type<sc_vector_subcore>, window_params = [{transform_indices = #map}, {transform_indices = #map1}, {transform_indices = #map2}, {transform_indices = #map}, {transform_indices = #map2}]} {
    "tpu.region"() ({
      %run_scoped3A = tpu.sem_alloc : memref<!tpu.dma_semaphore, #tpu.memory_space<semaphore_mem>>
      %dma_start3A = arith.constant 0 : i32
      %dma_start3A_12 = arith.constant 0 : i32
      %dma_start3A_13 = tpu.memref_slice %arg3[%arg0, %arg1, %dma_start3A, %dma_start3A_12] : memref<2x16x79x128xi32, #tpu.memory_space<hbm>> -> memref<1x1x79x128xi32, #tpu.memory_space<hbm>>
      %dma_start3A_14 = tpu.memref_squeeze %dma_start3A_13 : memref<1x1x79x128xi32, #tpu.memory_space<hbm>> -> memref<79x128xi32, #tpu.memory_space<hbm>>
      %dma_start3A_15 = arith.constant 0 : i32
      %dma_start3A_16 = arith.constant 0 : i32
      %dma_start3A_17 = tpu.memref_slice %arg3[%arg0, %arg1, %dma_start3A_15, %dma_start3A_16] : memref<2x16x79x128xi32, #tpu.memory_space<hbm>> -> memref<1x1x79x128xi32, #tpu.memory_space<hbm>>
      %dma_start3A_18 = tpu.memref_squeeze %dma_start3A_17 : memref<1x1x79x128xi32, #tpu.memory_space<hbm>> -> memref<79x128xi32, #tpu.memory_space<hbm>>
      tpu.enqueue_dma source(%dma_start3A_18 : memref<79x128xi32, #tpu.memory_space<hbm>>) target(%arg7 : memref<79x128xi32, #tpu.memory_space<vmem>>) target_semaphore(%run_scoped3A : memref<!tpu.dma_semaphore, #tpu.memory_space<semaphore_mem>>)
      %dma_wait3A = arith.constant 0 : i32
      %dma_wait3A_19 = arith.constant 0 : i32
      %dma_wait3A_20 = tpu.memref_slice %arg3[%arg0, %arg1, %dma_wait3A, %dma_wait3A_19] : memref<2x16x79x128xi32, #tpu.memory_space<hbm>> -> memref<1x1x79x128xi32, #tpu.memory_space<hbm>>
      %dma_wait3A_21 = tpu.memref_squeeze %dma_wait3A_20 : memref<1x1x79x128xi32, #tpu.memory_space<hbm>> -> memref<79x128xi32, #tpu.memory_space<hbm>>
      %dma_wait3A_22 = arith.constant 0 : i32
      %dma_wait3A_23 = arith.constant 0 : i32
      %dma_wait3A_24 = tpu.memref_slice %arg3[%arg0, %arg1, %dma_wait3A_22, %dma_wait3A_23] : memref<2x16x79x128xi32, #tpu.memory_space<hbm>> -> memref<1x1x79x128xi32, #tpu.memory_space<hbm>>
      %dma_wait3A_25 = tpu.memref_squeeze %dma_wait3A_24 : memref<1x1x79x128xi32, #tpu.memory_space<hbm>> -> memref<79x128xi32, #tpu.memory_space<hbm>>
      tpu.wait_dma2 semaphore(%run_scoped3A : memref<!tpu.dma_semaphore, #tpu.memory_space<semaphore_mem>>) src(%dma_wait3A_25 : memref<79x128xi32, #tpu.memory_space<hbm>>) dst(%arg7 : memref<79x128xi32, #tpu.memory_space<vmem>>)
      tpu.yield
    }) : () -> ()
    "tpu.region"() ({
      %run_scoped3A = tpu.sem_alloc : memref<!tpu.dma_semaphore, #tpu.memory_space<semaphore_mem>>
      %dma_start3A = arith.constant 0 : i32
      %dma_start3A_12 = arith.constant 0 : i32
      %dma_start3A_13 = tpu.memref_slice %arg4[%arg1, %dma_start3A, %dma_start3A_12] : memref<16x79x128xi32, #tpu.memory_space<hbm>> -> memref<1x79x128xi32, #tpu.memory_space<hbm>>
      %dma_start3A_14 = tpu.memref_squeeze %dma_start3A_13 : memref<1x79x128xi32, #tpu.memory_space<hbm>> -> memref<79x128xi32, #tpu.memory_space<hbm>>
      %dma_start3A_15 = arith.constant 0 : i32
      %dma_start3A_16 = arith.constant 0 : i32
      %dma_start3A_17 = tpu.memref_slice %arg4[%arg1, %dma_start3A_15, %dma_start3A_16] : memref<16x79x128xi32, #tpu.memory_space<hbm>> -> memref<1x79x128xi32, #tpu.memory_space<hbm>>
      %dma_start3A_18 = tpu.memref_squeeze %dma_start3A_17 : memref<1x79x128xi32, #tpu.memory_space<hbm>> -> memref<79x128xi32, #tpu.memory_space<hbm>>
      tpu.enqueue_dma source(%dma_start3A_18 : memref<79x128xi32, #tpu.memory_space<hbm>>) target(%arg8 : memref<79x128xi32, #tpu.memory_space<vmem>>) target_semaphore(%run_scoped3A : memref<!tpu.dma_semaphore, #tpu.memory_space<semaphore_mem>>)
      %dma_wait3A = arith.constant 0 : i32
      %dma_wait3A_19 = arith.constant 0 : i32
      %dma_wait3A_20 = tpu.memref_slice %arg4[%arg1, %dma_wait3A, %dma_wait3A_19] : memref<16x79x128xi32, #tpu.memory_space<hbm>> -> memref<1x79x128xi32, #tpu.memory_space<hbm>>
      %dma_wait3A_21 = tpu.memref_squeeze %dma_wait3A_20 : memref<1x79x128xi32, #tpu.memory_space<hbm>> -> memref<79x128xi32, #tpu.memory_space<hbm>>
      %dma_wait3A_22 = arith.constant 0 : i32
      %dma_wait3A_23 = arith.constant 0 : i32
      %dma_wait3A_24 = tpu.memref_slice %arg4[%arg1, %dma_wait3A_22, %dma_wait3A_23] : memref<16x79x128xi32, #tpu.memory_space<hbm>> -> memref<1x79x128xi32, #tpu.memory_space<hbm>>
      %dma_wait3A_25 = tpu.memref_squeeze %dma_wait3A_24 : memref<1x79x128xi32, #tpu.memory_space<hbm>> -> memref<79x128xi32, #tpu.memory_space<hbm>>
      tpu.wait_dma2 semaphore(%run_scoped3A : memref<!tpu.dma_semaphore, #tpu.memory_space<semaphore_mem>>) src(%dma_wait3A_25 : memref<79x128xi32, #tpu.memory_space<hbm>>) dst(%arg8 : memref<79x128xi32, #tpu.memory_space<vmem>>)
      tpu.yield
    }) : () -> ()
    %mul3A = arith.constant 632 : i32
    %mul3A_0 = arith.muli %arg1, %mul3A : i32
    "tpu.region"() ({
      %run_scoped3A = tpu.sem_alloc : memref<!tpu.dma_semaphore, #tpu.memory_space<semaphore_mem>>
      %dma_start3A = arith.constant 0 : i32
      %dma_start3A_12 = tpu.memref_slice %arg10[%mul3A_0, %dma_start3A] : memref<10112x128xf32, #tpu.memory_space<vmem_shared>> -> memref<632x128xf32, #tpu.memory_space<vmem_shared>>
      tpu.enqueue_dma source(%arg5 : memref<632x128xf32, #tpu.memory_space<hbm>>) target(%dma_start3A_12 : memref<632x128xf32, #tpu.memory_space<vmem_shared>>) target_semaphore(%run_scoped3A : memref<!tpu.dma_semaphore, #tpu.memory_space<semaphore_mem>>)
      %dma_wait3A = arith.constant 0 : i32
      %dma_wait3A_13 = tpu.memref_slice %arg10[%mul3A_0, %dma_wait3A] : memref<10112x128xf32, #tpu.memory_space<vmem_shared>> -> memref<632x128xf32, #tpu.memory_space<vmem_shared>>
      tpu.wait_dma2 semaphore(%run_scoped3A : memref<!tpu.dma_semaphore, #tpu.memory_space<semaphore_mem>>) src(%arg5 : memref<632x128xf32, #tpu.memory_space<hbm>>) dst(%dma_wait3A_13 : memref<632x128xf32, #tpu.memory_space<vmem_shared>>)
      tpu.yield
    }) : () -> ()
    %barrier3A = arith.constant 0 : index
    tpu.barrier barrier_id(%barrier3A)
    %scan3A = arith.constant 0 : i32
    %scan3A_1 = arith.constant 79 : i32
    %scan3A_2 = arith.addi %scan3A, %scan3A_1 : i32
    %scan3A_3 = arith.constant 1 : i32
    scf.for %scan3A_12 = %scan3A to %scan3A_2 step %scan3A_3  : i32 {
      %mul3A_13 = arith.constant 1 : i32
      %mul3A_14 = arith.muli %scan3A_12, %mul3A_13 : i32
      %add3A = arith.constant 0 : i32
      %add3A_15 = arith.addi %add3A, %mul3A_14 : i32
      "tpu.region"() ({
        %run_scoped3A = tpu.sem_alloc : memref<!tpu.dma_semaphore, #tpu.memory_space<semaphore_mem>>
        %dma_start3A = arith.constant 0 : i32
        %dma_start3A_16 = tpu.memref_slice %arg7[%add3A_15, %dma_start3A] : memref<79x128xi32, #tpu.memory_space<vmem>> -> memref<1x128xi32, #tpu.memory_space<vmem>>
        %dma_start3A_17 = tpu.memref_squeeze %dma_start3A_16 : memref<1x128xi32, #tpu.memory_space<vmem>> -> memref<128xi32, #tpu.memory_space<vmem>>
        %dma_start3A_18 = arith.constant 0 : i32
        %dma_start3A_19 = arith.constant 0 : i32
        %dma_start3A_20 = tpu.memref_slice %arg2[%dma_start3A_18, %dma_start3A_19] : memref<20000x128xf32, #tpu.memory_space<hbm>> -> memref<20000x128xf32, #tpu.memory_space<hbm>>
        tpu.enqueue_indirect_dma source(%dma_start3A_20 : memref<20000x128xf32, #tpu.memory_space<hbm>>) target(%arg9 : memref<128x128xf32, #tpu.memory_space<vmem>>) offsets(%dma_start3A_17 : memref<128xi32, #tpu.memory_space<vmem>>) semaphore(%run_scoped3A : memref<!tpu.dma_semaphore, #tpu.memory_space<semaphore_mem>>)
        %dma_wait3A = arith.constant 0 : i32
        %dma_wait3A_21 = tpu.memref_slice %arg7[%add3A_15, %dma_wait3A] : memref<79x128xi32, #tpu.memory_space<vmem>> -> memref<1x128xi32, #tpu.memory_space<vmem>>
        %dma_wait3A_22 = tpu.memref_squeeze %dma_wait3A_21 : memref<1x128xi32, #tpu.memory_space<vmem>> -> memref<128xi32, #tpu.memory_space<vmem>>
        %dma_wait3A_23 = arith.constant 0 : i32
        %dma_wait3A_24 = arith.constant 0 : i32
        %dma_wait3A_25 = tpu.memref_slice %arg2[%dma_wait3A_23, %dma_wait3A_24] : memref<20000x128xf32, #tpu.memory_space<hbm>> -> memref<20000x128xf32, #tpu.memory_space<hbm>>
        tpu.wait_indirect_dma semaphore(%run_scoped3A : memref<!tpu.dma_semaphore, #tpu.memory_space<semaphore_mem>>) src(%dma_wait3A_25 : memref<20000x128xf32, #tpu.memory_space<hbm>>) dst(%arg9 : memref<128x128xf32, #tpu.memory_space<vmem>>)
        tpu.yield
      }) : () -> ()
      "tpu.region"() ({
        %run_scoped3A = tpu.sem_alloc : memref<!tpu.dma_semaphore, #tpu.memory_space<semaphore_mem>>
        %dma_start3A = arith.constant 0 : i32
        %dma_start3A_16 = tpu.memref_slice %arg8[%add3A_15, %dma_start3A] : memref<79x128xi32, #tpu.memory_space<vmem>> -> memref<1x128xi32, #tpu.memory_space<vmem>>
        %dma_start3A_17 = tpu.memref_squeeze %dma_start3A_16 : memref<1x128xi32, #tpu.memory_space<vmem>> -> memref<128xi32, #tpu.memory_space<vmem>>
        %dma_start3A_18 = arith.constant 0 : i32
        %dma_start3A_19 = arith.constant 0 : i32
        %dma_start3A_20 = tpu.memref_slice %arg10[%dma_start3A_18, %dma_start3A_19] : memref<10112x128xf32, #tpu.memory_space<vmem_shared>> -> memref<10112x128xf32, #tpu.memory_space<vmem_shared>>
        tpu.enqueue_indirect_dma source(%arg9 : memref<128x128xf32, #tpu.memory_space<vmem>>) target(%dma_start3A_20 : memref<10112x128xf32, #tpu.memory_space<vmem_shared>>) offsets(%dma_start3A_17 : memref<128xi32, #tpu.memory_space<vmem>>) semaphore(%run_scoped3A : memref<!tpu.dma_semaphore, #tpu.memory_space<semaphore_mem>>) {add = true}
        %dma_wait3A = arith.constant 0 : i32
        %dma_wait3A_21 = tpu.memref_slice %arg8[%add3A_15, %dma_wait3A] : memref<79x128xi32, #tpu.memory_space<vmem>> -> memref<1x128xi32, #tpu.memory_space<vmem>>
        %dma_wait3A_22 = tpu.memref_squeeze %dma_wait3A_21 : memref<1x128xi32, #tpu.memory_space<vmem>> -> memref<128xi32, #tpu.memory_space<vmem>>
        %dma_wait3A_23 = arith.constant 0 : i32
        %dma_wait3A_24 = arith.constant 0 : i32
        %dma_wait3A_25 = tpu.memref_slice %arg10[%dma_wait3A_23, %dma_wait3A_24] : memref<10112x128xf32, #tpu.memory_space<vmem_shared>> -> memref<10112x128xf32, #tpu.memory_space<vmem_shared>>
        tpu.wait_indirect_dma semaphore(%run_scoped3A : memref<!tpu.dma_semaphore, #tpu.memory_space<semaphore_mem>>) src(%arg9 : memref<128x128xf32, #tpu.memory_space<vmem>>) dst(%dma_wait3A_25 : memref<10112x128xf32, #tpu.memory_space<vmem_shared>>)
        tpu.yield
      }) : () -> ()
    }
    %scan3A_4 = arith.constant 79 : i32
    %barrier3A_5 = arith.constant 0 : index
    tpu.barrier barrier_id(%barrier3A_5)
    %lt3A = arith.constant 15 : i32
    %lt3A_6 = arith.cmpi slt, %arg1, %lt3A : i32
    %convert_element_type3A = arith.extui %lt3A_6 : i1 to i32
    %cond3A = arith.constant 0 : i32
    %cond3A_7 = arith.cmpi ne, %convert_element_type3A, %cond3A : i32
    scf.if %cond3A_7 {
      %mul3A_12 = arith.constant 632 : i32
      %mul3A_13 = arith.muli %arg1, %mul3A_12 : i32
      %multiple_of3A = tpu.assume_multiple %mul3A_13, 8 : i32
      "tpu.region"() ({
        %run_scoped3A = tpu.sem_alloc : memref<!tpu.dma_semaphore, #tpu.memory_space<semaphore_mem>>
        %dma_start3A = arith.constant 0 : i32
        %dma_start3A_14 = tpu.memref_slice %arg6[%arg0, %multiple_of3A, %dma_start3A] : memref<2x10000x128xf32, #tpu.memory_space<hbm>> -> memref<1x632x128xf32, #tpu.memory_space<hbm>>
        %dma_start3A_15 = tpu.memref_squeeze %dma_start3A_14 : memref<1x632x128xf32, #tpu.memory_space<hbm>> -> memref<632x128xf32, #tpu.memory_space<hbm>>
        %dma_start3A_16 = arith.constant 0 : i32
        %dma_start3A_17 = tpu.memref_slice %arg10[%multiple_of3A, %dma_start3A_16] : memref<10112x128xf32, #tpu.memory_space<vmem_shared>> -> memref<632x128xf32, #tpu.memory_space<vmem_shared>>
        tpu.enqueue_dma source(%dma_start3A_17 : memref<632x128xf32, #tpu.memory_space<vmem_shared>>) target(%dma_start3A_15 : memref<632x128xf32, #tpu.memory_space<hbm>>) target_semaphore(%run_scoped3A : memref<!tpu.dma_semaphore, #tpu.memory_space<semaphore_mem>>)
        %dma_wait3A = arith.constant 0 : i32
        %dma_wait3A_18 = tpu.memref_slice %arg6[%arg0, %multiple_of3A, %dma_wait3A] : memref<2x10000x128xf32, #tpu.memory_space<hbm>> -> memref<1x632x128xf32, #tpu.memory_space<hbm>>
        %dma_wait3A_19 = tpu.memref_squeeze %dma_wait3A_18 : memref<1x632x128xf32, #tpu.memory_space<hbm>> -> memref<632x128xf32, #tpu.memory_space<hbm>>
        %dma_wait3A_20 = arith.constant 0 : i32
        %dma_wait3A_21 = tpu.memref_slice %arg10[%multiple_of3A, %dma_wait3A_20] : memref<10112x128xf32, #tpu.memory_space<vmem_shared>> -> memref<632x128xf32, #tpu.memory_space<vmem_shared>>
        tpu.wait_dma2 semaphore(%run_scoped3A : memref<!tpu.dma_semaphore, #tpu.memory_space<semaphore_mem>>) src(%dma_wait3A_21 : memref<632x128xf32, #tpu.memory_space<vmem_shared>>) dst(%dma_wait3A_19 : memref<632x128xf32, #tpu.memory_space<hbm>>)
        tpu.yield
      }) : () -> ()
    } else {
    }
    %eq3A = arith.constant 15 : i32
    %eq3A_8 = arith.cmpi eq, %arg1, %eq3A : i32
    %convert_element_type3A_9 = arith.extui %eq3A_8 : i1 to i32
    %cond3A_10 = arith.constant 0 : i32
    %cond3A_11 = arith.cmpi ne, %convert_element_type3A_9, %cond3A_10 : i32
    scf.if %cond3A_11 {
      "tpu.region"() ({
        %run_scoped3A = tpu.sem_alloc : memref<!tpu.dma_semaphore, #tpu.memory_space<semaphore_mem>>
        %dma_start3A = arith.constant 9480 : i32
        %dma_start3A_12 = arith.constant 0 : i32
        %dma_start3A_13 = tpu.memref_slice %arg6[%arg0, %dma_start3A, %dma_start3A_12] : memref<2x10000x128xf32, #tpu.memory_space<hbm>> -> memref<1x520x128xf32, #tpu.memory_space<hbm>>
        %dma_start3A_14 = tpu.memref_squeeze %dma_start3A_13 : memref<1x520x128xf32, #tpu.memory_space<hbm>> -> memref<520x128xf32, #tpu.memory_space<hbm>>
        %dma_start3A_15 = arith.constant 9480 : i32
        %dma_start3A_16 = arith.constant 0 : i32
        %dma_start3A_17 = tpu.memref_slice %arg10[%dma_start3A_15, %dma_start3A_16] : memref<10112x128xf32, #tpu.memory_space<vmem_shared>> -> memref<520x128xf32, #tpu.memory_space<vmem_shared>>
        tpu.enqueue_dma source(%dma_start3A_17 : memref<520x128xf32, #tpu.memory_space<vmem_shared>>) target(%dma_start3A_14 : memref<520x128xf32, #tpu.memory_space<hbm>>) target_semaphore(%run_scoped3A : memref<!tpu.dma_semaphore, #tpu.memory_space<semaphore_mem>>)
        %dma_wait3A = arith.constant 9480 : i32
        %dma_wait3A_18 = arith.constant 0 : i32
        %dma_wait3A_19 = tpu.memref_slice %arg6[%arg0, %dma_wait3A, %dma_wait3A_18] : memref<2x10000x128xf32, #tpu.memory_space<hbm>> -> memref<1x520x128xf32, #tpu.memory_space<hbm>>
        %dma_wait3A_20 = tpu.memref_squeeze %dma_wait3A_19 : memref<1x520x128xf32, #tpu.memory_space<hbm>> -> memref<520x128xf32, #tpu.memory_space<hbm>>
        %dma_wait3A_21 = arith.constant 9480 : i32
        %dma_wait3A_22 = arith.constant 0 : i32
        %dma_wait3A_23 = tpu.memref_slice %arg10[%dma_wait3A_21, %dma_wait3A_22] : memref<10112x128xf32, #tpu.memory_space<vmem_shared>> -> memref<520x128xf32, #tpu.memory_space<vmem_shared>>
        tpu.wait_dma2 semaphore(%run_scoped3A : memref<!tpu.dma_semaphore, #tpu.memory_space<semaphore_mem>>) src(%dma_wait3A_23 : memref<520x128xf32, #tpu.memory_space<vmem_shared>>) dst(%dma_wait3A_20 : memref<520x128xf32, #tpu.memory_space<hbm>>)
        tpu.yield
      }) : () -> ()
    } else {
    }
    return
  }
}

module attributes {stable_mosaic.version = 14 : i64} {
  func.func @_layer_body(%arg0: memref<2x10000x128xf32, #tpu.memory_space<vmem>>, %arg1: memref<2x10000x128xf32, #tpu.memory_space<vmem>>, %arg2: memref<2x128x256xf32, #tpu.memory_space<vmem>>, %arg3: memref<2x128x256xf32, #tpu.memory_space<vmem>>, %arg4: memref<1x256xf32, #tpu.memory_space<vmem>>, %arg5: memref<1x256xf32, #tpu.memory_space<vmem>>, %arg6: memref<1x256xf32, #tpu.memory_space<vmem>>, %arg7: memref<2x10000x128xf32, #tpu.memory_space<vmem>>) attributes {dimension_semantics = [], scalar_prefetch = 0 : i64, scratch_operands = 0 : i64, tpu.core_type = #tpu.core_type<tc>} {
    %get3A = arith.constant 0 : index
    %get3A_0 = arith.constant 0 : index
    %get3A_1 = arith.constant 0 : index
    %get3A_2 = vector.load %arg1[%get3A, %get3A_0, %get3A_1] : memref<2x10000x128xf32, #tpu.memory_space<vmem>>, vector<1x10000x128xf32>
    %get3A_3 = vector.shape_cast %get3A_2 : vector<1x10000x128xf32> to vector<10000x128xf32>
    %get3A_4 = arith.constant 0 : index
    %get3A_5 = arith.constant 0 : index
    %get3A_6 = arith.constant 0 : index
    %get3A_7 = vector.load %arg2[%get3A_4, %get3A_5, %get3A_6] : memref<2x128x256xf32, #tpu.memory_space<vmem>>, vector<1x128x256xf32>
    %get3A_8 = vector.shape_cast %get3A_7 : vector<1x128x256xf32> to vector<128x256xf32>
    %dot_general3A = arith.constant dense<0.000000e+00> : vector<10000x256xf32>
    %dot_general3A_9 = tpu.matmul %get3A_3, %get3A_8, %dot_general3A {dimension_numbers = #tpu.dot_dimension_numbers<[1], [0], [0], [1], [0, 0, 1, 1], [], []>, transpose_lhs_hint = false} : vector<10000x128xf32>, vector<128x256xf32>, vector<10000x256xf32> -> vector<10000x256xf32>
    %get3A_10 = arith.constant 1 : index
    %get3A_11 = arith.constant 0 : index
    %get3A_12 = arith.constant 0 : index
    %get3A_13 = vector.load %arg1[%get3A_10, %get3A_11, %get3A_12] : memref<2x10000x128xf32, #tpu.memory_space<vmem>>, vector<1x10000x128xf32>
    %get3A_14 = vector.shape_cast %get3A_13 : vector<1x10000x128xf32> to vector<10000x128xf32>
    %get3A_15 = arith.constant 1 : index
    %get3A_16 = arith.constant 0 : index
    %get3A_17 = arith.constant 0 : index
    %get3A_18 = vector.load %arg2[%get3A_15, %get3A_16, %get3A_17] : memref<2x128x256xf32, #tpu.memory_space<vmem>>, vector<1x128x256xf32>
    %get3A_19 = vector.shape_cast %get3A_18 : vector<1x128x256xf32> to vector<128x256xf32>
    %dot_general3A_20 = arith.constant dense<0.000000e+00> : vector<10000x256xf32>
    %dot_general3A_21 = tpu.matmul %get3A_14, %get3A_19, %dot_general3A_20 {dimension_numbers = #tpu.dot_dimension_numbers<[1], [0], [0], [1], [0, 0, 1, 1], [], []>, transpose_lhs_hint = false} : vector<10000x128xf32>, vector<128x256xf32>, vector<10000x256xf32> -> vector<10000x256xf32>
    %add3A = arith.addf %dot_general3A_9, %dot_general3A_21 : vector<10000x256xf32>
    %get3A_22 = arith.constant 0 : index
    %get3A_23 = arith.constant 0 : index
    %get3A_24 = arith.constant 0 : index
    %get3A_25 = vector.load %arg0[%get3A_22, %get3A_23, %get3A_24] : memref<2x10000x128xf32, #tpu.memory_space<vmem>>, vector<1x10000x128xf32>
    %get3A_26 = vector.shape_cast %get3A_25 : vector<1x10000x128xf32> to vector<10000x128xf32>
    %get3A_27 = arith.constant 0 : index
    %get3A_28 = arith.constant 0 : index
    %get3A_29 = arith.constant 0 : index
    %get3A_30 = vector.load %arg3[%get3A_27, %get3A_28, %get3A_29] : memref<2x128x256xf32, #tpu.memory_space<vmem>>, vector<1x128x256xf32>
    %get3A_31 = vector.shape_cast %get3A_30 : vector<1x128x256xf32> to vector<128x256xf32>
    %dot_general3A_32 = arith.constant dense<0.000000e+00> : vector<10000x256xf32>
    %dot_general3A_33 = tpu.matmul %get3A_26, %get3A_31, %dot_general3A_32 {dimension_numbers = #tpu.dot_dimension_numbers<[1], [0], [0], [1], [0, 0, 1, 1], [], []>, transpose_lhs_hint = false} : vector<10000x128xf32>, vector<128x256xf32>, vector<10000x256xf32> -> vector<10000x256xf32>
    %add3A_34 = arith.addf %add3A, %dot_general3A_33 : vector<10000x256xf32>
    %get3A_35 = arith.constant 1 : index
    %get3A_36 = arith.constant 0 : index
    %get3A_37 = arith.constant 0 : index
    %get3A_38 = vector.load %arg0[%get3A_35, %get3A_36, %get3A_37] : memref<2x10000x128xf32, #tpu.memory_space<vmem>>, vector<1x10000x128xf32>
    %get3A_39 = vector.shape_cast %get3A_38 : vector<1x10000x128xf32> to vector<10000x128xf32>
    %get3A_40 = arith.constant 1 : index
    %get3A_41 = arith.constant 0 : index
    %get3A_42 = arith.constant 0 : index
    %get3A_43 = vector.load %arg3[%get3A_40, %get3A_41, %get3A_42] : memref<2x128x256xf32, #tpu.memory_space<vmem>>, vector<1x128x256xf32>
    %get3A_44 = vector.shape_cast %get3A_43 : vector<1x128x256xf32> to vector<128x256xf32>
    %dot_general3A_45 = arith.constant dense<0.000000e+00> : vector<10000x256xf32>
    %dot_general3A_46 = tpu.matmul %get3A_39, %get3A_44, %dot_general3A_45 {dimension_numbers = #tpu.dot_dimension_numbers<[1], [0], [0], [1], [0, 0, 1, 1], [], []>, transpose_lhs_hint = false} : vector<10000x128xf32>, vector<128x256xf32>, vector<10000x256xf32> -> vector<10000x256xf32>
    %add3A_47 = arith.addf %add3A_34, %dot_general3A_46 : vector<10000x256xf32>
    %get3A_48 = arith.constant 0 : index
    %get3A_49 = arith.constant 0 : index
    %get3A_50 = vector.load %arg4[%get3A_48, %get3A_49] : memref<1x256xf32, #tpu.memory_space<vmem>>, vector<1x256xf32>
    %add3A_51 = vector.broadcast %get3A_50 : vector<1x256xf32> to vector<10000x256xf32>
    %add3A_52 = arith.addf %add3A_47, %add3A_51 : vector<10000x256xf32>
    %reduce_sum3A = arith.constant dense<0.000000e+00> : vector<256xf32>
    %reduce_sum3A_53 = vector.multi_reduction <add>, %add3A_52, %reduce_sum3A [0] : vector<10000x256xf32> to vector<256xf32>
    %broadcast_in_dim3A = vector.shape_cast %reduce_sum3A_53 : vector<256xf32> to vector<1x256xf32>
    %div3A = arith.constant 1.000000e+04 : f32
    %div3A_54 = vector.broadcast %div3A : f32 to vector<1x256xf32>
    %div3A_55 = arith.divf %broadcast_in_dim3A, %div3A_54 : vector<1x256xf32>
    %sub3A = vector.broadcast %div3A_55 : vector<1x256xf32> to vector<10000x256xf32>
    %sub3A_56 = arith.subf %add3A_52, %sub3A : vector<10000x256xf32>
    %integer_pow3A = arith.mulf %sub3A_56, %sub3A_56 : vector<10000x256xf32>
    %reduce_sum3A_57 = arith.constant dense<0.000000e+00> : vector<256xf32>
    %reduce_sum3A_58 = vector.multi_reduction <add>, %integer_pow3A, %reduce_sum3A_57 [0] : vector<10000x256xf32> to vector<256xf32>
    %broadcast_in_dim3A_59 = vector.shape_cast %reduce_sum3A_58 : vector<256xf32> to vector<1x256xf32>
    %div3A_60 = arith.constant 1.000000e+04 : f32
    %div3A_61 = vector.broadcast %div3A_60 : f32 to vector<1x256xf32>
    %div3A_62 = arith.divf %broadcast_in_dim3A_59, %div3A_61 : vector<1x256xf32>
    %sub3A_63 = vector.broadcast %div3A_55 : vector<1x256xf32> to vector<10000x256xf32>
    %sub3A_64 = arith.subf %add3A_52, %sub3A_63 : vector<10000x256xf32>
    %add3A_65 = arith.constant 9.99999974E-6 : f32
    %add3A_66 = vector.broadcast %add3A_65 : f32 to vector<1x256xf32>
    %add3A_67 = arith.addf %div3A_62, %add3A_66 : vector<1x256xf32>
    %sqrt3A = math.sqrt %add3A_67 : vector<1x256xf32>
    %div3A_68 = vector.broadcast %sqrt3A : vector<1x256xf32> to vector<10000x256xf32>
    %div3A_69 = arith.divf %sub3A_64, %div3A_68 : vector<10000x256xf32>
    %get3A_70 = arith.constant 0 : index
    %get3A_71 = arith.constant 0 : index
    %get3A_72 = vector.load %arg5[%get3A_70, %get3A_71] : memref<1x256xf32, #tpu.memory_space<vmem>>, vector<1x256xf32>
    %mul3A = vector.broadcast %get3A_72 : vector<1x256xf32> to vector<10000x256xf32>
    %mul3A_73 = arith.mulf %div3A_69, %mul3A : vector<10000x256xf32>
    %get3A_74 = arith.constant 0 : index
    %get3A_75 = arith.constant 0 : index
    %get3A_76 = vector.load %arg6[%get3A_74, %get3A_75] : memref<1x256xf32, #tpu.memory_space<vmem>>, vector<1x256xf32>
    %add3A_77 = vector.broadcast %get3A_76 : vector<1x256xf32> to vector<10000x256xf32>
    %add3A_78 = arith.addf %mul3A_73, %add3A_77 : vector<10000x256xf32>
    %max3A = arith.constant 0.000000e+00 : f32
    %max3A_79 = vector.broadcast %max3A : f32 to vector<10000x256xf32>
    %max3A_80 = arith.maximumf %add3A_78, %max3A_79 : vector<10000x256xf32>
    %slice3A = vector.extract_strided_slice %max3A_80 {offsets = [0, 0], sizes = [10000, 128], strides = [1, 1]} : vector<10000x256xf32> to vector<10000x128xf32>
    %swap3A = arith.constant 0 : index
    %swap3A_81 = arith.constant 0 : index
    %swap3A_82 = arith.constant 0 : index
    %swap3A_83 = vector.load %arg7[%swap3A, %swap3A_81, %swap3A_82] : memref<2x10000x128xf32, #tpu.memory_space<vmem>>, vector<1x10000x128xf32>
    %swap3A_84 = vector.shape_cast %swap3A_83 : vector<1x10000x128xf32> to vector<10000x128xf32>
    %swap3A_85 = vector.shape_cast %slice3A : vector<10000x128xf32> to vector<1x10000x128xf32>
    tpu.vector_store %arg7[%swap3A, %swap3A_81, %swap3A_82], %swap3A_85 {strides = array<i32>} : memref<2x10000x128xf32, #tpu.memory_space<vmem>>, vector<1x10000x128xf32>,
    %slice3A_86 = vector.extract_strided_slice %max3A_80 {offsets = [0, 128], sizes = [10000, 128], strides = [1, 1]} : vector<10000x256xf32> to vector<10000x128xf32>
    %swap3A_87 = arith.constant 1 : index
    %swap3A_88 = arith.constant 0 : index
    %swap3A_89 = arith.constant 0 : index
    %swap3A_90 = vector.load %arg7[%swap3A_87, %swap3A_88, %swap3A_89] : memref<2x10000x128xf32, #tpu.memory_space<vmem>>, vector<1x10000x128xf32>
    %swap3A_91 = vector.shape_cast %swap3A_90 : vector<1x10000x128xf32> to vector<10000x128xf32>
    %swap3A_92 = vector.shape_cast %slice3A_86 : vector<10000x128xf32> to vector<1x10000x128xf32>
    tpu.vector_store %arg7[%swap3A_87, %swap3A_88, %swap3A_89], %swap3A_92 {strides = array<i32>} : memref<2x10000x128xf32, #tpu.memory_space<vmem>>, vector<1x10000x128xf32>,
    return
  }
}

module attributes {stable_mosaic.version = 14 : i64} {
  func.func @_layer_body(%arg0: memref<2x10000x128xf32, #tpu.memory_space<vmem>>, %arg1: memref<2x10000x128xf32, #tpu.memory_space<vmem>>, %arg2: memref<2x128x256xf32, #tpu.memory_space<vmem>>, %arg3: memref<2x128x256xf32, #tpu.memory_space<vmem>>, %arg4: memref<1x256xf32, #tpu.memory_space<vmem>>, %arg5: memref<1x256xf32, #tpu.memory_space<vmem>>, %arg6: memref<1x256xf32, #tpu.memory_space<vmem>>, %arg7: memref<2x10000x128xf32, #tpu.memory_space<vmem>>) attributes {dimension_semantics = [], scalar_prefetch = 0 : i64, scratch_operands = 0 : i64, tpu.core_type = #tpu.core_type<tc>} {
    %get3A = arith.constant 0 : index
    %get3A_0 = arith.constant 0 : index
    %get3A_1 = arith.constant 0 : index
    %get3A_2 = vector.load %arg1[%get3A, %get3A_0, %get3A_1] : memref<2x10000x128xf32, #tpu.memory_space<vmem>>, vector<1x10000x128xf32>
    %get3A_3 = vector.shape_cast %get3A_2 : vector<1x10000x128xf32> to vector<10000x128xf32>
    %get3A_4 = arith.constant 0 : index
    %get3A_5 = arith.constant 0 : index
    %get3A_6 = arith.constant 0 : index
    %get3A_7 = vector.load %arg2[%get3A_4, %get3A_5, %get3A_6] : memref<2x128x256xf32, #tpu.memory_space<vmem>>, vector<1x128x256xf32>
    %get3A_8 = vector.shape_cast %get3A_7 : vector<1x128x256xf32> to vector<128x256xf32>
    %dot_general3A = arith.constant dense<0.000000e+00> : vector<10000x256xf32>
    %dot_general3A_9 = tpu.matmul %get3A_3, %get3A_8, %dot_general3A {dimension_numbers = #tpu.dot_dimension_numbers<[1], [0], [0], [1], [0, 0, 1, 1], [], []>, transpose_lhs_hint = false} : vector<10000x128xf32>, vector<128x256xf32>, vector<10000x256xf32> -> vector<10000x256xf32>
    %get3A_10 = arith.constant 1 : index
    %get3A_11 = arith.constant 0 : index
    %get3A_12 = arith.constant 0 : index
    %get3A_13 = vector.load %arg1[%get3A_10, %get3A_11, %get3A_12] : memref<2x10000x128xf32, #tpu.memory_space<vmem>>, vector<1x10000x128xf32>
    %get3A_14 = vector.shape_cast %get3A_13 : vector<1x10000x128xf32> to vector<10000x128xf32>
    %get3A_15 = arith.constant 1 : index
    %get3A_16 = arith.constant 0 : index
    %get3A_17 = arith.constant 0 : index
    %get3A_18 = vector.load %arg2[%get3A_15, %get3A_16, %get3A_17] : memref<2x128x256xf32, #tpu.memory_space<vmem>>, vector<1x128x256xf32>
    %get3A_19 = vector.shape_cast %get3A_18 : vector<1x128x256xf32> to vector<128x256xf32>
    %dot_general3A_20 = arith.constant dense<0.000000e+00> : vector<10000x256xf32>
    %dot_general3A_21 = tpu.matmul %get3A_14, %get3A_19, %dot_general3A_20 {dimension_numbers = #tpu.dot_dimension_numbers<[1], [0], [0], [1], [0, 0, 1, 1], [], []>, transpose_lhs_hint = false} : vector<10000x128xf32>, vector<128x256xf32>, vector<10000x256xf32> -> vector<10000x256xf32>
    %add3A = arith.addf %dot_general3A_9, %dot_general3A_21 : vector<10000x256xf32>
    %get3A_22 = arith.constant 0 : index
    %get3A_23 = arith.constant 0 : index
    %get3A_24 = arith.constant 0 : index
    %get3A_25 = vector.load %arg0[%get3A_22, %get3A_23, %get3A_24] : memref<2x10000x128xf32, #tpu.memory_space<vmem>>, vector<1x10000x128xf32>
    %get3A_26 = vector.shape_cast %get3A_25 : vector<1x10000x128xf32> to vector<10000x128xf32>
    %get3A_27 = arith.constant 0 : index
    %get3A_28 = arith.constant 0 : index
    %get3A_29 = arith.constant 0 : index
    %get3A_30 = vector.load %arg3[%get3A_27, %get3A_28, %get3A_29] : memref<2x128x256xf32, #tpu.memory_space<vmem>>, vector<1x128x256xf32>
    %get3A_31 = vector.shape_cast %get3A_30 : vector<1x128x256xf32> to vector<128x256xf32>
    %dot_general3A_32 = arith.constant dense<0.000000e+00> : vector<10000x256xf32>
    %dot_general3A_33 = tpu.matmul %get3A_26, %get3A_31, %dot_general3A_32 {dimension_numbers = #tpu.dot_dimension_numbers<[1], [0], [0], [1], [0, 0, 1, 1], [], []>, transpose_lhs_hint = false} : vector<10000x128xf32>, vector<128x256xf32>, vector<10000x256xf32> -> vector<10000x256xf32>
    %add3A_34 = arith.addf %add3A, %dot_general3A_33 : vector<10000x256xf32>
    %get3A_35 = arith.constant 1 : index
    %get3A_36 = arith.constant 0 : index
    %get3A_37 = arith.constant 0 : index
    %get3A_38 = vector.load %arg0[%get3A_35, %get3A_36, %get3A_37] : memref<2x10000x128xf32, #tpu.memory_space<vmem>>, vector<1x10000x128xf32>
    %get3A_39 = vector.shape_cast %get3A_38 : vector<1x10000x128xf32> to vector<10000x128xf32>
    %get3A_40 = arith.constant 1 : index
    %get3A_41 = arith.constant 0 : index
    %get3A_42 = arith.constant 0 : index
    %get3A_43 = vector.load %arg3[%get3A_40, %get3A_41, %get3A_42] : memref<2x128x256xf32, #tpu.memory_space<vmem>>, vector<1x128x256xf32>
    %get3A_44 = vector.shape_cast %get3A_43 : vector<1x128x256xf32> to vector<128x256xf32>
    %dot_general3A_45 = arith.constant dense<0.000000e+00> : vector<10000x256xf32>
    %dot_general3A_46 = tpu.matmul %get3A_39, %get3A_44, %dot_general3A_45 {dimension_numbers = #tpu.dot_dimension_numbers<[1], [0], [0], [1], [0, 0, 1, 1], [], []>, transpose_lhs_hint = false} : vector<10000x128xf32>, vector<128x256xf32>, vector<10000x256xf32> -> vector<10000x256xf32>
    %add3A_47 = arith.addf %add3A_34, %dot_general3A_46 : vector<10000x256xf32>
    %get3A_48 = arith.constant 0 : index
    %get3A_49 = arith.constant 0 : index
    %get3A_50 = vector.load %arg4[%get3A_48, %get3A_49] : memref<1x256xf32, #tpu.memory_space<vmem>>, vector<1x256xf32>
    %add3A_51 = vector.broadcast %get3A_50 : vector<1x256xf32> to vector<10000x256xf32>
    %add3A_52 = arith.addf %add3A_47, %add3A_51 : vector<10000x256xf32>
    %reduce_sum3A = arith.constant dense<0.000000e+00> : vector<256xf32>
    %reduce_sum3A_53 = vector.multi_reduction <add>, %add3A_52, %reduce_sum3A [0] : vector<10000x256xf32> to vector<256xf32>
    %broadcast_in_dim3A = vector.shape_cast %reduce_sum3A_53 : vector<256xf32> to vector<1x256xf32>
    %div3A = arith.constant 1.000000e+04 : f32
    %div3A_54 = vector.broadcast %div3A : f32 to vector<1x256xf32>
    %div3A_55 = arith.divf %broadcast_in_dim3A, %div3A_54 : vector<1x256xf32>
    %sub3A = vector.broadcast %div3A_55 : vector<1x256xf32> to vector<10000x256xf32>
    %sub3A_56 = arith.subf %add3A_52, %sub3A : vector<10000x256xf32>
    %integer_pow3A = arith.mulf %sub3A_56, %sub3A_56 : vector<10000x256xf32>
    %reduce_sum3A_57 = arith.constant dense<0.000000e+00> : vector<256xf32>
    %reduce_sum3A_58 = vector.multi_reduction <add>, %integer_pow3A, %reduce_sum3A_57 [0] : vector<10000x256xf32> to vector<256xf32>
    %broadcast_in_dim3A_59 = vector.shape_cast %reduce_sum3A_58 : vector<256xf32> to vector<1x256xf32>
    %div3A_60 = arith.constant 1.000000e+04 : f32
    %div3A_61 = vector.broadcast %div3A_60 : f32 to vector<1x256xf32>
    %div3A_62 = arith.divf %broadcast_in_dim3A_59, %div3A_61 : vector<1x256xf32>
    %sub3A_63 = vector.broadcast %div3A_55 : vector<1x256xf32> to vector<10000x256xf32>
    %sub3A_64 = arith.subf %add3A_52, %sub3A_63 : vector<10000x256xf32>
    %add3A_65 = arith.constant 9.99999974E-6 : f32
    %add3A_66 = vector.broadcast %add3A_65 : f32 to vector<1x256xf32>
    %add3A_67 = arith.addf %div3A_62, %add3A_66 : vector<1x256xf32>
    %sqrt3A = math.sqrt %add3A_67 : vector<1x256xf32>
    %div3A_68 = vector.broadcast %sqrt3A : vector<1x256xf32> to vector<10000x256xf32>
    %div3A_69 = arith.divf %sub3A_64, %div3A_68 : vector<10000x256xf32>
    %get3A_70 = arith.constant 0 : index
    %get3A_71 = arith.constant 0 : index
    %get3A_72 = vector.load %arg5[%get3A_70, %get3A_71] : memref<1x256xf32, #tpu.memory_space<vmem>>, vector<1x256xf32>
    %mul3A = vector.broadcast %get3A_72 : vector<1x256xf32> to vector<10000x256xf32>
    %mul3A_73 = arith.mulf %div3A_69, %mul3A : vector<10000x256xf32>
    %get3A_74 = arith.constant 0 : index
    %get3A_75 = arith.constant 0 : index
    %get3A_76 = vector.load %arg6[%get3A_74, %get3A_75] : memref<1x256xf32, #tpu.memory_space<vmem>>, vector<1x256xf32>
    %add3A_77 = vector.broadcast %get3A_76 : vector<1x256xf32> to vector<10000x256xf32>
    %add3A_78 = arith.addf %mul3A_73, %add3A_77 : vector<10000x256xf32>
    %max3A = arith.constant 0.000000e+00 : f32
    %max3A_79 = vector.broadcast %max3A : f32 to vector<10000x256xf32>
    %max3A_80 = arith.maximumf %add3A_78, %max3A_79 : vector<10000x256xf32>
    %slice3A = vector.extract_strided_slice %max3A_80 {offsets = [0, 0], sizes = [10000, 128], strides = [1, 1]} : vector<10000x256xf32> to vector<10000x128xf32>
    %get3A_81 = arith.constant 0 : index
    %get3A_82 = arith.constant 0 : index
    %get3A_83 = arith.constant 0 : index
    %get3A_84 = vector.load %arg0[%get3A_81, %get3A_82, %get3A_83] : memref<2x10000x128xf32, #tpu.memory_space<vmem>>, vector<1x10000x128xf32>
    %get3A_85 = vector.shape_cast %get3A_84 : vector<1x10000x128xf32> to vector<10000x128xf32>
    %add3A_86 = arith.addf %slice3A, %get3A_85 : vector<10000x128xf32>
    %swap3A = arith.constant 0 : index
    %swap3A_87 = arith.constant 0 : index
    %swap3A_88 = arith.constant 0 : index
    %swap3A_89 = vector.load %arg7[%swap3A, %swap3A_87, %swap3A_88] : memref<2x10000x128xf32, #tpu.memory_space<vmem>>, vector<1x10000x128xf32>
    %swap3A_90 = vector.shape_cast %swap3A_89 : vector<1x10000x128xf32> to vector<10000x128xf32>
    %swap3A_91 = vector.shape_cast %add3A_86 : vector<10000x128xf32> to vector<1x10000x128xf32>
    tpu.vector_store %arg7[%swap3A, %swap3A_87, %swap3A_88], %swap3A_91 {strides = array<i32>} : memref<2x10000x128xf32, #tpu.memory_space<vmem>>, vector<1x10000x128xf32>,
    %slice3A_92 = vector.extract_strided_slice %max3A_80 {offsets = [0, 128], sizes = [10000, 128], strides = [1, 1]} : vector<10000x256xf32> to vector<10000x128xf32>
    %get3A_93 = arith.constant 1 : index
    %get3A_94 = arith.constant 0 : index
    %get3A_95 = arith.constant 0 : index
    %get3A_96 = vector.load %arg0[%get3A_93, %get3A_94, %get3A_95] : memref<2x10000x128xf32, #tpu.memory_space<vmem>>, vector<1x10000x128xf32>
    %get3A_97 = vector.shape_cast %get3A_96 : vector<1x10000x128xf32> to vector<10000x128xf32>
    %add3A_98 = arith.addf %slice3A_92, %get3A_97 : vector<10000x128xf32>
    %swap3A_99 = arith.constant 1 : index
    %swap3A_100 = arith.constant 0 : index
    %swap3A_101 = arith.constant 0 : index
    %swap3A_102 = vector.load %arg7[%swap3A_99, %swap3A_100, %swap3A_101] : memref<2x10000x128xf32, #tpu.memory_space<vmem>>, vector<1x10000x128xf32>
    %swap3A_103 = vector.shape_cast %swap3A_102 : vector<1x10000x128xf32> to vector<10000x128xf32>
    %swap3A_104 = vector.shape_cast %add3A_98 : vector<10000x128xf32> to vector<1x10000x128xf32>
    tpu.vector_store %arg7[%swap3A_99, %swap3A_100, %swap3A_101], %swap3A_104 {strides = array<i32>} : memref<2x10000x128xf32, #tpu.memory_space<vmem>>, vector<1x10000x128xf32>,
    return
  }
}

module attributes {stable_mosaic.version = 14 : i64} {
  func.func @_segmax_body(%arg0: i32, %arg1: memref<1x2000x1xi32, #tpu.memory_space<vmem>>, %arg2: memref<2x2000x128xf32, #tpu.memory_space<vmem>>, %arg3: memref<2x64x128xf32, #tpu.memory_space<vmem>>) attributes {dimension_semantics = [#tpu.dimension_semantics<arbitrary>], iteration_bounds = array<i64: 5>, scalar_prefetch = 0 : i64, scratch_operands = 0 : i64, tpu.core_type = #tpu.core_type<tc>, window_params = [{transform_indices = @transform_0, window_bounds = array<i64: 1, 2000, 1>}, {transform_indices = @transform_1, window_bounds = array<i64: 2, 2000, 128>}, {pipeline_mode = #tpu.pipeline_mode<synchronous>, transform_indices = @transform_2, window_bounds = array<i64: 2, 64, 128>}]} {
    %eq3A = arith.constant 0 : i32
    %eq3A_0 = arith.cmpi eq, %arg0, %eq3A : i32
    %convert_element_type3A = arith.extui %eq3A_0 : i1 to i32
    %cond3A = arith.constant 0 : i32
    %cond3A_1 = arith.cmpi ne, %convert_element_type3A, %cond3A : i32
    scf.if %cond3A_1 {
      %broadcast_in_dim3A = arith.constant 0xFF800000 : f32
      %broadcast_in_dim3A_17 = vector.broadcast %broadcast_in_dim3A : f32 to vector<2x64x128xf32>
      %swap3A = arith.constant 0 : index
      %swap3A_18 = arith.constant 0 : index
      %swap3A_19 = arith.constant 0 : index
      %swap3A_20 = vector.load %arg3[%swap3A, %swap3A_18, %swap3A_19] : memref<2x64x128xf32, #tpu.memory_space<vmem>>, vector<2x64x128xf32>
      tpu.vector_store %arg3[%swap3A, %swap3A_18, %swap3A_19], %broadcast_in_dim3A_17 {strides = array<i32>} : memref<2x64x128xf32, #tpu.memory_space<vmem>>, vector<2x64x128xf32>,
    } else {
    }
    %get3A = arith.constant 0 : index
    %get3A_2 = arith.constant 0 : index
    %get3A_3 = arith.constant 0 : index
    %get3A_4 = vector.load %arg1[%get3A, %get3A_2, %get3A_3] : memref<1x2000x1xi32, #tpu.memory_space<vmem>>, vector<1x2000x1xi32>
    %get3A_5 = vector.shape_cast %get3A_4 : vector<1x2000x1xi32> to vector<2000x1xi32>
    %slice3A = vector.extract_strided_slice %get3A_5 {offsets = [0, 0], sizes = [1, 1], strides = [1, 1]} : vector<2000x1xi32> to vector<1x1xi32>
    %squeeze3A = vector.extract %slice3A[0, 0] : i32 from vector<1x1xi32>
    %slice3A_6 = vector.extract_strided_slice %get3A_5 {offsets = [1999, 0], sizes = [1, 1], strides = [1, 1]} : vector<2000x1xi32> to vector<1x1xi32>
    %squeeze3A_7 = vector.extract %slice3A_6[0, 0] : i32 from vector<1x1xi32>
    %add3A = arith.constant 1 : i32
    %add3A_8 = arith.addi %squeeze3A_7, %add3A : i32
    %while3A = arith.constant 0 : i32
    %while3A_9 = arith.subi %add3A_8, %squeeze3A : i32
    %while3A_10 = arith.addi %squeeze3A, %while3A_9 : i32
    %while3A_11 = arith.constant 1 : i32
    %while3A_12 = arith.divsi %while3A_9, %while3A_11 : i32
    %while3A_13 = arith.muli %while3A_12, %while3A_11 : i32
    %while3A_14 = arith.addi %squeeze3A, %while3A_13 : i32
    %while3A_15 = arith.constant 1 : i32
    scf.for %while3A_17 = %squeeze3A to %while3A_14 step %while3A_15  : i32 {
      %eq3A_18 = vector.broadcast %while3A_17 : i32 to vector<2000x1xi32>
      %eq3A_19 = arith.cmpi eq, %get3A_5, %eq3A_18 : vector<2000x1xi32>
      %get3A_20 = arith.constant 0 : index
      %get3A_21 = arith.constant 0 : index
      %get3A_22 = arith.constant 0 : index
      %get3A_23 = vector.load %arg2[%get3A_20, %get3A_21, %get3A_22] : memref<2x2000x128xf32, #tpu.memory_space<vmem>>, vector<1x2000x128xf32>
      %get3A_24 = vector.shape_cast %get3A_23 : vector<1x2000x128xf32> to vector<2000x128xf32>
      %jit3A = arith.constant 0xFF800000 : f32
      %broadcast_in_dim3A = vector.shape_cast %eq3A_19 : vector<2000x1xi1> to vector<2000x1xi1>
      %broadcast_in_dim3A_25 = vector.broadcast %broadcast_in_dim3A : vector<2000x1xi1> to vector<2000x128xi1>
      %broadcast_in_dim3A_26 = vector.broadcast %jit3A : f32 to vector<2000x128xf32>
      %select_n3A = arith.select %broadcast_in_dim3A_25, %get3A_24, %broadcast_in_dim3A_26 : vector<2000x128xi1>, vector<2000x128xf32>
      %reduce_max3A = arith.constant dense<0xFF800000> : vector<128xf32>
      %reduce_max3A_27 = vector.multi_reduction <maximumf>, %select_n3A, %reduce_max3A [0] : vector<2000x128xf32> to vector<128xf32>
      %broadcast_in_dim3A_28 = vector.shape_cast %reduce_max3A_27 : vector<128xf32> to vector<1x128xf32>
      %get3A_29 = arith.constant 0 : index
      %get3A_30 = arith.index_cast %while3A_17 : i32 to index
      %get3A_31 = arith.constant 0 : index
      %get3A_32 = vector.load %arg3[%get3A_29, %get3A_30, %get3A_31] : memref<2x64x128xf32, #tpu.memory_space<vmem>>, vector<1x1x128xf32>
      %get3A_33 = vector.shape_cast %get3A_32 : vector<1x1x128xf32> to vector<1x128xf32>
      %max3A = arith.maximumf %get3A_33, %broadcast_in_dim3A_28 : vector<1x128xf32>
      %swap3A = arith.constant 0 : index
      %swap3A_34 = arith.index_cast %while3A_17 : i32 to index
      %swap3A_35 = arith.constant 0 : index
      %swap3A_36 = vector.load %arg3[%swap3A, %swap3A_34, %swap3A_35] : memref<2x64x128xf32, #tpu.memory_space<vmem>>, vector<1x1x128xf32>
      %swap3A_37 = vector.shape_cast %swap3A_36 : vector<1x1x128xf32> to vector<1x128xf32>
      %swap3A_38 = vector.shape_cast %max3A : vector<1x128xf32> to vector<1x1x128xf32>
      tpu.vector_store %arg3[%swap3A, %swap3A_34, %swap3A_35], %swap3A_38 {strides = array<i32>} : memref<2x64x128xf32, #tpu.memory_space<vmem>>, vector<1x1x128xf32>,
      %get3A_39 = arith.constant 1 : index
      %get3A_40 = arith.constant 0 : index
      %get3A_41 = arith.constant 0 : index
      %get3A_42 = vector.load %arg2[%get3A_39, %get3A_40, %get3A_41] : memref<2x2000x128xf32, #tpu.memory_space<vmem>>, vector<1x2000x128xf32>
      %get3A_43 = vector.shape_cast %get3A_42 : vector<1x2000x128xf32> to vector<2000x128xf32>
      %jit3A_44 = arith.constant 0xFF800000 : f32
      %broadcast_in_dim3A_45 = vector.shape_cast %eq3A_19 : vector<2000x1xi1> to vector<2000x1xi1>
      %broadcast_in_dim3A_46 = vector.broadcast %broadcast_in_dim3A_45 : vector<2000x1xi1> to vector<2000x128xi1>
      %broadcast_in_dim3A_47 = vector.broadcast %jit3A_44 : f32 to vector<2000x128xf32>
      %select_n3A_48 = arith.select %broadcast_in_dim3A_46, %get3A_43, %broadcast_in_dim3A_47 : vector<2000x128xi1>, vector<2000x128xf32>
      %reduce_max3A_49 = arith.constant dense<0xFF800000> : vector<128xf32>
      %reduce_max3A_50 = vector.multi_reduction <maximumf>, %select_n3A_48, %reduce_max3A_49 [0] : vector<2000x128xf32> to vector<128xf32>
      %broadcast_in_dim3A_51 = vector.shape_cast %reduce_max3A_50 : vector<128xf32> to vector<1x128xf32>
      %get3A_52 = arith.constant 1 : index
      %get3A_53 = arith.index_cast %while3A_17 : i32 to index
      %get3A_54 = arith.constant 0 : index
      %get3A_55 = vector.load %arg3[%get3A_52, %get3A_53, %get3A_54] : memref<2x64x128xf32, #tpu.memory_space<vmem>>, vector<1x1x128xf32>
      %get3A_56 = vector.shape_cast %get3A_55 : vector<1x1x128xf32> to vector<1x128xf32>
      %max3A_57 = arith.maximumf %get3A_56, %broadcast_in_dim3A_51 : vector<1x128xf32>
      %swap3A_58 = arith.constant 1 : index
      %swap3A_59 = arith.index_cast %while3A_17 : i32 to index
      %swap3A_60 = arith.constant 0 : index
      %swap3A_61 = vector.load %arg3[%swap3A_58, %swap3A_59, %swap3A_60] : memref<2x64x128xf32, #tpu.memory_space<vmem>>, vector<1x1x128xf32>
      %swap3A_62 = vector.shape_cast %swap3A_61 : vector<1x1x128xf32> to vector<1x128xf32>
      %swap3A_63 = vector.shape_cast %max3A_57 : vector<1x128xf32> to vector<1x1x128xf32>
      tpu.vector_store %arg3[%swap3A_58, %swap3A_59, %swap3A_60], %swap3A_63 {strides = array<i32>} : memref<2x64x128xf32, #tpu.memory_space<vmem>>, vector<1x1x128xf32>,
    }
    %while3A_16 = arith.constant 1 : i32
    scf.for %while3A_17 = %while3A_14 to %while3A_10 step %while3A_16  : i32 {
      %eq3A_18 = vector.broadcast %while3A_17 : i32 to vector<2000x1xi32>
      %eq3A_19 = arith.cmpi eq, %get3A_5, %eq3A_18 : vector<2000x1xi32>
      %get3A_20 = arith.constant 0 : index
      %get3A_21 = arith.constant 0 : index
      %get3A_22 = arith.constant 0 : index
      %get3A_23 = vector.load %arg2[%get3A_20, %get3A_21, %get3A_22] : memref<2x2000x128xf32, #tpu.memory_space<vmem>>, vector<1x2000x128xf32>
      %get3A_24 = vector.shape_cast %get3A_23 : vector<1x2000x128xf32> to vector<2000x128xf32>
      %jit3A = arith.constant 0xFF800000 : f32
      %broadcast_in_dim3A = vector.shape_cast %eq3A_19 : vector<2000x1xi1> to vector<2000x1xi1>
      %broadcast_in_dim3A_25 = vector.broadcast %broadcast_in_dim3A : vector<2000x1xi1> to vector<2000x128xi1>
      %broadcast_in_dim3A_26 = vector.broadcast %jit3A : f32 to vector<2000x128xf32>
      %select_n3A = arith.select %broadcast_in_dim3A_25, %get3A_24, %broadcast_in_dim3A_26 : vector<2000x128xi1>, vector<2000x128xf32>
      %reduce_max3A = arith.constant dense<0xFF800000> : vector<128xf32>
      %reduce_max3A_27 = vector.multi_reduction <maximumf>, %select_n3A, %reduce_max3A [0] : vector<2000x128xf32> to vector<128xf32>
      %broadcast_in_dim3A_28 = vector.shape_cast %reduce_max3A_27 : vector<128xf32> to vector<1x128xf32>
      %get3A_29 = arith.constant 0 : index
      %get3A_30 = arith.index_cast %while3A_17 : i32 to index
      %get3A_31 = arith.constant 0 : index
      %get3A_32 = vector.load %arg3[%get3A_29, %get3A_30, %get3A_31] : memref<2x64x128xf32, #tpu.memory_space<vmem>>, vector<1x1x128xf32>
      %get3A_33 = vector.shape_cast %get3A_32 : vector<1x1x128xf32> to vector<1x128xf32>
      %max3A = arith.maximumf %get3A_33, %broadcast_in_dim3A_28 : vector<1x128xf32>
      %swap3A = arith.constant 0 : index
      %swap3A_34 = arith.index_cast %while3A_17 : i32 to index
      %swap3A_35 = arith.constant 0 : index
      %swap3A_36 = vector.load %arg3[%swap3A, %swap3A_34, %swap3A_35] : memref<2x64x128xf32, #tpu.memory_space<vmem>>, vector<1x1x128xf32>
      %swap3A_37 = vector.shape_cast %swap3A_36 : vector<1x1x128xf32> to vector<1x128xf32>
      %swap3A_38 = vector.shape_cast %max3A : vector<1x128xf32> to vector<1x1x128xf32>
      tpu.vector_store %arg3[%swap3A, %swap3A_34, %swap3A_35], %swap3A_38 {strides = array<i32>} : memref<2x64x128xf32, #tpu.memory_space<vmem>>, vector<1x1x128xf32>,
      %get3A_39 = arith.constant 1 : index
      %get3A_40 = arith.constant 0 : index
      %get3A_41 = arith.constant 0 : index
      %get3A_42 = vector.load %arg2[%get3A_39, %get3A_40, %get3A_41] : memref<2x2000x128xf32, #tpu.memory_space<vmem>>, vector<1x2000x128xf32>
      %get3A_43 = vector.shape_cast %get3A_42 : vector<1x2000x128xf32> to vector<2000x128xf32>
      %jit3A_44 = arith.constant 0xFF800000 : f32
      %broadcast_in_dim3A_45 = vector.shape_cast %eq3A_19 : vector<2000x1xi1> to vector<2000x1xi1>
      %broadcast_in_dim3A_46 = vector.broadcast %broadcast_in_dim3A_45 : vector<2000x1xi1> to vector<2000x128xi1>
      %broadcast_in_dim3A_47 = vector.broadcast %jit3A_44 : f32 to vector<2000x128xf32>
      %select_n3A_48 = arith.select %broadcast_in_dim3A_46, %get3A_43, %broadcast_in_dim3A_47 : vector<2000x128xi1>, vector<2000x128xf32>
      %reduce_max3A_49 = arith.constant dense<0xFF800000> : vector<128xf32>
      %reduce_max3A_50 = vector.multi_reduction <maximumf>, %select_n3A_48, %reduce_max3A_49 [0] : vector<2000x128xf32> to vector<128xf32>
      %broadcast_in_dim3A_51 = vector.shape_cast %reduce_max3A_50 : vector<128xf32> to vector<1x128xf32>
      %get3A_52 = arith.constant 1 : index
      %get3A_53 = arith.index_cast %while3A_17 : i32 to index
      %get3A_54 = arith.constant 0 : index
      %get3A_55 = vector.load %arg3[%get3A_52, %get3A_53, %get3A_54] : memref<2x64x128xf32, #tpu.memory_space<vmem>>, vector<1x1x128xf32>
      %get3A_56 = vector.shape_cast %get3A_55 : vector<1x1x128xf32> to vector<1x128xf32>
      %max3A_57 = arith.maximumf %get3A_56, %broadcast_in_dim3A_51 : vector<1x128xf32>
      %swap3A_58 = arith.constant 1 : index
      %swap3A_59 = arith.index_cast %while3A_17 : i32 to index
      %swap3A_60 = arith.constant 0 : index
      %swap3A_61 = vector.load %arg3[%swap3A_58, %swap3A_59, %swap3A_60] : memref<2x64x128xf32, #tpu.memory_space<vmem>>, vector<1x1x128xf32>
      %swap3A_62 = vector.shape_cast %swap3A_61 : vector<1x1x128xf32> to vector<1x128xf32>
      %swap3A_63 = vector.shape_cast %max3A_57 : vector<1x128xf32> to vector<1x1x128xf32>
      tpu.vector_store %arg3[%swap3A_58, %swap3A_59, %swap3A_60], %swap3A_63 {strides = array<i32>} : memref<2x64x128xf32, #tpu.memory_space<vmem>>, vector<1x1x128xf32>,
    }
    return
  }
  func.func @transform_0(%arg0: i32) -> (i32, i32, i32) {
    %c0_i32 = arith.constant 0 : i32
    %c0_i32_0 = arith.constant 0 : i32
    %c0_i32_1 = arith.constant 0 : i32
    return %arg0, %c0_i32, %c0_i32_0 : i32, i32, i32
  }
  func.func @transform_1(%arg0: i32) -> (i32, i32, i32) {
    %c0_i32 = arith.constant 0 : i32
    %c0_i32_0 = arith.constant 0 : i32
    %c0_i32_1 = arith.constant 0 : i32
    return %c0_i32, %arg0, %c0_i32_0 : i32, i32, i32
  }
  func.func @transform_2(%arg0: i32) -> (i32, i32, i32) {
    %c0_i32 = arith.constant 0 : i32
    %c0_i32_0 = arith.constant 0 : i32
    %c0_i32_1 = arith.constant 0 : i32
    %c0_i32_2 = arith.constant 0 : i32
    return %c0_i32, %c0_i32_0, %c0_i32_1 : i32, i32, i32
  }
}

module attributes {stable_mosaic.version = 14 : i64} {
  func.func @_mlp_body(%arg0: memref<2x64x128xf32, #tpu.memory_space<vmem>>, %arg1: memref<2x128x256xf32, #tpu.memory_space<vmem>>, %arg2: memref<1x256xf32, #tpu.memory_space<vmem>>, %arg3: memref<256x256xf32, #tpu.memory_space<vmem>>, %arg4: memref<1x256xf32, #tpu.memory_space<vmem>>, %arg5: memref<256x128xf32, #tpu.memory_space<vmem>>, %arg6: memref<1x128xf32, #tpu.memory_space<vmem>>, %arg7: memref<64x128xf32, #tpu.memory_space<vmem>>) attributes {dimension_semantics = [], scalar_prefetch = 0 : i64, scratch_operands = 0 : i64, tpu.core_type = #tpu.core_type<tc>} {
    %get3A = arith.constant 0 : index
    %get3A_0 = arith.constant 0 : index
    %get3A_1 = arith.constant 0 : index
    %get3A_2 = vector.load %arg0[%get3A, %get3A_0, %get3A_1] : memref<2x64x128xf32, #tpu.memory_space<vmem>>, vector<1x64x128xf32>
    %get3A_3 = vector.shape_cast %get3A_2 : vector<1x64x128xf32> to vector<64x128xf32>
    %get3A_4 = arith.constant 0 : index
    %get3A_5 = arith.constant 0 : index
    %get3A_6 = arith.constant 0 : index
    %get3A_7 = vector.load %arg1[%get3A_4, %get3A_5, %get3A_6] : memref<2x128x256xf32, #tpu.memory_space<vmem>>, vector<1x128x256xf32>
    %get3A_8 = vector.shape_cast %get3A_7 : vector<1x128x256xf32> to vector<128x256xf32>
    %dot_general3A = arith.constant dense<0.000000e+00> : vector<64x256xf32>
    %dot_general3A_9 = tpu.matmul %get3A_3, %get3A_8, %dot_general3A {dimension_numbers = #tpu.dot_dimension_numbers<[1], [0], [0], [1], [0, 0, 1, 1], [], []>, transpose_lhs_hint = false} : vector<64x128xf32>, vector<128x256xf32>, vector<64x256xf32> -> vector<64x256xf32>
    %get3A_10 = arith.constant 1 : index
    %get3A_11 = arith.constant 0 : index
    %get3A_12 = arith.constant 0 : index
    %get3A_13 = vector.load %arg0[%get3A_10, %get3A_11, %get3A_12] : memref<2x64x128xf32, #tpu.memory_space<vmem>>, vector<1x64x128xf32>
    %get3A_14 = vector.shape_cast %get3A_13 : vector<1x64x128xf32> to vector<64x128xf32>
    %get3A_15 = arith.constant 1 : index
    %get3A_16 = arith.constant 0 : index
    %get3A_17 = arith.constant 0 : index
    %get3A_18 = vector.load %arg1[%get3A_15, %get3A_16, %get3A_17] : memref<2x128x256xf32, #tpu.memory_space<vmem>>, vector<1x128x256xf32>
    %get3A_19 = vector.shape_cast %get3A_18 : vector<1x128x256xf32> to vector<128x256xf32>
    %dot_general3A_20 = arith.constant dense<0.000000e+00> : vector<64x256xf32>
    %dot_general3A_21 = tpu.matmul %get3A_14, %get3A_19, %dot_general3A_20 {dimension_numbers = #tpu.dot_dimension_numbers<[1], [0], [0], [1], [0, 0, 1, 1], [], []>, transpose_lhs_hint = false} : vector<64x128xf32>, vector<128x256xf32>, vector<64x256xf32> -> vector<64x256xf32>
    %add3A = arith.addf %dot_general3A_9, %dot_general3A_21 : vector<64x256xf32>
    %get3A_22 = arith.constant 0 : index
    %get3A_23 = arith.constant 0 : index
    %get3A_24 = vector.load %arg2[%get3A_22, %get3A_23] : memref<1x256xf32, #tpu.memory_space<vmem>>, vector<1x256xf32>
    %add3A_25 = vector.broadcast %get3A_24 : vector<1x256xf32> to vector<64x256xf32>
    %add3A_26 = arith.addf %add3A, %add3A_25 : vector<64x256xf32>
    %max3A = arith.constant 0.000000e+00 : f32
    %max3A_27 = vector.broadcast %max3A : f32 to vector<64x256xf32>
    %max3A_28 = arith.maximumf %add3A_26, %max3A_27 : vector<64x256xf32>
    %get3A_29 = arith.constant 0 : index
    %get3A_30 = arith.constant 0 : index
    %get3A_31 = vector.load %arg3[%get3A_29, %get3A_30] : memref<256x256xf32, #tpu.memory_space<vmem>>, vector<256x256xf32>
    %dot_general3A_32 = arith.constant dense<0.000000e+00> : vector<64x256xf32>
    %dot_general3A_33 = tpu.matmul %max3A_28, %get3A_31, %dot_general3A_32 {dimension_numbers = #tpu.dot_dimension_numbers<[1], [0], [0], [1], [0, 0, 1, 1], [], []>, transpose_lhs_hint = false} : vector<64x256xf32>, vector<256x256xf32>, vector<64x256xf32> -> vector<64x256xf32>
    %get3A_34 = arith.constant 0 : index
    %get3A_35 = arith.constant 0 : index
    %get3A_36 = vector.load %arg4[%get3A_34, %get3A_35] : memref<1x256xf32, #tpu.memory_space<vmem>>, vector<1x256xf32>
    %add3A_37 = vector.broadcast %get3A_36 : vector<1x256xf32> to vector<64x256xf32>
    %add3A_38 = arith.addf %dot_general3A_33, %add3A_37 : vector<64x256xf32>
    %max3A_39 = arith.constant 0.000000e+00 : f32
    %max3A_40 = vector.broadcast %max3A_39 : f32 to vector<64x256xf32>
    %max3A_41 = arith.maximumf %add3A_38, %max3A_40 : vector<64x256xf32>
    %get3A_42 = arith.constant 0 : index
    %get3A_43 = arith.constant 0 : index
    %get3A_44 = vector.load %arg5[%get3A_42, %get3A_43] : memref<256x128xf32, #tpu.memory_space<vmem>>, vector<256x128xf32>
    %dot_general3A_45 = arith.constant dense<0.000000e+00> : vector<64x128xf32>
    %dot_general3A_46 = tpu.matmul %max3A_41, %get3A_44, %dot_general3A_45 {dimension_numbers = #tpu.dot_dimension_numbers<[1], [0], [0], [1], [0, 0, 1, 1], [], []>, transpose_lhs_hint = false} : vector<64x256xf32>, vector<256x128xf32>, vector<64x128xf32> -> vector<64x128xf32>
    %get3A_47 = arith.constant 0 : index
    %get3A_48 = arith.constant 0 : index
    %get3A_49 = vector.load %arg6[%get3A_47, %get3A_48] : memref<1x128xf32, #tpu.memory_space<vmem>>, vector<1x128xf32>
    %add3A_50 = vector.broadcast %get3A_49 : vector<1x128xf32> to vector<64x128xf32>
    %add3A_51 = arith.addf %dot_general3A_46, %add3A_50 : vector<64x128xf32>
    %neg3A = arith.constant 0.000000e+00 : f32
    %neg3A_52 = vector.broadcast %neg3A : f32 to vector<64x128xf32>
    %neg3A_53 = arith.subf %neg3A_52, %add3A_51 : vector<64x128xf32>
    %exp3A = math.exp %neg3A_53 : vector<64x128xf32>
    %add3A_54 = arith.constant 1.000000e+00 : f32
    %add3A_55 = vector.broadcast %add3A_54 : f32 to vector<64x128xf32>
    %add3A_56 = arith.addf %add3A_55, %exp3A : vector<64x128xf32>
    %div3A = arith.constant 1.000000e+00 : f32
    %div3A_57 = vector.broadcast %div3A : f32 to vector<64x128xf32>
    %div3A_58 = arith.divf %div3A_57, %add3A_56 : vector<64x128xf32>
    %swap3A = arith.constant 0 : index
    %swap3A_59 = arith.constant 0 : index
    %swap3A_60 = vector.load %arg7[%swap3A, %swap3A_59] : memref<64x128xf32, #tpu.memory_space<vmem>>, vector<64x128xf32>
    tpu.vector_store %arg7[%swap3A, %swap3A_59], %div3A_58 {strides = array<i32>} : memref<64x128xf32, #tpu.memory_space<vmem>>, vector<64x128xf32>,
    return
  }
}

</mosaic_0001>

<sc_bundles>
// kernel: kernel.14.cloned.1.call-start
scs
__scs_entry_jumppad:
0x0: {  	(pc) =	sbr.rel $0x88, $3  }
0x1: {  	(tag) =	ssettag $0x0;
	lr =	simm.s32 $0x1  }
0x2: {  	[smem:$0x3F7F] =	sst lr;
	_ =	strace $0xD0000000  }
0x3: {  	_ = 	snop  }
0x4: {  	_ = 	snop  }
0x5: {  	_ = 	snop  }
0x6: {  	_ = 	snop  }
0x7: {  	_ = 	snop  }
__scs_overlays_trampoline_lowered:
0x8: {  	[smem:$0x3F8E] =	sst s0  }
0x9: {  	[smem:$0x3F8F] =	sst s1  }
0xa: {  	[smem:$0x3F90] =	sst s2  }
0xb: {  	[smem:$0x3F91] =	sst s3  }
0xc: {  	[smem:$0x3F92] =	sst s4  }
0xd: {  	[smem:$0x3F93] =	sst s5  }
0xe: {  	[smem:$0x3F94] =	sst s6  }
0xf: {  	[smem:$0x3F95] =	sst s7  }
0x10: {  	[smem:$0x3F96] =	sst s8  }
0x11: {  	[smem:$0x3F97] =	sst s9;
	s0 =	simm.s32 @!p0 $0x0  }
0x12: {  	s1 =	sld [smem:$0x3F7D];
	s0 =	simm.s32 @p0 $0x1  }
0x13: {  	[smem:$0x3F98] =	sst s0;
	s0 =	simm.s32 @!p1 $0x0  }
0x14: {  	s2 =	sld [smem:$0x3F7C];
	s0 =	simm.s32 @p1 $0x1  }
0x15: {  	[smem:$0x3F99] =	sst s0;
	s0 =	simm.s32 @!p2 $0x0  }
0x16: {  	s3 =	sld [smem:$0x3FDB];
	s0 =	simm.s32 @p2 $0x1  }
0x17: {  	s4 =	simm.s32 $0x1BF5;
	[smem:$0x3F9B] =	sst s0  }
0x18: {  	s0 =	sld [smem:$0x3F7E];
	_ =	swait.ge [sflag:s4], $0x0  }
0x19: {  	s7 =	sld [smem:$0x3F7F]  }
0x1a: {  	s8 =	sadd.s32 $0xFFFFE003, lr  }
0x1b: {  	s9 =	sadd.s32 $0xFFFFFEF7, lr;
	s5 =	simm.s32 $0xFFFFFFFF;
	p2 =	slt.u32 s8, $0xFFFFF086  }
0x1c: {  	p1 =	slt.u32 s9, $0xF7A;
	s5 =	simm.s32 @!p2 $0x0  }
0x1d: {  	s5 =	simm.s32 @p1 $0x1;
	p0 =	seq.s32 s7, s2  }
0x1e: {  	s7 =	smul.u32 @!p0 $0xF7A, s2;
	p2 =	seq.s32 @!p0 s5, $0x0  }
0x1f: {  	s9 =	smul.u32 $0xF7A, s1;
	s8 =	simm.s32 @!p0 $0x1BF5;
	p2 =	por !p2, p0  }
0x20: {  	[sflag:s8] =	ssyncset.s32 @!p0 $0xFFFFF086;
	s6 =	sadd.s32 @!p0 s3, s7;
	s7 =	simm.s32 @!p0 $0x108  }
0x21: {  	s3 =	sadd.s32 s3, s9;
	s6 =	sadd.s32 @!p0 $0x88, s6;
	s7 =	simm.s32 @p2 $0x1082  }
0x22: {  	[simem:s7], [sflag:s8] =	dma.local @!p0 [hbm:s6], $0xF7A  }
0x23: {  	s9 =	sor.u32 $0xD0000000, s2;
	s6 =	simm.s32 $0x108;
	_ =	swait.ge @!p0 [sflag:s8], $0x0  }
0x24: {  	s3 =	sadd.s32 $0x88, s3;
	s6 =	simm.s32 @!p1 $0x1082;
	[sflag:s4] =	ssyncset.s32 $0xFFFFF086  }
0x25: {  	[simem:s6], [sflag:s4] =	dma.local [hbm:s3], $0xF7A  }
0x26: {  	[smem:$0x3F7F] =	sst s1;
	(tag) =	ssettag s2;
	_ =	strace s9  }
0x27: {  	s1 =	sld [smem:$0x3F8F]  }
0x28: {  	s2 =	sld [smem:$0x3F90]  }
0x29: {  	s4 =	sld [smem:$0x3F92]  }
0x2a: {  	p0 =	seq.s32 s5, $0x0;
	s5 =	sld [smem:$0x3F93]  }
0x2b: {  	s6 =	sld [smem:$0x3F94]  }
0x2c: {  	s7 =	sld [smem:$0x3F95]  }
0x2d: {  	s3 =	simm.s32 $0x108;
	s8 =	sld [smem:$0x3F96]  }
0x2e: {  	s3 =	simm.s32 @!p0 $0x1082;
	s9 =	sld [smem:$0x3F97]  }
0x2f: {  	lr =	sadd.s32 s0, s3;
	s0 =	sld [smem:$0x3F8E]  }
0x30: {  	s3 =	sld [smem:$0x3F91]  }
0x31: {  	[smem:$0x3F9A] =	sst s10  }
0x32: {  	s10 =	sld [smem:$0x3F98];
	_ =	sdelay $0x3  }
0x33: {  	p0 =	seq.s32 s10, $0x1;
	s10 =	sld [smem:$0x3F9A];
	_ =	sdelay $0x3  }
0x34: {  	[smem:$0x3F9A] =	sst s10  }
0x35: {  	s10 =	sld [smem:$0x3F99];
	_ =	sdelay $0x3  }
0x36: {  	p1 =	seq.s32 s10, $0x1;
	s10 =	sld [smem:$0x3F9A];
	_ =	sdelay $0x3  }
0x37: {  	[smem:$0x3F9A] =	sst s10  }
0x38: {  	s10 =	sld [smem:$0x3F9B]  }
0x39: {  	_ = 	snop;
	(pc) =	sbr.ind lr, $3  }
0x3a: {  	_ = 	snop  }
0x3b: {  	_ = 	snop  }
0x3c: {  	p2 =	seq.s32 s10, $0x1;
	s10 =	sld [smem:$0x3F9A]  }
0x3d: {  	_ =	shalt  }
0x3e: {  	_ =	shalt  }
0x3f: {  	_ =	shalt  }
0x40: {  	_ =	shalt  }
0x41: {  	_ =	shalt  }
0x42: {  	_ =	shalt  }
0x43: {  	_ =	shalt  }
0x44: {  	_ =	shalt  }
0x45: {  	_ =	shalt  }
0x46: {  	_ =	shalt  }
0x47: {  	_ =	shalt  }
0x48: {  	_ =	shalt  }
0x49: {  	_ =	shalt  }
0x4a: {  	_ =	shalt  }
0x4b: {  	_ =	shalt  }
0x4c: {  	_ =	shalt  }
0x4d: {  	_ =	shalt  }
0x4e: {  	_ =	shalt  }
0x4f: {  	_ =	shalt  }
0x50: {  	_ =	shalt  }
0x51: {  	_ =	shalt  }
0x52: {  	_ =	shalt  }
0x53: {  	_ =	shalt  }
0x54: {  	_ =	shalt  }
0x55: {  	_ =	shalt  }
0x56: {  	_ =	shalt  }
0x57: {  	_ =	shalt  }
0x58: {  	_ =	shalt  }
0x59: {  	_ =	shalt  }
0x5a: {  	_ =	shalt  }
0x5b: {  	_ =	shalt  }
0x5c: {  	_ =	shalt  }
0x5d: {  	_ =	shalt  }
0x5e: {  	_ =	shalt  }
0x5f: {  	_ =	shalt  }
0x60: {  	_ =	shalt  }
0x61: {  	_ =	shalt  }
0x62: {  	_ =	shalt  }
0x63: {  	_ =	shalt  }
0x64: {  	_ =	shalt  }
0x65: {  	_ =	shalt  }
0x66: {  	_ =	shalt  }
0x67: {  	_ =	shalt  }
0x68: {  	_ =	shalt  }
0x69: {  	_ =	shalt  }
0x6a: {  	_ =	shalt  }
0x6b: {  	_ =	shalt  }
0x6c: {  	_ =	shalt  }
0x6d: {  	_ =	shalt  }
0x6e: {  	_ =	shalt  }
0x6f: {  	_ =	shalt  }
0x70: {  	_ =	shalt  }
0x71: {  	_ =	shalt  }
0x72: {  	_ =	shalt  }
0x73: {  	_ =	shalt  }
0x74: {  	_ =	shalt  }
0x75: {  	_ =	shalt  }
0x76: {  	_ =	shalt  }
0x77: {  	_ =	shalt  }
0x78: {  	_ =	shalt  }
0x79: {  	_ =	shalt  }
0x7a: {  	_ =	shalt  }
0x7b: {  	_ =	shalt  }
0x7c: {  	_ =	shalt  }
0x7d: {  	_ =	shalt  }
0x7e: {  	_ =	shalt  }
0x7f: {  	_ =	shalt  }
0x80: {  	_ =	shalt  }
0x81: {  	_ =	shalt  }
0x82: {  	_ =	shalt  }
0x83: {  	_ =	shalt  }
0x84: {  	_ =	shalt  }
0x85: {  	_ =	shalt  }
0x86: {  	_ =	shalt  }
0x87: {  	_ =	shalt  }
.Lfunc_end0:
.L_simem_size_0:
called_computation_lowered:
.L_overlay_start_0:
0x88: {  	s2 =	sld [smem:$0x3FD9]  }
0x89: {  	s3 =	sld [smem:$0x3FFE];
	_ =	sdelay $0x1  }
0x8a: {  	s1 =	srdreg.scid  }
0x8b: {  	s0 =	sand.u32 $0x1, s1  }
0x8c: {  	s16 =	sshll.u32 s0, $0xA;
	s2 =	sadd.s32 s3, s2  }
0x8d: {  	s2 =	sadd.s32 s2, s16  }
0x8e: {  	[smem:$0x3FA6] =	sst s2  }
0x8f: {  	_ = 	snop  }
0x90: {  	(tm) =	ssettm $0x1  }
0x91: {  	s17 =	sld [smem:$0x3FFB];
	_ =	sdelay $0x3  }
0x92: {  	_ =	strace s17  }
0x93: {  	s2 =	sld [smem:$0x3FFC];
	_ =	sdelay $0x3  }
0x94: {  	_ =	strace s2  }
0x95: {  	s2 =	sld [smem:$0x3FFD];
	_ =	sdelay $0x3  }
0x96: {  	_ =	strace s2  }
0x97: {  	_ =	strace $0x8FFFFFFF  }
0x98: {  	s18 =	sld [smem:$0x3FDB];
	_ =	sdelay $0x1  }
0x99: {  	s19 =	simm.s32 $_scs_section_size  }
0x9a: {  	s4 =	simm.s32 $_size__tile_overlayer_lowered;
	s5 =	simm.s32 $_tile_overlayer_lowered  }
0x9b: {  	s22 =	simm.s32 $0x1BFF;
	s21 =	sshll.u32 s5, $0x1;
	s2 =	sadd.s32 s19, s18  }
0x9c: {  	s6 =	simm.s32 $0x0;
	s20 =	sshll.u32 s4, $0x1;
	s4 =	sadd.s32 s21, s2  }
0x9d: {  	[timem:s6], [sflag:s22] =	dma.local [hbm:s4], s20  }
0x9e: {  	_ =	swait.ge [sflag:s22], s20  }
0x9f: {  	s3 =	ssub.s32 $0x0, s20;
	[sflag:s22] =	ssyncset.done $0x0  }
0xa0: {  	[sflag:s22] =	ssyncadd.s32 s3;
	_ =	sdelay $0x1  }
0xa1: {  	s23 =	simm.s32 $0x1B8B  }
0xa2: {  	_ =	swait.ge [sflag:s23], $0x1  }
0xa3: {  	[sflag:s23] =	ssyncset.done $0x0  }
0xa4: {  	s25 =	simm.s32 $0x1B8E;
	s24 =	sld [smem:$0x3FFE];
	[sflag:s23] =	ssyncadd.s32 $0xFFFFFFFF  }
0xa5: {  	s26 =	simm.s32 $execute0_lowered;
	[smem:$0x3FD2] =	sst s25  }
0xa6: {  	s4 =	sshll.u32 s26, $0x1;
	_ =	strace $0x80000046;
	[dreg:$0x1] =	wrdreg $0xFFFFFFFF  }
0xa7: {  	s28 =	simm.s32 $_size_execute0_lowered;
	s2 =	sadd.s32 s2, s4;
	[dreg:$0x0] =	wrdreg $0x0  }
0xa8: {  	s4 =	sshll.u32 s28, $0x1;
	[dreg:$0x2] =	wrdreg s2  }
0xa9: {  	[dreg:$0x3] =	wrdreg s4  }
0xaa: {  	[dreg:$0x4] =	wrdreg $0xC0  }
0xab: {  	_ =	task [dreg:s6], $0x5FFFF  }
0xac: {  	[dreg:$0x1] =	wrdreg $0xFFFFFFFF  }
0xad: {  	[dreg:$0x0] =	wrdreg $0x60  }
0xae: {  	[dreg:$0x2] =	wrdreg s24  }
0xaf: {  	[dreg:$0x3] =	wrdreg $0x90000  }
0xb0: {  	[dreg:$0x4] =	wrdreg $0x9  }
0xb1: {  	_ =	task.clear_ibuf [dreg:s6], $0x5FFFF;
	_ =	strace $0x90000046  }
0xb2: {  	s29 =	simm.s32 $0x9;
	_ =	strace $0x80000048  }
0xb3: {  	_ =	swait.ge [sflag:s29], $0x1  }
0xb4: {  	[sflag:s29] =	ssyncadd.s32 $0xFFFFFFFF  }
0xb5: {  	_ =	strace $0x90000048  }
0xb6: {  	_ =	sfence  }
0xb7: {  	s30 =	sld [smem:$0x0];
	_ =	sdelay $0x2  }
0xb8: {  	s31 =	sshll.u32 s1, $0xD;
	s1 =	sshrl.u32 s1, $0x2  }
0xb9: {  	s3 =	sand.u32 $0x4000, s31;
	s1 =	sadd.s32 s1, s30  }
0xba: {  	s0 =	sor.u32 s3, s0;
	s1 =	sshll.u32 s1, $0x11  }
0xbb: {  	s0 =	sor.u32 s1, s0  }
0xbc: {  	s0 =	sadd.s32 $0x8F2B, s0  }
0xbd: {  	[sflag:s0] =	ssyncadd.remote.s32 $0x1  }
0xbe: {  	_ =	sfence.sel $0xFFFF  }
0xbf: {  	[dreg:$0x0] =	wrdreg $0xFFFFFFFF;
	(pc) =	sbr.abs _section_cstart, $3  }
0xc0: {  	[dreg:$0x1] =	wrdreg $0xFFFFFFFF  }
0xc1: {  	_ =	task.clear_ibuf [dreg:s6], $0x2FFFF;
	_ =	strace $0x9FFFFFFF  }
0xc2: {  	(tm) =	ssettm $0x7FFFFFFF  }
0xc3: {  	_ =	shalt  }
tec
execute0_lowered:
.L_overlay_start_1:
0x0: {  	(tag) =	ssettag $0x1  }
0x1: {  	s6 =	rddreg [dreg:$0x0]  }
0x2: {  	s1 =	srdreg.scid;
	s0 =	stileid.u32  }
0x3: {  	s2 =	rddreg [dreg:$0x1];
	s3 =	simm.s32 $0x0;
	s15 =	simm.s32 $0x80  }
0x4: {  	s16 =	simm.s32 $0x5000;
	s19 =	simm.s32 $0x0;
	s5 =	smul.u32 $0x2800, s0  }
0x5: {  	s7 =	sand.u32 $0x1, s1;
	s1 =	rddreg [dreg:$0x2];
	s10 =	smul.u32 $0x4F000, s0  }
0x6: {  	[smem:$0x7FF] =	sst s3;
	s13 =	sadd.s32 $0x66600, s6;
	s14 =	smul.u32 $0x13C00, s0  }
0x7: {  	s17 =	sadd.s32 $0x128400, s2;
	s31 =	sshll.u32 s0, $0x6;
	p0 =	seq.s32 s0, $0xF  }
0x8: {  	s4 =	smul.u32 $0x28000, s7;
	_ =	strace $0x80000047;
	s11 =	ssub.s32 $0x2, s7  }
0x9: {  	s12 =	smul.u32 $0x138800, s7;
	s17 =	sshrl.u32 @p0 s17, $0x3;
	s24 =	sshrl.u32 s11, $0x1  }
0xa: {  	s25 =	sshrl.u32 s10, $0x2;
	s8 =	sadd.s32 s5, s4;
	s4 =	sadd.s32 $0xBC00, s6  }
0xb: {  	s5 =	sshrl.u32 s5, $0x3;
	s11 =	ssub.s32 s11, s24;
	s26 =	sadd.s32 s14, s12  }
0xc: {  	s28 =	sshrl.u32 s12, $0x3;
	s18 =	sadd.s32 s25, s2;
	s12 =	simm.s32 $0x2800  }
0xd: {  	s8 =	sshrl.u32 s8, $0x3;
	s9 =	sadd.s32 s5, s6;
	s5 =	sadd.s32 $0x63E00, s6  }
0xe: {  	s29 =	sshrl.u32 s26, $0x3;
	s30 =	sadd.s32 s13, s28;
	s10 =	smax.u32 s11, $0x1  }
0xf: {  	s11 =	simm.s32 $0x1;
	s14 =	sshrl.u32 s18, $0x3;
	s18 =	sshrl.u32 @!p0 s18, $0x3  }
0x10: {  	s8 =	sadd.s32 s8, s6;
	s7 =	sadd.s32 $0x6C00, s9;
	s9 =	sadd.s32 $0x25080, s30  }
0x11: {  	s6 =	sadd.s32 $0x59E00, s8;
	s8 =	sadd.s32 s13, s29;
	s13 =	sor.u32 $0x1C01, s31  }
.LBB2_1:
0x12: {  	[tilespmem:s3], [sflag:$0x1] =	stream.linear.gather [hbm4b:s6+s3], $0x2780, $0x38;
	[tilespmem:$0x1CC00] =	vst v63  }
0x13: {  	_ =	swait.ge [sflag:s11], $0x2780  }
0x14: {  	[sflag:s11] =	ssyncset.done $0x0  }
0x15: {  	[sflag:s11] =	ssyncadd.s32 $0xFFFFD880  }
0x16: {  	[tilespmem:s12], [sflag:$0x1] =	stream.linear.gather [hbm4b:s7+s3], $0x2780, $0x38;
	[tilespmem:$0x1CC00] =	vst v63  }
0x17: {  	_ =	swait.ge [sflag:s11], $0x2780  }
0x18: {  	[sflag:s11] =	ssyncset.done $0x0  }
0x19: {  	[sflag:s11] =	ssyncadd.s32 $0xFFFFD880  }
0x1a: {  	[spmem:s14], [sflag:s13] =	dma.local [hbm:s5], $0x2780  }
0x1b: {  	_ =	swait.ge [sflag:s11], $0x2780  }
0x1c: {  	[sflag:s11] =	ssyncset.done $0x0  }
0x1d: {  	[sflag:s11] =	ssyncadd.s32 $0xFFFFD880  }
0x1e: {  	s20 =	simm.s32 $0x0;
	[bflag:$0x0] =	sbarrier.arrive $0xFFFF  }
0x1f: {  	[tilespmem:s16], [sflag:$0x1] =	stream.indirect.gather [hbm4b:s4+s15], $0x80, s20, s15, $0xb8;
	[tilespmem:$0x1CC00] =	vst v63  }
0x20: {  	_ =	swait.ge [sflag:s11], $0x4000  }
0x21: {  	[sflag:s11] =	ssyncset.done $0x0  }
0x22: {  	s31 =	simm.s32 $0x2800;
	[sflag:s11] =	ssyncadd.s32 $0xFFFFC000  }
0x23: {  	[spmem:s2] =	stream.indirect.scatter.add.f32 [tilespmem:s16], [sflag:$0x1], $0x80, s31, s15, $0xb8;
	[tilespmem:$0x1CC00] =	vst v63  }
0x24: {  	_ =	swait.ge [sflag:s11], $0x4000  }
0x25: {  	s21 =	simm.s32 $0x400;
	s20 =	simm.s32 $0x200;
	[sflag:s11] =	ssyncset.done $0x0  }
.LBB2_2:
0x26: {  	s22 =	sshra.s32 s20, $0x2  }
0x27: {  	[sflag:s11] =	ssyncadd.s32 $0xFFFFC000;
	s20 =	smov.u32 s21;
	s23 =	sadd.s32 $0x200, s21  }
0x28: {  	[tilespmem:s16], [sflag:$0x1] =	stream.indirect.gather [hbm4b:s4+s15], $0x80, s22, s15, $0xb8;
	[tilespmem:$0x1CC00] =	vst v63  }
0x29: {  	p1 =	sne.s32 s21, $0x9C00;
	_ =	swait.ge [sflag:s11], $0x4000  }
.Ltmp0:
0x2a: {  	[sflag:s11] =	ssyncset.done $0x0;
	(pc) =	sbr.rel @p1 .LBB2_2-.Ltmp0, $4  }
0x2b: {  	s21 =	sadd.s32 $0x2800, s22;
	[sflag:s11] =	ssyncadd.s32 $0xFFFFC000  }
0x2c: {  	[spmem:s2] =	stream.indirect.scatter.add.f32 [tilespmem:s16], [sflag:$0x1], $0x80, s21, s15, $0xb8;
	[tilespmem:$0x1CC00] =	vst v63  }
0x2d: {  	_ =	swait.ge [sflag:s11], $0x4000  }
0x2e: {  	s21 =	smov.u32 s23;
	[sflag:s11] =	ssyncset.done $0x0  }
0x2f: {  	s20 =	sshra.s32 s20, $0x2;
	[sflag:s11] =	ssyncadd.s32 $0xFFFFC000  }
0x30: {  	[tilespmem:s16], [sflag:$0x1] =	stream.indirect.gather [hbm4b:s4+s15], $0x80, s20, s15, $0xb8;
	[tilespmem:$0x1CC00] =	vst v63  }
0x31: {  	_ =	swait.ge [sflag:s11], $0x4000  }
0x32: {  	[sflag:s11] =	ssyncset.done $0x0  }
0x33: {  	s20 =	sadd.s32 $0x2800, s20;
	[sflag:s11] =	ssyncadd.s32 $0xFFFFC000  }
0x34: {  	[spmem:s2] =	stream.indirect.scatter.add.f32 [tilespmem:s16], [sflag:$0x1], $0x80, s20, s15, $0xb8;
	[tilespmem:$0x1CC00] =	vst v63  }
0x35: {  	_ =	swait.ge [sflag:s11], $0x4000  }
0x36: {  	[sflag:s11] =	ssyncset.done $0x0  }
0x37: {  	[sflag:s11] =	ssyncadd.s32 $0xFFFFC000  }
0x38: {  	s20 =	simm.s32 @p0 $0x1;
	[bflag:$0x0] =	sbarrier.arrive $0xFFFF  }
0x39: {  	[hbm:s9], [sflag:s13] =	dma.local @p0 [spmem:s17], $0x2080  }
0x3a: {  	s19 =	sadd.s32 $0x1, s19;
	_ =	swait.ge @p0 [sflag:s20], $0x2080  }
0x3b: {  	p1 =	sne.s32 s19, s10;
	[sflag:s20] =	ssyncset.done @p0 $0x0  }
.Ltmp1:
0x3c: {  	[sflag:s20] =	ssyncadd.s32 @p0 $0xFFFFDF80;
	s20 =	simm.s32 @!p0 $0x1;
	(pc) =	sbr.rel @p1 .LBB2_1-.Ltmp1, $4  }
0x3d: {  	[hbm:s8], [sflag:s13] =	dma.local @!p0 [spmem:s18], $0x2780  }
0x3e: {  	_ =	swait.ge @!p0 [sflag:s20], $0x2780  }
0x3f: {  	[sflag:s20] =	ssyncset.done @!p0 $0x0  }
0x40: {  	[sflag:s20] =	ssyncadd.s32 @!p0 $0xFFFFD880  }
0x41: {  	_ =	sfence.sel $0x180000  }
0x42: {  	[bflag:$0x0] =	sbarrier.arrive $0xFFFF  }
0x43: {  	p0 =	sne.s32 s0, $0x0;
	_ =	strace $0x90000047  }
0x44: {  	s0 =	sadd.s32 @!p0 $0x100000, s1;
	[bflag:$0x2] =	sbarrier.arrive $0xFFFF  }
0x45: {  	[sflag:s0] =	ssyncadd.tile.s32 @!p0 $0x1;
	_ =	shalt  }
.Lfunc_end2:
_tile_overlayer_lowered:
.L_overlay_start_2:
0x46: {  	(tag) =	ssettag $0x2  }
0x47: {  	s0 =	rddreg [dreg:$0x0];
	s2 =	stileid.u32  }
0x48: {  	s1 =	rddreg [dreg:$0x1];
	p0 =	sne.s32 s2, $0x0  }
0x49: {  	s3 =	rddreg [dreg:$0x2];
	[bflag:$0x3] =	sbarrier.arrive $0xFFFF;
	s2 =	simm.s32 @!p0 $0x1C01  }
0x4a: {  	[timem:s3], [sflag:s2] =	dma.local @!p0 [hbm:s0], s1  }
0x4b: {  	s0 =	simm.s32 @!p0 $0x1  }
0x4c: {  	_ =	swait.ge @!p0 [sflag:s0], s1  }
0x4d: {  	s1 =	ssub.s32 @!p0 $0x0, s1;
	[sflag:s0] =	ssyncset.done @!p0 $0x0  }
0x4e: {  	[sflag:s0] =	ssyncadd.s32 @!p0 s1  }
0x4f: {  	[bflag:$0x3] =	sbarrier.arrive $0xFFFF  }
0x50: {  	_ =	shalt  }

// kernel: kernel.17.cloned.1.call-start
scs
__scs_entry_jumppad:
0x0: {  	(pc) =	sbr.rel $0x88, $3  }
0x1: {  	(tag) =	ssettag $0x0;
	lr =	simm.s32 $0x1  }
0x2: {  	[smem:$0x3F7F] =	sst lr;
	_ =	strace $0xD0000000  }
0x3: {  	_ = 	snop  }
0x4: {  	_ = 	snop  }
0x5: {  	_ = 	snop  }
0x6: {  	_ = 	snop  }
0x7: {  	_ = 	snop  }
__scs_overlays_trampoline_lowered:
0x8: {  	[smem:$0x3F8E] =	sst s0  }
0x9: {  	[smem:$0x3F8F] =	sst s1  }
0xa: {  	[smem:$0x3F90] =	sst s2  }
0xb: {  	[smem:$0x3F91] =	sst s3  }
0xc: {  	[smem:$0x3F92] =	sst s4  }
0xd: {  	[smem:$0x3F93] =	sst s5  }
0xe: {  	[smem:$0x3F94] =	sst s6  }
0xf: {  	[smem:$0x3F95] =	sst s7  }
0x10: {  	[smem:$0x3F96] =	sst s8  }
0x11: {  	[smem:$0x3F97] =	sst s9;
	s0 =	simm.s32 @!p0 $0x0  }
0x12: {  	s1 =	sld [smem:$0x3F7D];
	s0 =	simm.s32 @p0 $0x1  }
0x13: {  	[smem:$0x3F98] =	sst s0;
	s0 =	simm.s32 @!p1 $0x0  }
0x14: {  	s2 =	sld [smem:$0x3F7C];
	s0 =	simm.s32 @p1 $0x1  }
0x15: {  	[smem:$0x3F99] =	sst s0;
	s0 =	simm.s32 @!p2 $0x0  }
0x16: {  	s3 =	sld [smem:$0x3FDB];
	s0 =	simm.s32 @p2 $0x1  }
0x17: {  	s4 =	simm.s32 $0x1BF5;
	[smem:$0x3F9B] =	sst s0  }
0x18: {  	s0 =	sld [smem:$0x3F7E];
	_ =	swait.ge [sflag:s4], $0x0  }
0x19: {  	s7 =	sld [smem:$0x3F7F]  }
0x1a: {  	s8 =	sadd.s32 $0xFFFFE003, lr  }
0x1b: {  	s9 =	sadd.s32 $0xFFFFFEF7, lr;
	s5 =	simm.s32 $0xFFFFFFFF;
	p2 =	slt.u32 s8, $0xFFFFF086  }
0x1c: {  	p1 =	slt.u32 s9, $0xF7A;
	s5 =	simm.s32 @!p2 $0x0  }
0x1d: {  	s5 =	simm.s32 @p1 $0x1;
	p0 =	seq.s32 s7, s2  }
0x1e: {  	s7 =	smul.u32 @!p0 $0xF7A, s2;
	p2 =	seq.s32 @!p0 s5, $0x0  }
0x1f: {  	s9 =	smul.u32 $0xF7A, s1;
	s8 =	simm.s32 @!p0 $0x1BF5;
	p2 =	por !p2, p0  }
0x20: {  	[sflag:s8] =	ssyncset.s32 @!p0 $0xFFFFF086;
	s6 =	sadd.s32 @!p0 s3, s7;
	s7 =	simm.s32 @!p0 $0x108  }
0x21: {  	s3 =	sadd.s32 s3, s9;
	s6 =	sadd.s32 @!p0 $0x88, s6;
	s7 =	simm.s32 @p2 $0x1082  }
0x22: {  	[simem:s7], [sflag:s8] =	dma.local @!p0 [hbm:s6], $0xF7A  }
0x23: {  	s9 =	sor.u32 $0xD0000000, s2;
	s6 =	simm.s32 $0x108;
	_ =	swait.ge @!p0 [sflag:s8], $0x0  }
0x24: {  	s3 =	sadd.s32 $0x88, s3;
	s6 =	simm.s32 @!p1 $0x1082;
	[sflag:s4] =	ssyncset.s32 $0xFFFFF086  }
0x25: {  	[simem:s6], [sflag:s4] =	dma.local [hbm:s3], $0xF7A  }
0x26: {  	[smem:$0x3F7F] =	sst s1;
	(tag) =	ssettag s2;
	_ =	strace s9  }
0x27: {  	s1 =	sld [smem:$0x3F8F]  }
0x28: {  	s2 =	sld [smem:$0x3F90]  }
0x29: {  	s4 =	sld [smem:$0x3F92]  }
0x2a: {  	p0 =	seq.s32 s5, $0x0;
	s5 =	sld [smem:$0x3F93]  }
0x2b: {  	s6 =	sld [smem:$0x3F94]  }
0x2c: {  	s7 =	sld [smem:$0x3F95]  }
0x2d: {  	s3 =	simm.s32 $0x108;
	s8 =	sld [smem:$0x3F96]  }
0x2e: {  	s3 =	simm.s32 @!p0 $0x1082;
	s9 =	sld [smem:$0x3F97]  }
0x2f: {  	lr =	sadd.s32 s0, s3;
	s0 =	sld [smem:$0x3F8E]  }
0x30: {  	s3 =	sld [smem:$0x3F91]  }
0x31: {  	[smem:$0x3F9A] =	sst s10  }
0x32: {  	s10 =	sld [smem:$0x3F98];
	_ =	sdelay $0x3  }
0x33: {  	p0 =	seq.s32 s10, $0x1;
	s10 =	sld [smem:$0x3F9A];
	_ =	sdelay $0x3  }
0x34: {  	[smem:$0x3F9A] =	sst s10  }
0x35: {  	s10 =	sld [smem:$0x3F99];
	_ =	sdelay $0x3  }
0x36: {  	p1 =	seq.s32 s10, $0x1;
	s10 =	sld [smem:$0x3F9A];
	_ =	sdelay $0x3  }
0x37: {  	[smem:$0x3F9A] =	sst s10  }
0x38: {  	s10 =	sld [smem:$0x3F9B]  }
0x39: {  	_ = 	snop;
	(pc) =	sbr.ind lr, $3  }
0x3a: {  	_ = 	snop  }
0x3b: {  	_ = 	snop  }
0x3c: {  	p2 =	seq.s32 s10, $0x1;
	s10 =	sld [smem:$0x3F9A]  }
0x3d: {  	_ =	shalt  }
0x3e: {  	_ =	shalt  }
0x3f: {  	_ =	shalt  }
0x40: {  	_ =	shalt  }
0x41: {  	_ =	shalt  }
0x42: {  	_ =	shalt  }
0x43: {  	_ =	shalt  }
0x44: {  	_ =	shalt  }
0x45: {  	_ =	shalt  }
0x46: {  	_ =	shalt  }
0x47: {  	_ =	shalt  }
0x48: {  	_ =	shalt  }
0x49: {  	_ =	shalt  }
0x4a: {  	_ =	shalt  }
0x4b: {  	_ =	shalt  }
0x4c: {  	_ =	shalt  }
0x4d: {  	_ =	shalt  }
0x4e: {  	_ =	shalt  }
0x4f: {  	_ =	shalt  }
0x50: {  	_ =	shalt  }
0x51: {  	_ =	shalt  }
0x52: {  	_ =	shalt  }
0x53: {  	_ =	shalt  }
0x54: {  	_ =	shalt  }
0x55: {  	_ =	shalt  }
0x56: {  	_ =	shalt  }
0x57: {  	_ =	shalt  }
0x58: {  	_ =	shalt  }
0x59: {  	_ =	shalt  }
0x5a: {  	_ =	shalt  }
0x5b: {  	_ =	shalt  }
0x5c: {  	_ =	shalt  }
0x5d: {  	_ =	shalt  }
0x5e: {  	_ =	shalt  }
0x5f: {  	_ =	shalt  }
0x60: {  	_ =	shalt  }
0x61: {  	_ =	shalt  }
0x62: {  	_ =	shalt  }
0x63: {  	_ =	shalt  }
0x64: {  	_ =	shalt  }
0x65: {  	_ =	shalt  }
0x66: {  	_ =	shalt  }
0x67: {  	_ =	shalt  }
0x68: {  	_ =	shalt  }
0x69: {  	_ =	shalt  }
0x6a: {  	_ =	shalt  }
0x6b: {  	_ =	shalt  }
0x6c: {  	_ =	shalt  }
0x6d: {  	_ =	shalt  }
0x6e: {  	_ =	shalt  }
0x6f: {  	_ =	shalt  }
0x70: {  	_ =	shalt  }
0x71: {  	_ =	shalt  }
0x72: {  	_ =	shalt  }
0x73: {  	_ =	shalt  }
0x74: {  	_ =	shalt  }
0x75: {  	_ =	shalt  }
0x76: {  	_ =	shalt  }
0x77: {  	_ =	shalt  }
0x78: {  	_ =	shalt  }
0x79: {  	_ =	shalt  }
0x7a: {  	_ =	shalt  }
0x7b: {  	_ =	shalt  }
0x7c: {  	_ =	shalt  }
0x7d: {  	_ =	shalt  }
0x7e: {  	_ =	shalt  }
0x7f: {  	_ =	shalt  }
0x80: {  	_ =	shalt  }
0x81: {  	_ =	shalt  }
0x82: {  	_ =	shalt  }
0x83: {  	_ =	shalt  }
0x84: {  	_ =	shalt  }
0x85: {  	_ =	shalt  }
0x86: {  	_ =	shalt  }
0x87: {  	_ =	shalt  }
.Lfunc_end0:
.L_simem_size_0:
called_computation.1_lowered:
.L_overlay_start_0:
0x88: {  	s2 =	sld [smem:$0x3FD9]  }
0x89: {  	s3 =	sld [smem:$0x3FFE];
	_ =	sdelay $0x1  }
0x8a: {  	s1 =	srdreg.scid  }
0x8b: {  	s0 =	sand.u32 $0x1, s1  }
0x8c: {  	s16 =	sshll.u32 s0, $0xA;
	s2 =	sadd.s32 s3, s2  }
0x8d: {  	s2 =	sadd.s32 s2, s16  }
0x8e: {  	[smem:$0x3FA6] =	sst s2  }
0x8f: {  	_ = 	snop  }
0x90: {  	(tm) =	ssettm $0x1  }
0x91: {  	s17 =	sld [smem:$0x3FFB];
	_ =	sdelay $0x3  }
0x92: {  	_ =	strace s17  }
0x93: {  	s2 =	sld [smem:$0x3FFC];
	_ =	sdelay $0x3  }
0x94: {  	_ =	strace s2  }
0x95: {  	s2 =	sld [smem:$0x3FFD];
	_ =	sdelay $0x3  }
0x96: {  	_ =	strace s2  }
0x97: {  	_ =	strace $0x8FFFFFFF  }
0x98: {  	s18 =	sld [smem:$0x3FDB];
	_ =	sdelay $0x1  }
0x99: {  	s19 =	simm.s32 $_scs_section_size  }
0x9a: {  	s4 =	simm.s32 $_size__tile_overlayer_lowered;
	s5 =	simm.s32 $_tile_overlayer_lowered  }
0x9b: {  	s22 =	simm.s32 $0x1BFF;
	s21 =	sshll.u32 s5, $0x1;
	s2 =	sadd.s32 s19, s18  }
0x9c: {  	s6 =	simm.s32 $0x0;
	s20 =	sshll.u32 s4, $0x1;
	s4 =	sadd.s32 s21, s2  }
0x9d: {  	[timem:s6], [sflag:s22] =	dma.local [hbm:s4], s20  }
0x9e: {  	_ =	swait.ge [sflag:s22], s20  }
0x9f: {  	s3 =	ssub.s32 $0x0, s20;
	[sflag:s22] =	ssyncset.done $0x0  }
0xa0: {  	[sflag:s22] =	ssyncadd.s32 s3;
	_ =	sdelay $0x1  }
0xa1: {  	s23 =	simm.s32 $0x1B8B  }
0xa2: {  	_ =	swait.ge [sflag:s23], $0x1  }
0xa3: {  	[sflag:s23] =	ssyncset.done $0x0  }
0xa4: {  	s25 =	simm.s32 $0x1B8E;
	s24 =	sld [smem:$0x3FFE];
	[sflag:s23] =	ssyncadd.s32 $0xFFFFFFFF  }
0xa5: {  	s26 =	simm.s32 $execute0_lowered;
	[smem:$0x3FD2] =	sst s25  }
0xa6: {  	s4 =	sshll.u32 s26, $0x1;
	_ =	strace $0x80000049;
	[dreg:$0x1] =	wrdreg $0xFFFFFFFF  }
0xa7: {  	s28 =	simm.s32 $_size_execute0_lowered;
	s2 =	sadd.s32 s2, s4;
	[dreg:$0x0] =	wrdreg $0x0  }
0xa8: {  	s4 =	sshll.u32 s28, $0x1;
	[dreg:$0x2] =	wrdreg s2  }
0xa9: {  	[dreg:$0x3] =	wrdreg s4  }
0xaa: {  	[dreg:$0x4] =	wrdreg $0xC0  }
0xab: {  	_ =	task [dreg:s6], $0x5FFFF  }
0xac: {  	[dreg:$0x1] =	wrdreg $0xFFFFFFFF  }
0xad: {  	[dreg:$0x0] =	wrdreg $0x60  }
0xae: {  	[dreg:$0x2] =	wrdreg s24  }
0xaf: {  	[dreg:$0x3] =	wrdreg $0x90000  }
0xb0: {  	[dreg:$0x4] =	wrdreg $0x9  }
0xb1: {  	_ =	task.clear_ibuf [dreg:s6], $0x5FFFF;
	_ =	strace $0x90000049  }
0xb2: {  	s29 =	simm.s32 $0x9;
	_ =	strace $0x8000004B  }
0xb3: {  	_ =	swait.ge [sflag:s29], $0x1  }
0xb4: {  	[sflag:s29] =	ssyncadd.s32 $0xFFFFFFFF  }
0xb5: {  	_ =	strace $0x9000004B  }
0xb6: {  	_ =	sfence  }
0xb7: {  	s30 =	sld [smem:$0x0];
	_ =	sdelay $0x2  }
0xb8: {  	s31 =	sshll.u32 s1, $0xD;
	s1 =	sshrl.u32 s1, $0x2  }
0xb9: {  	s3 =	sand.u32 $0x4000, s31;
	s1 =	sadd.s32 s1, s30  }
0xba: {  	s0 =	sor.u32 s3, s0;
	s1 =	sshll.u32 s1, $0x11  }
0xbb: {  	s0 =	sor.u32 s1, s0  }
0xbc: {  	s0 =	sadd.s32 $0x8F2B, s0  }
0xbd: {  	[sflag:s0] =	ssyncadd.remote.s32 $0x1  }
0xbe: {  	_ =	sfence.sel $0xFFFF  }
0xbf: {  	[dreg:$0x0] =	wrdreg $0xFFFFFFFF;
	(pc) =	sbr.abs _section_cstart, $3  }
0xc0: {  	[dreg:$0x1] =	wrdreg $0xFFFFFFFF  }
0xc1: {  	_ =	task.clear_ibuf [dreg:s6], $0x2FFFF;
	_ =	strace $0x9FFFFFFF  }
0xc2: {  	(tm) =	ssettm $0x7FFFFFFF  }
0xc3: {  	_ =	shalt  }
tec
execute0_lowered:
.L_overlay_start_1:
0x0: {  	(tag) =	ssettag $0x1  }
0x1: {  	s6 =	rddreg [dreg:$0x0]  }
0x2: {  	s1 =	srdreg.scid;
	s0 =	stileid.u32  }
0x3: {  	s2 =	rddreg [dreg:$0x1];
	s3 =	simm.s32 $0x0;
	s15 =	simm.s32 $0x80  }
0x4: {  	s16 =	simm.s32 $0x5000;
	s19 =	simm.s32 $0x0;
	s5 =	smul.u32 $0x2800, s0  }
0x5: {  	s7 =	sand.u32 $0x1, s1;
	s1 =	rddreg [dreg:$0x2];
	s10 =	smul.u32 $0x4F000, s0  }
0x6: {  	[smem:$0x7FF] =	sst s3;
	s13 =	sadd.s32 $0x66600, s6;
	s14 =	smul.u32 $0x13C00, s0  }
0x7: {  	s17 =	sadd.s32 $0x128400, s2;
	s31 =	sshll.u32 s0, $0x6;
	p0 =	seq.s32 s0, $0xF  }
0x8: {  	s4 =	smul.u32 $0x28000, s7;
	_ =	strace $0x8000004A;
	s11 =	ssub.s32 $0x2, s7  }
0x9: {  	s12 =	smul.u32 $0x138800, s7;
	s17 =	sshrl.u32 @p0 s17, $0x3;
	s24 =	sshrl.u32 s11, $0x1  }
0xa: {  	s25 =	sshrl.u32 s10, $0x2;
	s8 =	sadd.s32 s5, s4;
	s4 =	sadd.s32 $0xBC00, s6  }
0xb: {  	s5 =	sshrl.u32 s5, $0x3;
	s11 =	ssub.s32 s11, s24;
	s26 =	sadd.s32 s14, s12  }
0xc: {  	s28 =	sshrl.u32 s12, $0x3;
	s18 =	sadd.s32 s25, s2;
	s12 =	simm.s32 $0x2800  }
0xd: {  	s8 =	sshrl.u32 s8, $0x3;
	s9 =	sadd.s32 s5, s6;
	s5 =	sadd.s32 $0x63E00, s6  }
0xe: {  	s29 =	sshrl.u32 s26, $0x3;
	s30 =	sadd.s32 s13, s28;
	s10 =	smax.u32 s11, $0x1  }
0xf: {  	s11 =	simm.s32 $0x1;
	s14 =	sshrl.u32 s18, $0x3;
	s18 =	sshrl.u32 @!p0 s18, $0x3  }
0x10: {  	s8 =	sadd.s32 s8, s6;
	s7 =	sadd.s32 $0x6C00, s9;
	s9 =	sadd.s32 $0x25080, s30  }
0x11: {  	s6 =	sadd.s32 $0x59E00, s8;
	s8 =	sadd.s32 s13, s29;
	s13 =	sor.u32 $0x1C01, s31  }
.LBB2_1:
0x12: {  	[tilespmem:s3], [sflag:$0x1] =	stream.linear.gather [hbm4b:s6+s3], $0x2780, $0x38;
	[tilespmem:$0x1CC00] =	vst v63  }
0x13: {  	_ =	swait.ge [sflag:s11], $0x2780  }
0x14: {  	[sflag:s11] =	ssyncset.done $0x0  }
0x15: {  	[sflag:s11] =	ssyncadd.s32 $0xFFFFD880  }
0x16: {  	[tilespmem:s12], [sflag:$0x1] =	stream.linear.gather [hbm4b:s7+s3], $0x2780, $0x38;
	[tilespmem:$0x1CC00] =	vst v63  }
0x17: {  	_ =	swait.ge [sflag:s11], $0x2780  }
0x18: {  	[sflag:s11] =	ssyncset.done $0x0  }
0x19: {  	[sflag:s11] =	ssyncadd.s32 $0xFFFFD880  }
0x1a: {  	[spmem:s14], [sflag:s13] =	dma.local [hbm:s5], $0x2780  }
0x1b: {  	_ =	swait.ge [sflag:s11], $0x2780  }
0x1c: {  	[sflag:s11] =	ssyncset.done $0x0  }
0x1d: {  	[sflag:s11] =	ssyncadd.s32 $0xFFFFD880  }
0x1e: {  	s20 =	simm.s32 $0x0;
	[bflag:$0x0] =	sbarrier.arrive $0xFFFF  }
0x1f: {  	[tilespmem:s16], [sflag:$0x1] =	stream.indirect.gather [hbm4b:s4+s15], $0x80, s20, s15, $0xb8;
	[tilespmem:$0x1CC00] =	vst v63  }
0x20: {  	_ =	swait.ge [sflag:s11], $0x4000  }
0x21: {  	[sflag:s11] =	ssyncset.done $0x0  }
0x22: {  	s31 =	simm.s32 $0x2800;
	[sflag:s11] =	ssyncadd.s32 $0xFFFFC000  }
0x23: {  	[spmem:s2] =	stream.indirect.scatter.add.f32 [tilespmem:s16], [sflag:$0x1], $0x80, s31, s15, $0xb8;
	[tilespmem:$0x1CC00] =	vst v63  }
0x24: {  	_ =	swait.ge [sflag:s11], $0x4000  }
0x25: {  	s21 =	simm.s32 $0x400;
	s20 =	simm.s32 $0x200;
	[sflag:s11] =	ssyncset.done $0x0  }
.LBB2_2:
0x26: {  	s22 =	sshra.s32 s20, $0x2  }
0x27: {  	[sflag:s11] =	ssyncadd.s32 $0xFFFFC000;
	s20 =	smov.u32 s21;
	s23 =	sadd.s32 $0x200, s21  }
0x28: {  	[tilespmem:s16], [sflag:$0x1] =	stream.indirect.gather [hbm4b:s4+s15], $0x80, s22, s15, $0xb8;
	[tilespmem:$0x1CC00] =	vst v63  }
0x29: {  	p1 =	sne.s32 s21, $0x9C00;
	_ =	swait.ge [sflag:s11], $0x4000  }
.Ltmp0:
0x2a: {  	[sflag:s11] =	ssyncset.done $0x0;
	(pc) =	sbr.rel @p1 .LBB2_2-.Ltmp0, $4  }
0x2b: {  	s21 =	sadd.s32 $0x2800, s22;
	[sflag:s11] =	ssyncadd.s32 $0xFFFFC000  }
0x2c: {  	[spmem:s2] =	stream.indirect.scatter.add.f32 [tilespmem:s16], [sflag:$0x1], $0x80, s21, s15, $0xb8;
	[tilespmem:$0x1CC00] =	vst v63  }
0x2d: {  	_ =	swait.ge [sflag:s11], $0x4000  }
0x2e: {  	s21 =	smov.u32 s23;
	[sflag:s11] =	ssyncset.done $0x0  }
0x2f: {  	s20 =	sshra.s32 s20, $0x2;
	[sflag:s11] =	ssyncadd.s32 $0xFFFFC000  }
0x30: {  	[tilespmem:s16], [sflag:$0x1] =	stream.indirect.gather [hbm4b:s4+s15], $0x80, s20, s15, $0xb8;
	[tilespmem:$0x1CC00] =	vst v63  }
0x31: {  	_ =	swait.ge [sflag:s11], $0x4000  }
0x32: {  	[sflag:s11] =	ssyncset.done $0x0  }
0x33: {  	s20 =	sadd.s32 $0x2800, s20;
	[sflag:s11] =	ssyncadd.s32 $0xFFFFC000  }
0x34: {  	[spmem:s2] =	stream.indirect.scatter.add.f32 [tilespmem:s16], [sflag:$0x1], $0x80, s20, s15, $0xb8;
	[tilespmem:$0x1CC00] =	vst v63  }
0x35: {  	_ =	swait.ge [sflag:s11], $0x4000  }
0x36: {  	[sflag:s11] =	ssyncset.done $0x0  }
0x37: {  	[sflag:s11] =	ssyncadd.s32 $0xFFFFC000  }
0x38: {  	s20 =	simm.s32 @p0 $0x1;
	[bflag:$0x0] =	sbarrier.arrive $0xFFFF  }
0x39: {  	[hbm:s9], [sflag:s13] =	dma.local @p0 [spmem:s17], $0x2080  }
0x3a: {  	s19 =	sadd.s32 $0x1, s19;
	_ =	swait.ge @p0 [sflag:s20], $0x2080  }
0x3b: {  	p1 =	sne.s32 s19, s10;
	[sflag:s20] =	ssyncset.done @p0 $0x0  }
.Ltmp1:
0x3c: {  	[sflag:s20] =	ssyncadd.s32 @p0 $0xFFFFDF80;
	s20 =	simm.s32 @!p0 $0x1;
	(pc) =	sbr.rel @p1 .LBB2_1-.Ltmp1, $4  }
0x3d: {  	[hbm:s8], [sflag:s13] =	dma.local @!p0 [spmem:s18], $0x2780  }
0x3e: {  	_ =	swait.ge @!p0 [sflag:s20], $0x2780  }
0x3f: {  	[sflag:s20] =	ssyncset.done @!p0 $0x0  }
0x40: {  	[sflag:s20] =	ssyncadd.s32 @!p0 $0xFFFFD880  }
0x41: {  	_ =	sfence.sel $0x180000  }
0x42: {  	[bflag:$0x0] =	sbarrier.arrive $0xFFFF  }
0x43: {  	p0 =	sne.s32 s0, $0x0;
	_ =	strace $0x9000004A  }
0x44: {  	s0 =	sadd.s32 @!p0 $0x100000, s1;
	[bflag:$0x2] =	sbarrier.arrive $0xFFFF  }
0x45: {  	[sflag:s0] =	ssyncadd.tile.s32 @!p0 $0x1;
	_ =	shalt  }
.Lfunc_end2:
_tile_overlayer_lowered:
.L_overlay_start_2:
0x46: {  	(tag) =	ssettag $0x2  }
0x47: {  	s0 =	rddreg [dreg:$0x0];
	s2 =	stileid.u32  }
0x48: {  	s1 =	rddreg [dreg:$0x1];
	p0 =	sne.s32 s2, $0x0  }
0x49: {  	s3 =	rddreg [dreg:$0x2];
	[bflag:$0x3] =	sbarrier.arrive $0xFFFF;
	s2 =	simm.s32 @!p0 $0x1C01  }
0x4a: {  	[timem:s3], [sflag:s2] =	dma.local @!p0 [hbm:s0], s1  }
0x4b: {  	s0 =	simm.s32 @!p0 $0x1  }
0x4c: {  	_ =	swait.ge @!p0 [sflag:s0], s1  }
0x4d: {  	s1 =	ssub.s32 @!p0 $0x0, s1;
	[sflag:s0] =	ssyncset.done @!p0 $0x0  }
0x4e: {  	[sflag:s0] =	ssyncadd.s32 @!p0 s1  }
0x4f: {  	[bflag:$0x3] =	sbarrier.arrive $0xFFFF  }
0x50: {  	_ =	shalt  }

// kernel: kernel.20.cloned.1.call-start
scs
__scs_entry_jumppad:
0x0: {  	(pc) =	sbr.rel $0x88, $3  }
0x1: {  	(tag) =	ssettag $0x0;
	lr =	simm.s32 $0x1  }
0x2: {  	[smem:$0x3F7F] =	sst lr;
	_ =	strace $0xD0000000  }
0x3: {  	_ = 	snop  }
0x4: {  	_ = 	snop  }
0x5: {  	_ = 	snop  }
0x6: {  	_ = 	snop  }
0x7: {  	_ = 	snop  }
__scs_overlays_trampoline_lowered:
0x8: {  	[smem:$0x3F8E] =	sst s0  }
0x9: {  	[smem:$0x3F8F] =	sst s1  }
0xa: {  	[smem:$0x3F90] =	sst s2  }
0xb: {  	[smem:$0x3F91] =	sst s3  }
0xc: {  	[smem:$0x3F92] =	sst s4  }
0xd: {  	[smem:$0x3F93] =	sst s5  }
0xe: {  	[smem:$0x3F94] =	sst s6  }
0xf: {  	[smem:$0x3F95] =	sst s7  }
0x10: {  	[smem:$0x3F96] =	sst s8  }
0x11: {  	[smem:$0x3F97] =	sst s9;
	s0 =	simm.s32 @!p0 $0x0  }
0x12: {  	s1 =	sld [smem:$0x3F7D];
	s0 =	simm.s32 @p0 $0x1  }
0x13: {  	[smem:$0x3F98] =	sst s0;
	s0 =	simm.s32 @!p1 $0x0  }
0x14: {  	s2 =	sld [smem:$0x3F7C];
	s0 =	simm.s32 @p1 $0x1  }
0x15: {  	[smem:$0x3F99] =	sst s0;
	s0 =	simm.s32 @!p2 $0x0  }
0x16: {  	s3 =	sld [smem:$0x3FDB];
	s0 =	simm.s32 @p2 $0x1  }
0x17: {  	s4 =	simm.s32 $0x1BF5;
	[smem:$0x3F9B] =	sst s0  }
0x18: {  	s0 =	sld [smem:$0x3F7E];
	_ =	swait.ge [sflag:s4], $0x0  }
0x19: {  	s7 =	sld [smem:$0x3F7F]  }
0x1a: {  	s8 =	sadd.s32 $0xFFFFE003, lr  }
0x1b: {  	s9 =	sadd.s32 $0xFFFFFEF7, lr;
	s5 =	simm.s32 $0xFFFFFFFF;
	p2 =	slt.u32 s8, $0xFFFFF086  }
0x1c: {  	p1 =	slt.u32 s9, $0xF7A;
	s5 =	simm.s32 @!p2 $0x0  }
0x1d: {  	s5 =	simm.s32 @p1 $0x1;
	p0 =	seq.s32 s7, s2  }
0x1e: {  	s7 =	smul.u32 @!p0 $0xF7A, s2;
	p2 =	seq.s32 @!p0 s5, $0x0  }
0x1f: {  	s9 =	smul.u32 $0xF7A, s1;
	s8 =	simm.s32 @!p0 $0x1BF5;
	p2 =	por !p2, p0  }
0x20: {  	[sflag:s8] =	ssyncset.s32 @!p0 $0xFFFFF086;
	s6 =	sadd.s32 @!p0 s3, s7;
	s7 =	simm.s32 @!p0 $0x108  }
0x21: {  	s3 =	sadd.s32 s3, s9;
	s6 =	sadd.s32 @!p0 $0x88, s6;
	s7 =	simm.s32 @p2 $0x1082  }
0x22: {  	[simem:s7], [sflag:s8] =	dma.local @!p0 [hbm:s6], $0xF7A  }
0x23: {  	s9 =	sor.u32 $0xD0000000, s2;
	s6 =	simm.s32 $0x108;
	_ =	swait.ge @!p0 [sflag:s8], $0x0  }
0x24: {  	s3 =	sadd.s32 $0x88, s3;
	s6 =	simm.s32 @!p1 $0x1082;
	[sflag:s4] =	ssyncset.s32 $0xFFFFF086  }
0x25: {  	[simem:s6], [sflag:s4] =	dma.local [hbm:s3], $0xF7A  }
0x26: {  	[smem:$0x3F7F] =	sst s1;
	(tag) =	ssettag s2;
	_ =	strace s9  }
0x27: {  	s1 =	sld [smem:$0x3F8F]  }
0x28: {  	s2 =	sld [smem:$0x3F90]  }
0x29: {  	s4 =	sld [smem:$0x3F92]  }
0x2a: {  	p0 =	seq.s32 s5, $0x0;
	s5 =	sld [smem:$0x3F93]  }
0x2b: {  	s6 =	sld [smem:$0x3F94]  }
0x2c: {  	s7 =	sld [smem:$0x3F95]  }
0x2d: {  	s3 =	simm.s32 $0x108;
	s8 =	sld [smem:$0x3F96]  }
0x2e: {  	s3 =	simm.s32 @!p0 $0x1082;
	s9 =	sld [smem:$0x3F97]  }
0x2f: {  	lr =	sadd.s32 s0, s3;
	s0 =	sld [smem:$0x3F8E]  }
0x30: {  	s3 =	sld [smem:$0x3F91]  }
0x31: {  	[smem:$0x3F9A] =	sst s10  }
0x32: {  	s10 =	sld [smem:$0x3F98];
	_ =	sdelay $0x3  }
0x33: {  	p0 =	seq.s32 s10, $0x1;
	s10 =	sld [smem:$0x3F9A];
	_ =	sdelay $0x3  }
0x34: {  	[smem:$0x3F9A] =	sst s10  }
0x35: {  	s10 =	sld [smem:$0x3F99];
	_ =	sdelay $0x3  }
0x36: {  	p1 =	seq.s32 s10, $0x1;
	s10 =	sld [smem:$0x3F9A];
	_ =	sdelay $0x3  }
0x37: {  	[smem:$0x3F9A] =	sst s10  }
0x38: {  	s10 =	sld [smem:$0x3F9B]  }
0x39: {  	_ = 	snop;
	(pc) =	sbr.ind lr, $3  }
0x3a: {  	_ = 	snop  }
0x3b: {  	_ = 	snop  }
0x3c: {  	p2 =	seq.s32 s10, $0x1;
	s10 =	sld [smem:$0x3F9A]  }
0x3d: {  	_ =	shalt  }
0x3e: {  	_ =	shalt  }
0x3f: {  	_ =	shalt  }
0x40: {  	_ =	shalt  }
0x41: {  	_ =	shalt  }
0x42: {  	_ =	shalt  }
0x43: {  	_ =	shalt  }
0x44: {  	_ =	shalt  }
0x45: {  	_ =	shalt  }
0x46: {  	_ =	shalt  }
0x47: {  	_ =	shalt  }
0x48: {  	_ =	shalt  }
0x49: {  	_ =	shalt  }
0x4a: {  	_ =	shalt  }
0x4b: {  	_ =	shalt  }
0x4c: {  	_ =	shalt  }
0x4d: {  	_ =	shalt  }
0x4e: {  	_ =	shalt  }
0x4f: {  	_ =	shalt  }
0x50: {  	_ =	shalt  }
0x51: {  	_ =	shalt  }
0x52: {  	_ =	shalt  }
0x53: {  	_ =	shalt  }
0x54: {  	_ =	shalt  }
0x55: {  	_ =	shalt  }
0x56: {  	_ =	shalt  }
0x57: {  	_ =	shalt  }
0x58: {  	_ =	shalt  }
0x59: {  	_ =	shalt  }
0x5a: {  	_ =	shalt  }
0x5b: {  	_ =	shalt  }
0x5c: {  	_ =	shalt  }
0x5d: {  	_ =	shalt  }
0x5e: {  	_ =	shalt  }
0x5f: {  	_ =	shalt  }
0x60: {  	_ =	shalt  }
0x61: {  	_ =	shalt  }
0x62: {  	_ =	shalt  }
0x63: {  	_ =	shalt  }
0x64: {  	_ =	shalt  }
0x65: {  	_ =	shalt  }
0x66: {  	_ =	shalt  }
0x67: {  	_ =	shalt  }
0x68: {  	_ =	shalt  }
0x69: {  	_ =	shalt  }
0x6a: {  	_ =	shalt  }
0x6b: {  	_ =	shalt  }
0x6c: {  	_ =	shalt  }
0x6d: {  	_ =	shalt  }
0x6e: {  	_ =	shalt  }
0x6f: {  	_ =	shalt  }
0x70: {  	_ =	shalt  }
0x71: {  	_ =	shalt  }
0x72: {  	_ =	shalt  }
0x73: {  	_ =	shalt  }
0x74: {  	_ =	shalt  }
0x75: {  	_ =	shalt  }
0x76: {  	_ =	shalt  }
0x77: {  	_ =	shalt  }
0x78: {  	_ =	shalt  }
0x79: {  	_ =	shalt  }
0x7a: {  	_ =	shalt  }
0x7b: {  	_ =	shalt  }
0x7c: {  	_ =	shalt  }
0x7d: {  	_ =	shalt  }
0x7e: {  	_ =	shalt  }
0x7f: {  	_ =	shalt  }
0x80: {  	_ =	shalt  }
0x81: {  	_ =	shalt  }
0x82: {  	_ =	shalt  }
0x83: {  	_ =	shalt  }
0x84: {  	_ =	shalt  }
0x85: {  	_ =	shalt  }
0x86: {  	_ =	shalt  }
0x87: {  	_ =	shalt  }
.Lfunc_end0:
.L_simem_size_0:
called_computation.2_lowered:
.L_overlay_start_0:
0x88: {  	s2 =	sld [smem:$0x3FD9]  }
0x89: {  	s3 =	sld [smem:$0x3FFE];
	_ =	sdelay $0x1  }
0x8a: {  	s1 =	srdreg.scid  }
0x8b: {  	s0 =	sand.u32 $0x1, s1  }
0x8c: {  	s16 =	sshll.u32 s0, $0xA;
	s2 =	sadd.s32 s3, s2  }
0x8d: {  	s2 =	sadd.s32 s2, s16  }
0x8e: {  	[smem:$0x3FA6] =	sst s2  }
0x8f: {  	_ = 	snop  }
0x90: {  	(tm) =	ssettm $0x1  }
0x91: {  	s17 =	sld [smem:$0x3FFB];
	_ =	sdelay $0x3  }
0x92: {  	_ =	strace s17  }
0x93: {  	s2 =	sld [smem:$0x3FFC];
	_ =	sdelay $0x3  }
0x94: {  	_ =	strace s2  }
0x95: {  	s2 =	sld [smem:$0x3FFD];
	_ =	sdelay $0x3  }
0x96: {  	_ =	strace s2  }
0x97: {  	_ =	strace $0x8FFFFFFF  }
0x98: {  	s18 =	sld [smem:$0x3FDB];
	_ =	sdelay $0x1  }
0x99: {  	s19 =	simm.s32 $_scs_section_size  }
0x9a: {  	s4 =	simm.s32 $_size__tile_overlayer_lowered;
	s5 =	simm.s32 $_tile_overlayer_lowered  }
0x9b: {  	s22 =	simm.s32 $0x1BFF;
	s21 =	sshll.u32 s5, $0x1;
	s2 =	sadd.s32 s19, s18  }
0x9c: {  	s6 =	simm.s32 $0x0;
	s20 =	sshll.u32 s4, $0x1;
	s4 =	sadd.s32 s21, s2  }
0x9d: {  	[timem:s6], [sflag:s22] =	dma.local [hbm:s4], s20  }
0x9e: {  	_ =	swait.ge [sflag:s22], s20  }
0x9f: {  	s3 =	ssub.s32 $0x0, s20;
	[sflag:s22] =	ssyncset.done $0x0  }
0xa0: {  	[sflag:s22] =	ssyncadd.s32 s3;
	_ =	sdelay $0x1  }
0xa1: {  	s23 =	simm.s32 $0x1B8B  }
0xa2: {  	_ =	swait.ge [sflag:s23], $0x1  }
0xa3: {  	[sflag:s23] =	ssyncset.done $0x0  }
0xa4: {  	s25 =	simm.s32 $0x1B8E;
	s24 =	sld [smem:$0x3FFE];
	[sflag:s23] =	ssyncadd.s32 $0xFFFFFFFF  }
0xa5: {  	s26 =	simm.s32 $execute0_lowered;
	[smem:$0x3FD2] =	sst s25  }
0xa6: {  	s4 =	sshll.u32 s26, $0x1;
	_ =	strace $0x8000004C;
	[dreg:$0x1] =	wrdreg $0xFFFFFFFF  }
0xa7: {  	s28 =	simm.s32 $_size_execute0_lowered;
	s2 =	sadd.s32 s2, s4;
	[dreg:$0x0] =	wrdreg $0x0  }
0xa8: {  	s4 =	sshll.u32 s28, $0x1;
	[dreg:$0x2] =	wrdreg s2  }
0xa9: {  	[dreg:$0x3] =	wrdreg s4  }
0xaa: {  	[dreg:$0x4] =	wrdreg $0xC0  }
0xab: {  	_ =	task [dreg:s6], $0x5FFFF  }
0xac: {  	[dreg:$0x1] =	wrdreg $0xFFFFFFFF  }
0xad: {  	[dreg:$0x0] =	wrdreg $0x60  }
0xae: {  	[dreg:$0x2] =	wrdreg s24  }
0xaf: {  	[dreg:$0x3] =	wrdreg $0x90000  }
0xb0: {  	[dreg:$0x4] =	wrdreg $0x9  }
0xb1: {  	_ =	task.clear_ibuf [dreg:s6], $0x5FFFF;
	_ =	strace $0x9000004C  }
0xb2: {  	s29 =	simm.s32 $0x9;
	_ =	strace $0x8000004E  }
0xb3: {  	_ =	swait.ge [sflag:s29], $0x1  }
0xb4: {  	[sflag:s29] =	ssyncadd.s32 $0xFFFFFFFF  }
0xb5: {  	_ =	strace $0x9000004E  }
0xb6: {  	_ =	sfence  }
0xb7: {  	s30 =	sld [smem:$0x0];
	_ =	sdelay $0x2  }
0xb8: {  	s31 =	sshll.u32 s1, $0xD;
	s1 =	sshrl.u32 s1, $0x2  }
0xb9: {  	s3 =	sand.u32 $0x4000, s31;
	s1 =	sadd.s32 s1, s30  }
0xba: {  	s0 =	sor.u32 s3, s0;
	s1 =	sshll.u32 s1, $0x11  }
0xbb: {  	s0 =	sor.u32 s1, s0  }
0xbc: {  	s0 =	sadd.s32 $0x8F2B, s0  }
0xbd: {  	[sflag:s0] =	ssyncadd.remote.s32 $0x1  }
0xbe: {  	_ =	sfence.sel $0xFFFF  }
0xbf: {  	[dreg:$0x0] =	wrdreg $0xFFFFFFFF;
	(pc) =	sbr.abs _section_cstart, $3  }
0xc0: {  	[dreg:$0x1] =	wrdreg $0xFFFFFFFF  }
0xc1: {  	_ =	task.clear_ibuf [dreg:s6], $0x2FFFF;
	_ =	strace $0x9FFFFFFF  }
0xc2: {  	(tm) =	ssettm $0x7FFFFFFF  }
0xc3: {  	_ =	shalt  }
tec
execute0_lowered:
.L_overlay_start_1:
0x0: {  	(tag) =	ssettag $0x1  }
0x1: {  	s6 =	rddreg [dreg:$0x0]  }
0x2: {  	s1 =	srdreg.scid;
	s0 =	stileid.u32  }
0x3: {  	s2 =	rddreg [dreg:$0x1];
	s3 =	simm.s32 $0x0;
	s15 =	simm.s32 $0x80  }
0x4: {  	s16 =	simm.s32 $0x5000;
	s19 =	simm.s32 $0x0;
	s5 =	smul.u32 $0x2800, s0  }
0x5: {  	s7 =	sand.u32 $0x1, s1;
	s1 =	rddreg [dreg:$0x2];
	s10 =	smul.u32 $0x4F000, s0  }
0x6: {  	[smem:$0x7FF] =	sst s3;
	s13 =	sadd.s32 $0x66600, s6;
	s14 =	smul.u32 $0x13C00, s0  }
0x7: {  	s17 =	sadd.s32 $0x128400, s2;
	s31 =	sshll.u32 s0, $0x6;
	p0 =	seq.s32 s0, $0xF  }
0x8: {  	s4 =	smul.u32 $0x28000, s7;
	_ =	strace $0x8000004D;
	s11 =	ssub.s32 $0x2, s7  }
0x9: {  	s12 =	smul.u32 $0x138800, s7;
	s17 =	sshrl.u32 @p0 s17, $0x3;
	s24 =	sshrl.u32 s11, $0x1  }
0xa: {  	s25 =	sshrl.u32 s10, $0x2;
	s8 =	sadd.s32 s5, s4;
	s4 =	sadd.s32 $0xBC00, s6  }
0xb: {  	s5 =	sshrl.u32 s5, $0x3;
	s11 =	ssub.s32 s11, s24;
	s26 =	sadd.s32 s14, s12  }
0xc: {  	s28 =	sshrl.u32 s12, $0x3;
	s18 =	sadd.s32 s25, s2;
	s12 =	simm.s32 $0x2800  }
0xd: {  	s8 =	sshrl.u32 s8, $0x3;
	s9 =	sadd.s32 s5, s6;
	s5 =	sadd.s32 $0x63E00, s6  }
0xe: {  	s29 =	sshrl.u32 s26, $0x3;
	s30 =	sadd.s32 s13, s28;
	s10 =	smax.u32 s11, $0x1  }
0xf: {  	s11 =	simm.s32 $0x1;
	s14 =	sshrl.u32 s18, $0x3;
	s18 =	sshrl.u32 @!p0 s18, $0x3  }
0x10: {  	s8 =	sadd.s32 s8, s6;
	s7 =	sadd.s32 $0x6C00, s9;
	s9 =	sadd.s32 $0x25080, s30  }
0x11: {  	s6 =	sadd.s32 $0x59E00, s8;
	s8 =	sadd.s32 s13, s29;
	s13 =	sor.u32 $0x1C01, s31  }
.LBB2_1:
0x12: {  	[tilespmem:s3], [sflag:$0x1] =	stream.linear.gather [hbm4b:s6+s3], $0x2780, $0x38;
	[tilespmem:$0x1CC00] =	vst v63  }
0x13: {  	_ =	swait.ge [sflag:s11], $0x2780  }
0x14: {  	[sflag:s11] =	ssyncset.done $0x0  }
0x15: {  	[sflag:s11] =	ssyncadd.s32 $0xFFFFD880  }
0x16: {  	[tilespmem:s12], [sflag:$0x1] =	stream.linear.gather [hbm4b:s7+s3], $0x2780, $0x38;
	[tilespmem:$0x1CC00] =	vst v63  }
0x17: {  	_ =	swait.ge [sflag:s11], $0x2780  }
0x18: {  	[sflag:s11] =	ssyncset.done $0x0  }
0x19: {  	[sflag:s11] =	ssyncadd.s32 $0xFFFFD880  }
0x1a: {  	[spmem:s14], [sflag:s13] =	dma.local [hbm:s5], $0x2780  }
0x1b: {  	_ =	swait.ge [sflag:s11], $0x2780  }
0x1c: {  	[sflag:s11] =	ssyncset.done $0x0  }
0x1d: {  	[sflag:s11] =	ssyncadd.s32 $0xFFFFD880  }
0x1e: {  	s20 =	simm.s32 $0x0;
	[bflag:$0x0] =	sbarrier.arrive $0xFFFF  }
0x1f: {  	[tilespmem:s16], [sflag:$0x1] =	stream.indirect.gather [hbm4b:s4+s15], $0x80, s20, s15, $0xb8;
	[tilespmem:$0x1CC00] =	vst v63  }
0x20: {  	_ =	swait.ge [sflag:s11], $0x4000  }
0x21: {  	[sflag:s11] =	ssyncset.done $0x0  }
0x22: {  	s31 =	simm.s32 $0x2800;
	[sflag:s11] =	ssyncadd.s32 $0xFFFFC000  }
0x23: {  	[spmem:s2] =	stream.indirect.scatter.add.f32 [tilespmem:s16], [sflag:$0x1], $0x80, s31, s15, $0xb8;
	[tilespmem:$0x1CC00] =	vst v63  }
0x24: {  	_ =	swait.ge [sflag:s11], $0x4000  }
0x25: {  	s21 =	simm.s32 $0x400;
	s20 =	simm.s32 $0x200;
	[sflag:s11] =	ssyncset.done $0x0  }
.LBB2_2:
0x26: {  	s22 =	sshra.s32 s20, $0x2  }
0x27: {  	[sflag:s11] =	ssyncadd.s32 $0xFFFFC000;
	s20 =	smov.u32 s21;
	s23 =	sadd.s32 $0x200, s21  }
0x28: {  	[tilespmem:s16], [sflag:$0x1] =	stream.indirect.gather [hbm4b:s4+s15], $0x80, s22, s15, $0xb8;
	[tilespmem:$0x1CC00] =	vst v63  }
0x29: {  	p1 =	sne.s32 s21, $0x9C00;
	_ =	swait.ge [sflag:s11], $0x4000  }
.Ltmp0:
0x2a: {  	[sflag:s11] =	ssyncset.done $0x0;
	(pc) =	sbr.rel @p1 .LBB2_2-.Ltmp0, $4  }
0x2b: {  	s21 =	sadd.s32 $0x2800, s22;
	[sflag:s11] =	ssyncadd.s32 $0xFFFFC000  }
0x2c: {  	[spmem:s2] =	stream.indirect.scatter.add.f32 [tilespmem:s16], [sflag:$0x1], $0x80, s21, s15, $0xb8;
	[tilespmem:$0x1CC00] =	vst v63  }
0x2d: {  	_ =	swait.ge [sflag:s11], $0x4000  }
0x2e: {  	s21 =	smov.u32 s23;
	[sflag:s11] =	ssyncset.done $0x0  }
0x2f: {  	s20 =	sshra.s32 s20, $0x2;
	[sflag:s11] =	ssyncadd.s32 $0xFFFFC000  }
0x30: {  	[tilespmem:s16], [sflag:$0x1] =	stream.indirect.gather [hbm4b:s4+s15], $0x80, s20, s15, $0xb8;
	[tilespmem:$0x1CC00] =	vst v63  }
0x31: {  	_ =	swait.ge [sflag:s11], $0x4000  }
0x32: {  	[sflag:s11] =	ssyncset.done $0x0  }
0x33: {  	s20 =	sadd.s32 $0x2800, s20;
	[sflag:s11] =	ssyncadd.s32 $0xFFFFC000  }
0x34: {  	[spmem:s2] =	stream.indirect.scatter.add.f32 [tilespmem:s16], [sflag:$0x1], $0x80, s20, s15, $0xb8;
	[tilespmem:$0x1CC00] =	vst v63  }
0x35: {  	_ =	swait.ge [sflag:s11], $0x4000  }
0x36: {  	[sflag:s11] =	ssyncset.done $0x0  }
0x37: {  	[sflag:s11] =	ssyncadd.s32 $0xFFFFC000  }
0x38: {  	s20 =	simm.s32 @p0 $0x1;
	[bflag:$0x0] =	sbarrier.arrive $0xFFFF  }
0x39: {  	[hbm:s9], [sflag:s13] =	dma.local @p0 [spmem:s17], $0x2080  }
0x3a: {  	s19 =	sadd.s32 $0x1, s19;
	_ =	swait.ge @p0 [sflag:s20], $0x2080  }
0x3b: {  	p1 =	sne.s32 s19, s10;
	[sflag:s20] =	ssyncset.done @p0 $0x0  }
.Ltmp1:
0x3c: {  	[sflag:s20] =	ssyncadd.s32 @p0 $0xFFFFDF80;
	s20 =	simm.s32 @!p0 $0x1;
	(pc) =	sbr.rel @p1 .LBB2_1-.Ltmp1, $4  }
0x3d: {  	[hbm:s8], [sflag:s13] =	dma.local @!p0 [spmem:s18], $0x2780  }
0x3e: {  	_ =	swait.ge @!p0 [sflag:s20], $0x2780  }
0x3f: {  	[sflag:s20] =	ssyncset.done @!p0 $0x0  }
0x40: {  	[sflag:s20] =	ssyncadd.s32 @!p0 $0xFFFFD880  }
0x41: {  	_ =	sfence.sel $0x180000  }
0x42: {  	[bflag:$0x0] =	sbarrier.arrive $0xFFFF  }
0x43: {  	p0 =	sne.s32 s0, $0x0;
	_ =	strace $0x9000004D  }
0x44: {  	s0 =	sadd.s32 @!p0 $0x100000, s1;
	[bflag:$0x2] =	sbarrier.arrive $0xFFFF  }
0x45: {  	[sflag:s0] =	ssyncadd.tile.s32 @!p0 $0x1;
	_ =	shalt  }
.Lfunc_end2:
_tile_overlayer_lowered:
.L_overlay_start_2:
0x46: {  	(tag) =	ssettag $0x2  }
0x47: {  	s0 =	rddreg [dreg:$0x0];
	s2 =	stileid.u32  }
0x48: {  	s1 =	rddreg [dreg:$0x1];
	p0 =	sne.s32 s2, $0x0  }
0x49: {  	s3 =	rddreg [dreg:$0x2];
	[bflag:$0x3] =	sbarrier.arrive $0xFFFF;
	s2 =	simm.s32 @!p0 $0x1C01  }
0x4a: {  	[timem:s3], [sflag:s2] =	dma.local @!p0 [hbm:s0], s1  }
0x4b: {  	s0 =	simm.s32 @!p0 $0x1  }
0x4c: {  	_ =	swait.ge @!p0 [sflag:s0], s1  }
0x4d: {  	s1 =	ssub.s32 @!p0 $0x0, s1;
	[sflag:s0] =	ssyncset.done @!p0 $0x0  }
0x4e: {  	[sflag:s0] =	ssyncadd.s32 @!p0 s1  }
0x4f: {  	[bflag:$0x3] =	sbarrier.arrive $0xFFFF  }
0x50: {  	_ =	shalt  }

// kernel: kernel.23.cloned.1.call-start
scs
__scs_entry_jumppad:
0x0: {  	(pc) =	sbr.rel $0x88, $3  }
0x1: {  	(tag) =	ssettag $0x0;
	lr =	simm.s32 $0x1  }
0x2: {  	[smem:$0x3F7F] =	sst lr;
	_ =	strace $0xD0000000  }
0x3: {  	_ = 	snop  }
0x4: {  	_ = 	snop  }
0x5: {  	_ = 	snop  }
0x6: {  	_ = 	snop  }
0x7: {  	_ = 	snop  }
__scs_overlays_trampoline_lowered:
0x8: {  	[smem:$0x3F8E] =	sst s0  }
0x9: {  	[smem:$0x3F8F] =	sst s1  }
0xa: {  	[smem:$0x3F90] =	sst s2  }
0xb: {  	[smem:$0x3F91] =	sst s3  }
0xc: {  	[smem:$0x3F92] =	sst s4  }
0xd: {  	[smem:$0x3F93] =	sst s5  }
0xe: {  	[smem:$0x3F94] =	sst s6  }
0xf: {  	[smem:$0x3F95] =	sst s7  }
0x10: {  	[smem:$0x3F96] =	sst s8  }
0x11: {  	[smem:$0x3F97] =	sst s9;
	s0 =	simm.s32 @!p0 $0x0  }
0x12: {  	s1 =	sld [smem:$0x3F7D];
	s0 =	simm.s32 @p0 $0x1  }
0x13: {  	[smem:$0x3F98] =	sst s0;
	s0 =	simm.s32 @!p1 $0x0  }
0x14: {  	s2 =	sld [smem:$0x3F7C];
	s0 =	simm.s32 @p1 $0x1  }
0x15: {  	[smem:$0x3F99] =	sst s0;
	s0 =	simm.s32 @!p2 $0x0  }
0x16: {  	s3 =	sld [smem:$0x3FDB];
	s0 =	simm.s32 @p2 $0x1  }
0x17: {  	s4 =	simm.s32 $0x1BF5;
	[smem:$0x3F9B] =	sst s0  }
0x18: {  	s0 =	sld [smem:$0x3F7E];
	_ =	swait.ge [sflag:s4], $0x0  }
0x19: {  	s7 =	sld [smem:$0x3F7F]  }
0x1a: {  	s8 =	sadd.s32 $0xFFFFE003, lr  }
0x1b: {  	s9 =	sadd.s32 $0xFFFFFEF7, lr;
	s5 =	simm.s32 $0xFFFFFFFF;
	p2 =	slt.u32 s8, $0xFFFFF086  }
0x1c: {  	p1 =	slt.u32 s9, $0xF7A;
	s5 =	simm.s32 @!p2 $0x0  }
0x1d: {  	s5 =	simm.s32 @p1 $0x1;
	p0 =	seq.s32 s7, s2  }
0x1e: {  	s7 =	smul.u32 @!p0 $0xF7A, s2;
	p2 =	seq.s32 @!p0 s5, $0x0  }
0x1f: {  	s9 =	smul.u32 $0xF7A, s1;
	s8 =	simm.s32 @!p0 $0x1BF5;
	p2 =	por !p2, p0  }
0x20: {  	[sflag:s8] =	ssyncset.s32 @!p0 $0xFFFFF086;
	s6 =	sadd.s32 @!p0 s3, s7;
	s7 =	simm.s32 @!p0 $0x108  }
0x21: {  	s3 =	sadd.s32 s3, s9;
	s6 =	sadd.s32 @!p0 $0x88, s6;
	s7 =	simm.s32 @p2 $0x1082  }
0x22: {  	[simem:s7], [sflag:s8] =	dma.local @!p0 [hbm:s6], $0xF7A  }
0x23: {  	s9 =	sor.u32 $0xD0000000, s2;
	s6 =	simm.s32 $0x108;
	_ =	swait.ge @!p0 [sflag:s8], $0x0  }
0x24: {  	s3 =	sadd.s32 $0x88, s3;
	s6 =	simm.s32 @!p1 $0x1082;
	[sflag:s4] =	ssyncset.s32 $0xFFFFF086  }
0x25: {  	[simem:s6], [sflag:s4] =	dma.local [hbm:s3], $0xF7A  }
0x26: {  	[smem:$0x3F7F] =	sst s1;
	(tag) =	ssettag s2;
	_ =	strace s9  }
0x27: {  	s1 =	sld [smem:$0x3F8F]  }
0x28: {  	s2 =	sld [smem:$0x3F90]  }
0x29: {  	s4 =	sld [smem:$0x3F92]  }
0x2a: {  	p0 =	seq.s32 s5, $0x0;
	s5 =	sld [smem:$0x3F93]  }
0x2b: {  	s6 =	sld [smem:$0x3F94]  }
0x2c: {  	s7 =	sld [smem:$0x3F95]  }
0x2d: {  	s3 =	simm.s32 $0x108;
	s8 =	sld [smem:$0x3F96]  }
0x2e: {  	s3 =	simm.s32 @!p0 $0x1082;
	s9 =	sld [smem:$0x3F97]  }
0x2f: {  	lr =	sadd.s32 s0, s3;
	s0 =	sld [smem:$0x3F8E]  }
0x30: {  	s3 =	sld [smem:$0x3F91]  }
0x31: {  	[smem:$0x3F9A] =	sst s10  }
0x32: {  	s10 =	sld [smem:$0x3F98];
	_ =	sdelay $0x3  }
0x33: {  	p0 =	seq.s32 s10, $0x1;
	s10 =	sld [smem:$0x3F9A];
	_ =	sdelay $0x3  }
0x34: {  	[smem:$0x3F9A] =	sst s10  }
0x35: {  	s10 =	sld [smem:$0x3F99];
	_ =	sdelay $0x3  }
0x36: {  	p1 =	seq.s32 s10, $0x1;
	s10 =	sld [smem:$0x3F9A];
	_ =	sdelay $0x3  }
0x37: {  	[smem:$0x3F9A] =	sst s10  }
0x38: {  	s10 =	sld [smem:$0x3F9B]  }
0x39: {  	_ = 	snop;
	(pc) =	sbr.ind lr, $3  }
0x3a: {  	_ = 	snop  }
0x3b: {  	_ = 	snop  }
0x3c: {  	p2 =	seq.s32 s10, $0x1;
	s10 =	sld [smem:$0x3F9A]  }
0x3d: {  	_ =	shalt  }
0x3e: {  	_ =	shalt  }
0x3f: {  	_ =	shalt  }
0x40: {  	_ =	shalt  }
0x41: {  	_ =	shalt  }
0x42: {  	_ =	shalt  }
0x43: {  	_ =	shalt  }
0x44: {  	_ =	shalt  }
0x45: {  	_ =	shalt  }
0x46: {  	_ =	shalt  }
0x47: {  	_ =	shalt  }
0x48: {  	_ =	shalt  }
0x49: {  	_ =	shalt  }
0x4a: {  	_ =	shalt  }
0x4b: {  	_ =	shalt  }
0x4c: {  	_ =	shalt  }
0x4d: {  	_ =	shalt  }
0x4e: {  	_ =	shalt  }
0x4f: {  	_ =	shalt  }
0x50: {  	_ =	shalt  }
0x51: {  	_ =	shalt  }
0x52: {  	_ =	shalt  }
0x53: {  	_ =	shalt  }
0x54: {  	_ =	shalt  }
0x55: {  	_ =	shalt  }
0x56: {  	_ =	shalt  }
0x57: {  	_ =	shalt  }
0x58: {  	_ =	shalt  }
0x59: {  	_ =	shalt  }
0x5a: {  	_ =	shalt  }
0x5b: {  	_ =	shalt  }
0x5c: {  	_ =	shalt  }
0x5d: {  	_ =	shalt  }
0x5e: {  	_ =	shalt  }
0x5f: {  	_ =	shalt  }
0x60: {  	_ =	shalt  }
0x61: {  	_ =	shalt  }
0x62: {  	_ =	shalt  }
0x63: {  	_ =	shalt  }
0x64: {  	_ =	shalt  }
0x65: {  	_ =	shalt  }
0x66: {  	_ =	shalt  }
0x67: {  	_ =	shalt  }
0x68: {  	_ =	shalt  }
0x69: {  	_ =	shalt  }
0x6a: {  	_ =	shalt  }
0x6b: {  	_ =	shalt  }
0x6c: {  	_ =	shalt  }
0x6d: {  	_ =	shalt  }
0x6e: {  	_ =	shalt  }
0x6f: {  	_ =	shalt  }
0x70: {  	_ =	shalt  }
0x71: {  	_ =	shalt  }
0x72: {  	_ =	shalt  }
0x73: {  	_ =	shalt  }
0x74: {  	_ =	shalt  }
0x75: {  	_ =	shalt  }
0x76: {  	_ =	shalt  }
0x77: {  	_ =	shalt  }
0x78: {  	_ =	shalt  }
0x79: {  	_ =	shalt  }
0x7a: {  	_ =	shalt  }
0x7b: {  	_ =	shalt  }
0x7c: {  	_ =	shalt  }
0x7d: {  	_ =	shalt  }
0x7e: {  	_ =	shalt  }
0x7f: {  	_ =	shalt  }
0x80: {  	_ =	shalt  }
0x81: {  	_ =	shalt  }
0x82: {  	_ =	shalt  }
0x83: {  	_ =	shalt  }
0x84: {  	_ =	shalt  }
0x85: {  	_ =	shalt  }
0x86: {  	_ =	shalt  }
0x87: {  	_ =	shalt  }
.Lfunc_end0:
.L_simem_size_0:
called_computation.3_lowered:
.L_overlay_start_0:
0x88: {  	s2 =	sld [smem:$0x3FD9]  }
0x89: {  	s3 =	sld [smem:$0x3FFE];
	_ =	sdelay $0x1  }
0x8a: {  	s1 =	srdreg.scid  }
0x8b: {  	s0 =	sand.u32 $0x1, s1  }
0x8c: {  	s16 =	sshll.u32 s0, $0xA;
	s2 =	sadd.s32 s3, s2  }
0x8d: {  	s2 =	sadd.s32 s2, s16  }
0x8e: {  	[smem:$0x3FA6] =	sst s2  }
0x8f: {  	_ = 	snop  }
0x90: {  	(tm) =	ssettm $0x1  }
0x91: {  	s17 =	sld [smem:$0x3FFB];
	_ =	sdelay $0x3  }
0x92: {  	_ =	strace s17  }
0x93: {  	s2 =	sld [smem:$0x3FFC];
	_ =	sdelay $0x3  }
0x94: {  	_ =	strace s2  }
0x95: {  	s2 =	sld [smem:$0x3FFD];
	_ =	sdelay $0x3  }
0x96: {  	_ =	strace s2  }
0x97: {  	_ =	strace $0x8FFFFFFF  }
0x98: {  	s18 =	sld [smem:$0x3FDB];
	_ =	sdelay $0x1  }
0x99: {  	s19 =	simm.s32 $_scs_section_size  }
0x9a: {  	s4 =	simm.s32 $_size__tile_overlayer_lowered;
	s5 =	simm.s32 $_tile_overlayer_lowered  }
0x9b: {  	s22 =	simm.s32 $0x1BFF;
	s21 =	sshll.u32 s5, $0x1;
	s2 =	sadd.s32 s19, s18  }
0x9c: {  	s6 =	simm.s32 $0x0;
	s20 =	sshll.u32 s4, $0x1;
	s4 =	sadd.s32 s21, s2  }
0x9d: {  	[timem:s6], [sflag:s22] =	dma.local [hbm:s4], s20  }
0x9e: {  	_ =	swait.ge [sflag:s22], s20  }
0x9f: {  	s3 =	ssub.s32 $0x0, s20;
	[sflag:s22] =	ssyncset.done $0x0  }
0xa0: {  	[sflag:s22] =	ssyncadd.s32 s3;
	_ =	sdelay $0x1  }
0xa1: {  	s23 =	simm.s32 $0x1B8B  }
0xa2: {  	_ =	swait.ge [sflag:s23], $0x1  }
0xa3: {  	[sflag:s23] =	ssyncset.done $0x0  }
0xa4: {  	s25 =	simm.s32 $0x1B8E;
	s24 =	sld [smem:$0x3FFE];
	[sflag:s23] =	ssyncadd.s32 $0xFFFFFFFF  }
0xa5: {  	s26 =	simm.s32 $execute0_lowered;
	[smem:$0x3FD2] =	sst s25  }
0xa6: {  	s4 =	sshll.u32 s26, $0x1;
	_ =	strace $0x8000004F;
	[dreg:$0x1] =	wrdreg $0xFFFFFFFF  }
0xa7: {  	s28 =	simm.s32 $_size_execute0_lowered;
	s2 =	sadd.s32 s2, s4;
	[dreg:$0x0] =	wrdreg $0x0  }
0xa8: {  	s4 =	sshll.u32 s28, $0x1;
	[dreg:$0x2] =	wrdreg s2  }
0xa9: {  	[dreg:$0x3] =	wrdreg s4  }
0xaa: {  	[dreg:$0x4] =	wrdreg $0xC0  }
0xab: {  	_ =	task [dreg:s6], $0x5FFFF  }
0xac: {  	[dreg:$0x1] =	wrdreg $0xFFFFFFFF  }
0xad: {  	[dreg:$0x0] =	wrdreg $0x60  }
0xae: {  	[dreg:$0x2] =	wrdreg s24  }
0xaf: {  	[dreg:$0x3] =	wrdreg $0x90000  }
0xb0: {  	[dreg:$0x4] =	wrdreg $0x9  }
0xb1: {  	_ =	task.clear_ibuf [dreg:s6], $0x5FFFF;
	_ =	strace $0x9000004F  }
0xb2: {  	s29 =	simm.s32 $0x9;
	_ =	strace $0x80000051  }
0xb3: {  	_ =	swait.ge [sflag:s29], $0x1  }
0xb4: {  	[sflag:s29] =	ssyncadd.s32 $0xFFFFFFFF  }
0xb5: {  	_ =	strace $0x90000051  }
0xb6: {  	_ =	sfence  }
0xb7: {  	s30 =	sld [smem:$0x0];
	_ =	sdelay $0x2  }
0xb8: {  	s31 =	sshll.u32 s1, $0xD;
	s1 =	sshrl.u32 s1, $0x2  }
0xb9: {  	s3 =	sand.u32 $0x4000, s31;
	s1 =	sadd.s32 s1, s30  }
0xba: {  	s0 =	sor.u32 s3, s0;
	s1 =	sshll.u32 s1, $0x11  }
0xbb: {  	s0 =	sor.u32 s1, s0  }
0xbc: {  	s0 =	sadd.s32 $0x8F2B, s0  }
0xbd: {  	[sflag:s0] =	ssyncadd.remote.s32 $0x1  }
0xbe: {  	_ =	sfence.sel $0xFFFF  }
0xbf: {  	[dreg:$0x0] =	wrdreg $0xFFFFFFFF;
	(pc) =	sbr.abs _section_cstart, $3  }
0xc0: {  	[dreg:$0x1] =	wrdreg $0xFFFFFFFF  }
0xc1: {  	_ =	task.clear_ibuf [dreg:s6], $0x2FFFF;
	_ =	strace $0x9FFFFFFF  }
0xc2: {  	(tm) =	ssettm $0x7FFFFFFF  }
0xc3: {  	_ =	shalt  }
tec
execute0_lowered:
.L_overlay_start_1:
0x0: {  	(tag) =	ssettag $0x1  }
0x1: {  	s6 =	rddreg [dreg:$0x0]  }
0x2: {  	s1 =	srdreg.scid;
	s0 =	stileid.u32  }
0x3: {  	s2 =	rddreg [dreg:$0x1];
	s3 =	simm.s32 $0x0;
	s15 =	simm.s32 $0x80  }
0x4: {  	s16 =	simm.s32 $0x5000;
	s19 =	simm.s32 $0x0;
	s5 =	smul.u32 $0x2800, s0  }
0x5: {  	s7 =	sand.u32 $0x1, s1;
	s1 =	rddreg [dreg:$0x2];
	s10 =	smul.u32 $0x4F000, s0  }
0x6: {  	[smem:$0x7FF] =	sst s3;
	s13 =	sadd.s32 $0x66600, s6;
	s14 =	smul.u32 $0x13C00, s0  }
0x7: {  	s17 =	sadd.s32 $0x128400, s2;
	s31 =	sshll.u32 s0, $0x6;
	p0 =	seq.s32 s0, $0xF  }
0x8: {  	s4 =	smul.u32 $0x28000, s7;
	_ =	strace $0x80000050;
	s11 =	ssub.s32 $0x2, s7  }
0x9: {  	s12 =	smul.u32 $0x138800, s7;
	s17 =	sshrl.u32 @p0 s17, $0x3;
	s24 =	sshrl.u32 s11, $0x1  }
0xa: {  	s25 =	sshrl.u32 s10, $0x2;
	s8 =	sadd.s32 s5, s4;
	s4 =	sadd.s32 $0xBC00, s6  }
0xb: {  	s5 =	sshrl.u32 s5, $0x3;
	s11 =	ssub.s32 s11, s24;
	s26 =	sadd.s32 s14, s12  }
0xc: {  	s28 =	sshrl.u32 s12, $0x3;
	s18 =	sadd.s32 s25, s2;
	s12 =	simm.s32 $0x2800  }
0xd: {  	s8 =	sshrl.u32 s8, $0x3;
	s9 =	sadd.s32 s5, s6;
	s5 =	sadd.s32 $0x63E00, s6  }
0xe: {  	s29 =	sshrl.u32 s26, $0x3;
	s30 =	sadd.s32 s13, s28;
	s10 =	smax.u32 s11, $0x1  }
0xf: {  	s11 =	simm.s32 $0x1;
	s14 =	sshrl.u32 s18, $0x3;
	s18 =	sshrl.u32 @!p0 s18, $0x3  }
0x10: {  	s8 =	sadd.s32 s8, s6;
	s7 =	sadd.s32 $0x6C00, s9;
	s9 =	sadd.s32 $0x25080, s30  }
0x11: {  	s6 =	sadd.s32 $0x59E00, s8;
	s8 =	sadd.s32 s13, s29;
	s13 =	sor.u32 $0x1C01, s31  }
.LBB2_1:
0x12: {  	[tilespmem:s3], [sflag:$0x1] =	stream.linear.gather [hbm4b:s6+s3], $0x2780, $0x38;
	[tilespmem:$0x1CC00] =	vst v63  }
0x13: {  	_ =	swait.ge [sflag:s11], $0x2780  }
0x14: {  	[sflag:s11] =	ssyncset.done $0x0  }
0x15: {  	[sflag:s11] =	ssyncadd.s32 $0xFFFFD880  }
0x16: {  	[tilespmem:s12], [sflag:$0x1] =	stream.linear.gather [hbm4b:s7+s3], $0x2780, $0x38;
	[tilespmem:$0x1CC00] =	vst v63  }
0x17: {  	_ =	swait.ge [sflag:s11], $0x2780  }
0x18: {  	[sflag:s11] =	ssyncset.done $0x0  }
0x19: {  	[sflag:s11] =	ssyncadd.s32 $0xFFFFD880  }
0x1a: {  	[spmem:s14], [sflag:s13] =	dma.local [hbm:s5], $0x2780  }
0x1b: {  	_ =	swait.ge [sflag:s11], $0x2780  }
0x1c: {  	[sflag:s11] =	ssyncset.done $0x0  }
0x1d: {  	[sflag:s11] =	ssyncadd.s32 $0xFFFFD880  }
0x1e: {  	s20 =	simm.s32 $0x0;
	[bflag:$0x0] =	sbarrier.arrive $0xFFFF  }
0x1f: {  	[tilespmem:s16], [sflag:$0x1] =	stream.indirect.gather [hbm4b:s4+s15], $0x80, s20, s15, $0xb8;
	[tilespmem:$0x1CC00] =	vst v63  }
0x20: {  	_ =	swait.ge [sflag:s11], $0x4000  }
0x21: {  	[sflag:s11] =	ssyncset.done $0x0  }
0x22: {  	s31 =	simm.s32 $0x2800;
	[sflag:s11] =	ssyncadd.s32 $0xFFFFC000  }
0x23: {  	[spmem:s2] =	stream.indirect.scatter.add.f32 [tilespmem:s16], [sflag:$0x1], $0x80, s31, s15, $0xb8;
	[tilespmem:$0x1CC00] =	vst v63  }
0x24: {  	_ =	swait.ge [sflag:s11], $0x4000  }
0x25: {  	s21 =	simm.s32 $0x400;
	s20 =	simm.s32 $0x200;
	[sflag:s11] =	ssyncset.done $0x0  }
.LBB2_2:
0x26: {  	s22 =	sshra.s32 s20, $0x2  }
0x27: {  	[sflag:s11] =	ssyncadd.s32 $0xFFFFC000;
	s20 =	smov.u32 s21;
	s23 =	sadd.s32 $0x200, s21  }
0x28: {  	[tilespmem:s16], [sflag:$0x1] =	stream.indirect.gather [hbm4b:s4+s15], $0x80, s22, s15, $0xb8;
	[tilespmem:$0x1CC00] =	vst v63  }
0x29: {  	p1 =	sne.s32 s21, $0x9C00;
	_ =	swait.ge [sflag:s11], $0x4000  }
.Ltmp0:
0x2a: {  	[sflag:s11] =	ssyncset.done $0x0;
	(pc) =	sbr.rel @p1 .LBB2_2-.Ltmp0, $4  }
0x2b: {  	s21 =	sadd.s32 $0x2800, s22;
	[sflag:s11] =	ssyncadd.s32 $0xFFFFC000  }
0x2c: {  	[spmem:s2] =	stream.indirect.scatter.add.f32 [tilespmem:s16], [sflag:$0x1], $0x80, s21, s15, $0xb8;
	[tilespmem:$0x1CC00] =	vst v63  }
0x2d: {  	_ =	swait.ge [sflag:s11], $0x4000  }
0x2e: {  	s21 =	smov.u32 s23;
	[sflag:s11] =	ssyncset.done $0x0  }
0x2f: {  	s20 =	sshra.s32 s20, $0x2;
	[sflag:s11] =	ssyncadd.s32 $0xFFFFC000  }
0x30: {  	[tilespmem:s16], [sflag:$0x1] =	stream.indirect.gather [hbm4b:s4+s15], $0x80, s20, s15, $0xb8;
	[tilespmem:$0x1CC00] =	vst v63  }
0x31: {  	_ =	swait.ge [sflag:s11], $0x4000  }
0x32: {  	[sflag:s11] =	ssyncset.done $0x0  }
0x33: {  	s20 =	sadd.s32 $0x2800, s20;
	[sflag:s11] =	ssyncadd.s32 $0xFFFFC000  }
0x34: {  	[spmem:s2] =	stream.indirect.scatter.add.f32 [tilespmem:s16], [sflag:$0x1], $0x80, s20, s15, $0xb8;
	[tilespmem:$0x1CC00] =	vst v63  }
0x35: {  	_ =	swait.ge [sflag:s11], $0x4000  }
0x36: {  	[sflag:s11] =	ssyncset.done $0x0  }
0x37: {  	[sflag:s11] =	ssyncadd.s32 $0xFFFFC000  }
0x38: {  	s20 =	simm.s32 @p0 $0x1;
	[bflag:$0x0] =	sbarrier.arrive $0xFFFF  }
0x39: {  	[hbm:s9], [sflag:s13] =	dma.local @p0 [spmem:s17], $0x2080  }
0x3a: {  	s19 =	sadd.s32 $0x1, s19;
	_ =	swait.ge @p0 [sflag:s20], $0x2080  }
0x3b: {  	p1 =	sne.s32 s19, s10;
	[sflag:s20] =	ssyncset.done @p0 $0x0  }
.Ltmp1:
0x3c: {  	[sflag:s20] =	ssyncadd.s32 @p0 $0xFFFFDF80;
	s20 =	simm.s32 @!p0 $0x1;
	(pc) =	sbr.rel @p1 .LBB2_1-.Ltmp1, $4  }
0x3d: {  	[hbm:s8], [sflag:s13] =	dma.local @!p0 [spmem:s18], $0x2780  }
0x3e: {  	_ =	swait.ge @!p0 [sflag:s20], $0x2780  }
0x3f: {  	[sflag:s20] =	ssyncset.done @!p0 $0x0  }
0x40: {  	[sflag:s20] =	ssyncadd.s32 @!p0 $0xFFFFD880  }
0x41: {  	_ =	sfence.sel $0x180000  }
0x42: {  	[bflag:$0x0] =	sbarrier.arrive $0xFFFF  }
0x43: {  	p0 =	sne.s32 s0, $0x0;
	_ =	strace $0x90000050  }
0x44: {  	s0 =	sadd.s32 @!p0 $0x100000, s1;
	[bflag:$0x2] =	sbarrier.arrive $0xFFFF  }
0x45: {  	[sflag:s0] =	ssyncadd.tile.s32 @!p0 $0x1;
	_ =	shalt  }
.Lfunc_end2:
_tile_overlayer_lowered:
.L_overlay_start_2:
0x46: {  	(tag) =	ssettag $0x2  }
0x47: {  	s0 =	rddreg [dreg:$0x0];
	s2 =	stileid.u32  }
0x48: {  	s1 =	rddreg [dreg:$0x1];
	p0 =	sne.s32 s2, $0x0  }
0x49: {  	s3 =	rddreg [dreg:$0x2];
	[bflag:$0x3] =	sbarrier.arrive $0xFFFF;
	s2 =	simm.s32 @!p0 $0x1C01  }
0x4a: {  	[timem:s3], [sflag:s2] =	dma.local @!p0 [hbm:s0], s1  }
0x4b: {  	s0 =	simm.s32 @!p0 $0x1  }
0x4c: {  	_ =	swait.ge @!p0 [sflag:s0], s1  }
0x4d: {  	s1 =	ssub.s32 @!p0 $0x0, s1;
	[sflag:s0] =	ssyncset.done @!p0 $0x0  }
0x4e: {  	[sflag:s0] =	ssyncadd.s32 @!p0 s1  }
0x4f: {  	[bflag:$0x3] =	sbarrier.arrive $0xFFFF  }
0x50: {  	_ =	shalt  }

// kernel: kernel.26.cloned.1.call-start
scs
__scs_entry_jumppad:
0x0: {  	(pc) =	sbr.rel $0x88, $3  }
0x1: {  	(tag) =	ssettag $0x0;
	lr =	simm.s32 $0x1  }
0x2: {  	[smem:$0x3F7F] =	sst lr;
	_ =	strace $0xD0000000  }
0x3: {  	_ = 	snop  }
0x4: {  	_ = 	snop  }
0x5: {  	_ = 	snop  }
0x6: {  	_ = 	snop  }
0x7: {  	_ = 	snop  }
__scs_overlays_trampoline_lowered:
0x8: {  	[smem:$0x3F8E] =	sst s0  }
0x9: {  	[smem:$0x3F8F] =	sst s1  }
0xa: {  	[smem:$0x3F90] =	sst s2  }
0xb: {  	[smem:$0x3F91] =	sst s3  }
0xc: {  	[smem:$0x3F92] =	sst s4  }
0xd: {  	[smem:$0x3F93] =	sst s5  }
0xe: {  	[smem:$0x3F94] =	sst s6  }
0xf: {  	[smem:$0x3F95] =	sst s7  }
0x10: {  	[smem:$0x3F96] =	sst s8  }
0x11: {  	[smem:$0x3F97] =	sst s9;
	s0 =	simm.s32 @!p0 $0x0  }
0x12: {  	s1 =	sld [smem:$0x3F7D];
	s0 =	simm.s32 @p0 $0x1  }
0x13: {  	[smem:$0x3F98] =	sst s0;
	s0 =	simm.s32 @!p1 $0x0  }
0x14: {  	s2 =	sld [smem:$0x3F7C];
	s0 =	simm.s32 @p1 $0x1  }
0x15: {  	[smem:$0x3F99] =	sst s0;
	s0 =	simm.s32 @!p2 $0x0  }
0x16: {  	s3 =	sld [smem:$0x3FDB];
	s0 =	simm.s32 @p2 $0x1  }
0x17: {  	s4 =	simm.s32 $0x1BF5;
	[smem:$0x3F9B] =	sst s0  }
0x18: {  	s0 =	sld [smem:$0x3F7E];
	_ =	swait.ge [sflag:s4], $0x0  }
0x19: {  	s7 =	sld [smem:$0x3F7F]  }
0x1a: {  	s8 =	sadd.s32 $0xFFFFE003, lr  }
0x1b: {  	s9 =	sadd.s32 $0xFFFFFEF7, lr;
	s5 =	simm.s32 $0xFFFFFFFF;
	p2 =	slt.u32 s8, $0xFFFFF086  }
0x1c: {  	p1 =	slt.u32 s9, $0xF7A;
	s5 =	simm.s32 @!p2 $0x0  }
0x1d: {  	s5 =	simm.s32 @p1 $0x1;
	p0 =	seq.s32 s7, s2  }
0x1e: {  	s7 =	smul.u32 @!p0 $0xF7A, s2;
	p2 =	seq.s32 @!p0 s5, $0x0  }
0x1f: {  	s9 =	smul.u32 $0xF7A, s1;
	s8 =	simm.s32 @!p0 $0x1BF5;
	p2 =	por !p2, p0  }
0x20: {  	[sflag:s8] =	ssyncset.s32 @!p0 $0xFFFFF086;
	s6 =	sadd.s32 @!p0 s3, s7;
	s7 =	simm.s32 @!p0 $0x108  }
0x21: {  	s3 =	sadd.s32 s3, s9;
	s6 =	sadd.s32 @!p0 $0x88, s6;
	s7 =	simm.s32 @p2 $0x1082  }
0x22: {  	[simem:s7], [sflag:s8] =	dma.local @!p0 [hbm:s6], $0xF7A  }
0x23: {  	s9 =	sor.u32 $0xD0000000, s2;
	s6 =	simm.s32 $0x108;
	_ =	swait.ge @!p0 [sflag:s8], $0x0  }
0x24: {  	s3 =	sadd.s32 $0x88, s3;
	s6 =	simm.s32 @!p1 $0x1082;
	[sflag:s4] =	ssyncset.s32 $0xFFFFF086  }
0x25: {  	[simem:s6], [sflag:s4] =	dma.local [hbm:s3], $0xF7A  }
0x26: {  	[smem:$0x3F7F] =	sst s1;
	(tag) =	ssettag s2;
	_ =	strace s9  }
0x27: {  	s1 =	sld [smem:$0x3F8F]  }
0x28: {  	s2 =	sld [smem:$0x3F90]  }
0x29: {  	s4 =	sld [smem:$0x3F92]  }
0x2a: {  	p0 =	seq.s32 s5, $0x0;
	s5 =	sld [smem:$0x3F93]  }
0x2b: {  	s6 =	sld [smem:$0x3F94]  }
0x2c: {  	s7 =	sld [smem:$0x3F95]  }
0x2d: {  	s3 =	simm.s32 $0x108;
	s8 =	sld [smem:$0x3F96]  }
0x2e: {  	s3 =	simm.s32 @!p0 $0x1082;
	s9 =	sld [smem:$0x3F97]  }
0x2f: {  	lr =	sadd.s32 s0, s3;
	s0 =	sld [smem:$0x3F8E]  }
0x30: {  	s3 =	sld [smem:$0x3F91]  }
0x31: {  	[smem:$0x3F9A] =	sst s10  }
0x32: {  	s10 =	sld [smem:$0x3F98];
	_ =	sdelay $0x3  }
0x33: {  	p0 =	seq.s32 s10, $0x1;
	s10 =	sld [smem:$0x3F9A];
	_ =	sdelay $0x3  }
0x34: {  	[smem:$0x3F9A] =	sst s10  }
0x35: {  	s10 =	sld [smem:$0x3F99];
	_ =	sdelay $0x3  }
0x36: {  	p1 =	seq.s32 s10, $0x1;
	s10 =	sld [smem:$0x3F9A];
	_ =	sdelay $0x3  }
0x37: {  	[smem:$0x3F9A] =	sst s10  }
0x38: {  	s10 =	sld [smem:$0x3F9B]  }
0x39: {  	_ = 	snop;
	(pc) =	sbr.ind lr, $3  }
0x3a: {  	_ = 	snop  }
0x3b: {  	_ = 	snop  }
0x3c: {  	p2 =	seq.s32 s10, $0x1;
	s10 =	sld [smem:$0x3F9A]  }
0x3d: {  	_ =	shalt  }
0x3e: {  	_ =	shalt  }
0x3f: {  	_ =	shalt  }
0x40: {  	_ =	shalt  }
0x41: {  	_ =	shalt  }
0x42: {  	_ =	shalt  }
0x43: {  	_ =	shalt  }
0x44: {  	_ =	shalt  }
0x45: {  	_ =	shalt  }
0x46: {  	_ =	shalt  }
0x47: {  	_ =	shalt  }
0x48: {  	_ =	shalt  }
0x49: {  	_ =	shalt  }
0x4a: {  	_ =	shalt  }
0x4b: {  	_ =	shalt  }
0x4c: {  	_ =	shalt  }
0x4d: {  	_ =	shalt  }
0x4e: {  	_ =	shalt  }
0x4f: {  	_ =	shalt  }
0x50: {  	_ =	shalt  }
0x51: {  	_ =	shalt  }
0x52: {  	_ =	shalt  }
0x53: {  	_ =	shalt  }
0x54: {  	_ =	shalt  }
0x55: {  	_ =	shalt  }
0x56: {  	_ =	shalt  }
0x57: {  	_ =	shalt  }
0x58: {  	_ =	shalt  }
0x59: {  	_ =	shalt  }
0x5a: {  	_ =	shalt  }
0x5b: {  	_ =	shalt  }
0x5c: {  	_ =	shalt  }
0x5d: {  	_ =	shalt  }
0x5e: {  	_ =	shalt  }
0x5f: {  	_ =	shalt  }
0x60: {  	_ =	shalt  }
0x61: {  	_ =	shalt  }
0x62: {  	_ =	shalt  }
0x63: {  	_ =	shalt  }
0x64: {  	_ =	shalt  }
0x65: {  	_ =	shalt  }
0x66: {  	_ =	shalt  }
0x67: {  	_ =	shalt  }
0x68: {  	_ =	shalt  }
0x69: {  	_ =	shalt  }
0x6a: {  	_ =	shalt  }
0x6b: {  	_ =	shalt  }
0x6c: {  	_ =	shalt  }
0x6d: {  	_ =	shalt  }
0x6e: {  	_ =	shalt  }
0x6f: {  	_ =	shalt  }
0x70: {  	_ =	shalt  }
0x71: {  	_ =	shalt  }
0x72: {  	_ =	shalt  }
0x73: {  	_ =	shalt  }
0x74: {  	_ =	shalt  }
0x75: {  	_ =	shalt  }
0x76: {  	_ =	shalt  }
0x77: {  	_ =	shalt  }
0x78: {  	_ =	shalt  }
0x79: {  	_ =	shalt  }
0x7a: {  	_ =	shalt  }
0x7b: {  	_ =	shalt  }
0x7c: {  	_ =	shalt  }
0x7d: {  	_ =	shalt  }
0x7e: {  	_ =	shalt  }
0x7f: {  	_ =	shalt  }
0x80: {  	_ =	shalt  }
0x81: {  	_ =	shalt  }
0x82: {  	_ =	shalt  }
0x83: {  	_ =	shalt  }
0x84: {  	_ =	shalt  }
0x85: {  	_ =	shalt  }
0x86: {  	_ =	shalt  }
0x87: {  	_ =	shalt  }
.Lfunc_end0:
.L_simem_size_0:
called_computation.4_lowered:
.L_overlay_start_0:
0x88: {  	s2 =	sld [smem:$0x3FD9]  }
0x89: {  	s3 =	sld [smem:$0x3FFE];
	_ =	sdelay $0x1  }
0x8a: {  	s1 =	srdreg.scid  }
0x8b: {  	s0 =	sand.u32 $0x1, s1  }
0x8c: {  	s16 =	sshll.u32 s0, $0xA;
	s2 =	sadd.s32 s3, s2  }
0x8d: {  	s2 =	sadd.s32 s2, s16  }
0x8e: {  	[smem:$0x3FA6] =	sst s2  }
0x8f: {  	_ = 	snop  }
0x90: {  	(tm) =	ssettm $0x1  }
0x91: {  	s17 =	sld [smem:$0x3FFB];
	_ =	sdelay $0x3  }
0x92: {  	_ =	strace s17  }
0x93: {  	s2 =	sld [smem:$0x3FFC];
	_ =	sdelay $0x3  }
0x94: {  	_ =	strace s2  }
0x95: {  	s2 =	sld [smem:$0x3FFD];
	_ =	sdelay $0x3  }
0x96: {  	_ =	strace s2  }
0x97: {  	_ =	strace $0x8FFFFFFF  }
0x98: {  	s18 =	sld [smem:$0x3FDB];
	_ =	sdelay $0x1  }
0x99: {  	s19 =	simm.s32 $_scs_section_size  }
0x9a: {  	s4 =	simm.s32 $_size__tile_overlayer_lowered;
	s5 =	simm.s32 $_tile_overlayer_lowered  }
0x9b: {  	s22 =	simm.s32 $0x1BFF;
	s21 =	sshll.u32 s5, $0x1;
	s2 =	sadd.s32 s19, s18  }
0x9c: {  	s6 =	simm.s32 $0x0;
	s20 =	sshll.u32 s4, $0x1;
	s4 =	sadd.s32 s21, s2  }
0x9d: {  	[timem:s6], [sflag:s22] =	dma.local [hbm:s4], s20  }
0x9e: {  	_ =	swait.ge [sflag:s22], s20  }
0x9f: {  	s3 =	ssub.s32 $0x0, s20;
	[sflag:s22] =	ssyncset.done $0x0  }
0xa0: {  	[sflag:s22] =	ssyncadd.s32 s3;
	_ =	sdelay $0x1  }
0xa1: {  	s23 =	simm.s32 $0x1B8B  }
0xa2: {  	_ =	swait.ge [sflag:s23], $0x1  }
0xa3: {  	[sflag:s23] =	ssyncset.done $0x0  }
0xa4: {  	s25 =	simm.s32 $0x1B8E;
	s24 =	sld [smem:$0x3FFE];
	[sflag:s23] =	ssyncadd.s32 $0xFFFFFFFF  }
0xa5: {  	s26 =	simm.s32 $execute0_lowered;
	[smem:$0x3FD2] =	sst s25  }
0xa6: {  	s4 =	sshll.u32 s26, $0x1;
	_ =	strace $0x80000052;
	[dreg:$0x1] =	wrdreg $0xFFFFFFFF  }
0xa7: {  	s28 =	simm.s32 $_size_execute0_lowered;
	s2 =	sadd.s32 s2, s4;
	[dreg:$0x0] =	wrdreg $0x0  }
0xa8: {  	s4 =	sshll.u32 s28, $0x1;
	[dreg:$0x2] =	wrdreg s2  }
0xa9: {  	[dreg:$0x3] =	wrdreg s4  }
0xaa: {  	[dreg:$0x4] =	wrdreg $0xC0  }
0xab: {  	_ =	task [dreg:s6], $0x5FFFF  }
0xac: {  	[dreg:$0x1] =	wrdreg $0xFFFFFFFF  }
0xad: {  	[dreg:$0x0] =	wrdreg $0x60  }
0xae: {  	[dreg:$0x2] =	wrdreg s24  }
0xaf: {  	[dreg:$0x3] =	wrdreg $0x90000  }
0xb0: {  	[dreg:$0x4] =	wrdreg $0x9  }
0xb1: {  	_ =	task.clear_ibuf [dreg:s6], $0x5FFFF;
	_ =	strace $0x90000052  }
0xb2: {  	s29 =	simm.s32 $0x9;
	_ =	strace $0x80000054  }
0xb3: {  	_ =	swait.ge [sflag:s29], $0x1  }
0xb4: {  	[sflag:s29] =	ssyncadd.s32 $0xFFFFFFFF  }
0xb5: {  	_ =	strace $0x90000054  }
0xb6: {  	_ =	sfence  }
0xb7: {  	s30 =	sld [smem:$0x0];
	_ =	sdelay $0x2  }
0xb8: {  	s31 =	sshll.u32 s1, $0xD;
	s1 =	sshrl.u32 s1, $0x2  }
0xb9: {  	s3 =	sand.u32 $0x4000, s31;
	s1 =	sadd.s32 s1, s30  }
0xba: {  	s0 =	sor.u32 s3, s0;
	s1 =	sshll.u32 s1, $0x11  }
0xbb: {  	s0 =	sor.u32 s1, s0  }
0xbc: {  	s0 =	sadd.s32 $0x8F2B, s0  }
0xbd: {  	[sflag:s0] =	ssyncadd.remote.s32 $0x1  }
0xbe: {  	_ =	sfence.sel $0xFFFF  }
0xbf: {  	[dreg:$0x0] =	wrdreg $0xFFFFFFFF;
	(pc) =	sbr.abs _section_cstart, $3  }
0xc0: {  	[dreg:$0x1] =	wrdreg $0xFFFFFFFF  }
0xc1: {  	_ =	task.clear_ibuf [dreg:s6], $0x2FFFF;
	_ =	strace $0x9FFFFFFF  }
0xc2: {  	(tm) =	ssettm $0x7FFFFFFF  }
0xc3: {  	_ =	shalt  }
tec
execute0_lowered:
.L_overlay_start_1:
0x0: {  	(tag) =	ssettag $0x1  }
0x1: {  	s6 =	rddreg [dreg:$0x0]  }
0x2: {  	s1 =	srdreg.scid;
	s0 =	stileid.u32  }
0x3: {  	s2 =	rddreg [dreg:$0x1];
	s3 =	simm.s32 $0x0;
	s15 =	simm.s32 $0x80  }
0x4: {  	s16 =	simm.s32 $0x5000;
	s19 =	simm.s32 $0x0;
	s5 =	smul.u32 $0x2800, s0  }
0x5: {  	s7 =	sand.u32 $0x1, s1;
	s1 =	rddreg [dreg:$0x2];
	s10 =	smul.u32 $0x4F000, s0  }
0x6: {  	[smem:$0x7FF] =	sst s3;
	s13 =	sadd.s32 $0x66600, s6;
	s14 =	smul.u32 $0x13C00, s0  }
0x7: {  	s17 =	sadd.s32 $0x128400, s2;
	s31 =	sshll.u32 s0, $0x6;
	p0 =	seq.s32 s0, $0xF  }
0x8: {  	s4 =	smul.u32 $0x28000, s7;
	_ =	strace $0x80000053;
	s11 =	ssub.s32 $0x2, s7  }
0x9: {  	s12 =	smul.u32 $0x138800, s7;
	s17 =	sshrl.u32 @p0 s17, $0x3;
	s24 =	sshrl.u32 s11, $0x1  }
0xa: {  	s25 =	sshrl.u32 s10, $0x2;
	s8 =	sadd.s32 s5, s4;
	s4 =	sadd.s32 $0xBC00, s6  }
0xb: {  	s5 =	sshrl.u32 s5, $0x3;
	s11 =	ssub.s32 s11, s24;
	s26 =	sadd.s32 s14, s12  }
0xc: {  	s28 =	sshrl.u32 s12, $0x3;
	s18 =	sadd.s32 s25, s2;
	s12 =	simm.s32 $0x2800  }
0xd: {  	s8 =	sshrl.u32 s8, $0x3;
	s9 =	sadd.s32 s5, s6;
	s5 =	sadd.s32 $0x63E00, s6  }
0xe: {  	s29 =	sshrl.u32 s26, $0x3;
	s30 =	sadd.s32 s13, s28;
	s10 =	smax.u32 s11, $0x1  }
0xf: {  	s11 =	simm.s32 $0x1;
	s14 =	sshrl.u32 s18, $0x3;
	s18 =	sshrl.u32 @!p0 s18, $0x3  }
0x10: {  	s8 =	sadd.s32 s8, s6;
	s7 =	sadd.s32 $0x6C00, s9;
	s9 =	sadd.s32 $0x25080, s30  }
0x11: {  	s6 =	sadd.s32 $0x59E00, s8;
	s8 =	sadd.s32 s13, s29;
	s13 =	sor.u32 $0x1C01, s31  }
.LBB2_1:
0x12: {  	[tilespmem:s3], [sflag:$0x1] =	stream.linear.gather [hbm4b:s6+s3], $0x2780, $0x38;
	[tilespmem:$0x1CC00] =	vst v63  }
0x13: {  	_ =	swait.ge [sflag:s11], $0x2780  }
0x14: {  	[sflag:s11] =	ssyncset.done $0x0  }
0x15: {  	[sflag:s11] =	ssyncadd.s32 $0xFFFFD880  }
0x16: {  	[tilespmem:s12], [sflag:$0x1] =	stream.linear.gather [hbm4b:s7+s3], $0x2780, $0x38;
	[tilespmem:$0x1CC00] =	vst v63  }
0x17: {  	_ =	swait.ge [sflag:s11], $0x2780  }
0x18: {  	[sflag:s11] =	ssyncset.done $0x0  }
0x19: {  	[sflag:s11] =	ssyncadd.s32 $0xFFFFD880  }
0x1a: {  	[spmem:s14], [sflag:s13] =	dma.local [hbm:s5], $0x2780  }
0x1b: {  	_ =	swait.ge [sflag:s11], $0x2780  }
0x1c: {  	[sflag:s11] =	ssyncset.done $0x0  }
0x1d: {  	[sflag:s11] =	ssyncadd.s32 $0xFFFFD880  }
0x1e: {  	s20 =	simm.s32 $0x0;
	[bflag:$0x0] =	sbarrier.arrive $0xFFFF  }
0x1f: {  	[tilespmem:s16], [sflag:$0x1] =	stream.indirect.gather [hbm4b:s4+s15], $0x80, s20, s15, $0xb8;
	[tilespmem:$0x1CC00] =	vst v63  }
0x20: {  	_ =	swait.ge [sflag:s11], $0x4000  }
0x21: {  	[sflag:s11] =	ssyncset.done $0x0  }
0x22: {  	s31 =	simm.s32 $0x2800;
	[sflag:s11] =	ssyncadd.s32 $0xFFFFC000  }
0x23: {  	[spmem:s2] =	stream.indirect.scatter.add.f32 [tilespmem:s16], [sflag:$0x1], $0x80, s31, s15, $0xb8;
	[tilespmem:$0x1CC00] =	vst v63  }
0x24: {  	_ =	swait.ge [sflag:s11], $0x4000  }
0x25: {  	s21 =	simm.s32 $0x400;
	s20 =	simm.s32 $0x200;
	[sflag:s11] =	ssyncset.done $0x0  }
.LBB2_2:
0x26: {  	s22 =	sshra.s32 s20, $0x2  }
0x27: {  	[sflag:s11] =	ssyncadd.s32 $0xFFFFC000;
	s20 =	smov.u32 s21;
	s23 =	sadd.s32 $0x200, s21  }
0x28: {  	[tilespmem:s16], [sflag:$0x1] =	stream.indirect.gather [hbm4b:s4+s15], $0x80, s22, s15, $0xb8;
	[tilespmem:$0x1CC00] =	vst v63  }
0x29: {  	p1 =	sne.s32 s21, $0x9C00;
	_ =	swait.ge [sflag:s11], $0x4000  }
.Ltmp0:
0x2a: {  	[sflag:s11] =	ssyncset.done $0x0;
	(pc) =	sbr.rel @p1 .LBB2_2-.Ltmp0, $4  }
0x2b: {  	s21 =	sadd.s32 $0x2800, s22;
	[sflag:s11] =	ssyncadd.s32 $0xFFFFC000  }
0x2c: {  	[spmem:s2] =	stream.indirect.scatter.add.f32 [tilespmem:s16], [sflag:$0x1], $0x80, s21, s15, $0xb8;
	[tilespmem:$0x1CC00] =	vst v63  }
0x2d: {  	_ =	swait.ge [sflag:s11], $0x4000  }
0x2e: {  	s21 =	smov.u32 s23;
	[sflag:s11] =	ssyncset.done $0x0  }
0x2f: {  	s20 =	sshra.s32 s20, $0x2;
	[sflag:s11] =	ssyncadd.s32 $0xFFFFC000  }
0x30: {  	[tilespmem:s16], [sflag:$0x1] =	stream.indirect.gather [hbm4b:s4+s15], $0x80, s20, s15, $0xb8;
	[tilespmem:$0x1CC00] =	vst v63  }
0x31: {  	_ =	swait.ge [sflag:s11], $0x4000  }
0x32: {  	[sflag:s11] =	ssyncset.done $0x0  }
0x33: {  	s20 =	sadd.s32 $0x2800, s20;
	[sflag:s11] =	ssyncadd.s32 $0xFFFFC000  }
0x34: {  	[spmem:s2] =	stream.indirect.scatter.add.f32 [tilespmem:s16], [sflag:$0x1], $0x80, s20, s15, $0xb8;
	[tilespmem:$0x1CC00] =	vst v63  }
0x35: {  	_ =	swait.ge [sflag:s11], $0x4000  }
0x36: {  	[sflag:s11] =	ssyncset.done $0x0  }
0x37: {  	[sflag:s11] =	ssyncadd.s32 $0xFFFFC000  }
0x38: {  	s20 =	simm.s32 @p0 $0x1;
	[bflag:$0x0] =	sbarrier.arrive $0xFFFF  }
0x39: {  	[hbm:s9], [sflag:s13] =	dma.local @p0 [spmem:s17], $0x2080  }
0x3a: {  	s19 =	sadd.s32 $0x1, s19;
	_ =	swait.ge @p0 [sflag:s20], $0x2080  }
0x3b: {  	p1 =	sne.s32 s19, s10;
	[sflag:s20] =	ssyncset.done @p0 $0x0  }
.Ltmp1:
0x3c: {  	[sflag:s20] =	ssyncadd.s32 @p0 $0xFFFFDF80;
	s20 =	simm.s32 @!p0 $0x1;
	(pc) =	sbr.rel @p1 .LBB2_1-.Ltmp1, $4  }
0x3d: {  	[hbm:s8], [sflag:s13] =	dma.local @!p0 [spmem:s18], $0x2780  }
0x3e: {  	_ =	swait.ge @!p0 [sflag:s20], $0x2780  }
0x3f: {  	[sflag:s20] =	ssyncset.done @!p0 $0x0  }
0x40: {  	[sflag:s20] =	ssyncadd.s32 @!p0 $0xFFFFD880  }
0x41: {  	_ =	sfence.sel $0x180000  }
0x42: {  	[bflag:$0x0] =	sbarrier.arrive $0xFFFF  }
0x43: {  	p0 =	sne.s32 s0, $0x0;
	_ =	strace $0x90000053  }
0x44: {  	s0 =	sadd.s32 @!p0 $0x100000, s1;
	[bflag:$0x2] =	sbarrier.arrive $0xFFFF  }
0x45: {  	[sflag:s0] =	ssyncadd.tile.s32 @!p0 $0x1;
	_ =	shalt  }
.Lfunc_end2:
_tile_overlayer_lowered:
.L_overlay_start_2:
0x46: {  	(tag) =	ssettag $0x2  }
0x47: {  	s0 =	rddreg [dreg:$0x0];
	s2 =	stileid.u32  }
0x48: {  	s1 =	rddreg [dreg:$0x1];
	p0 =	sne.s32 s2, $0x0  }
0x49: {  	s3 =	rddreg [dreg:$0x2];
	[bflag:$0x3] =	sbarrier.arrive $0xFFFF;
	s2 =	simm.s32 @!p0 $0x1C01  }
0x4a: {  	[timem:s3], [sflag:s2] =	dma.local @!p0 [hbm:s0], s1  }
0x4b: {  	s0 =	simm.s32 @!p0 $0x1  }
0x4c: {  	_ =	swait.ge @!p0 [sflag:s0], s1  }
0x4d: {  	s1 =	ssub.s32 @!p0 $0x0, s1;
	[sflag:s0] =	ssyncset.done @!p0 $0x0  }
0x4e: {  	[sflag:s0] =	ssyncadd.s32 @!p0 s1  }
0x4f: {  	[bflag:$0x3] =	sbarrier.arrive $0xFFFF  }
0x50: {  	_ =	shalt  }

</sc_bundles>
